<compile_context>
chip_gen: v7x
topology: tpu7x:2x2x1
jax: 0.10.2.dev20260603
libtpu: 0.0.44.dev20260713+nightly
codegen_flags: <defaults>
</compile_context>

<pallas_src>
import functools

import jax
import jax.numpy as jnp
from jax import lax
from jax.experimental import pallas as pl
from jax.experimental.pallas import tpu as pltpu
from jax.experimental.pallas import tpu_sc as plsc

K, D, N, M = 16, 256, 8192, 256
L = 16
NW = 32
D_PER_W = D * K // NW
GROUPS = N // L
UNROLL = 2
R = 4
QUADS = D_PER_W // R
HALF = QUADS // 2


def _sc_body(feat_hbm, label_hbm, clab_hbm, outf_hbm, outs_hbm,
             idx_v, lab_v, buf_a, buf_b, cnt_v, lsum_v, scale_v,
             acc0_v, acc1_v, acc2_v, acc3_v, obuf_a, obuf_b,
             sem_a, sem_b, osem_a, osem_b, ssem):
    wid = lax.axis_index("s") * 2 + lax.axis_index("c")
    k = wid // 2
    dbase = (wid % 2) * D_PER_W

    ones = jnp.ones((L,), jnp.float32)
    zeros = jnp.zeros((L,), jnp.float32)

    cp_idx = pltpu.async_copy(clab_hbm.at[k], idx_v, ssem)
    cp_lab = pltpu.async_copy(label_hbm.at[k], lab_v, ssem)
    pltpu.async_copy(feat_hbm.at[k, pl.ds(dbase, R)], buf_a, sem_a)
    cp_idx.wait()
    cp_lab.wait()

    for j in range(M // L):
        cnt_v[pl.ds(j * L, L)] = zeros
        lsum_v[pl.ds(j * L, L)] = zeros

    @plsc.parallel_loop(0, GROUPS, 1, unroll=UNROLL)
    def _hist(i):
        sl = pl.ds(i * L, L)
        iv = idx_v[sl]
        plsc.addupdate_scatter(cnt_v, [iv], ones)
        plsc.addupdate_scatter(lsum_v, [iv], lab_v[sl])

    for j in range(M // L):
        sl = pl.ds(j * L, L)
        size = cnt_v[sl]
        denom = jnp.maximum(size, 1.0)
        mean_lab = lsum_v[sl] / denom
        mask = jnp.where(mean_lab > 0.5, 1.0, 0.0).astype(jnp.float32)
        scale_v[sl] = mask / denom
        obuf_a[0, sl] = size * mask

    @pl.when(dbase == 0)
    def _():
        pltpu.sync_copy(obuf_a.at[0], outs_hbm.at[k])

    def process(buf, obuf, osem, d, first):
        accs = (acc0_v, acc1_v, acc2_v, acc3_v)
        for acc in accs:
            for j in range(M // L):
                acc[pl.ds(j * L, L)] = zeros

        @plsc.parallel_loop(0, GROUPS, 1, unroll=UNROLL)
        def _seg(i):
            sl = pl.ds(i * L, L)
            iv = idx_v[sl]
            for r in range(R):
                plsc.addupdate_scatter(accs[r], [iv], buf[r, sl])

        @pl.when(jnp.logical_not(first))
        def _():
            pltpu.make_async_copy(obuf, outf_hbm.at[k, pl.ds(d, R)], osem).wait()

        for r in range(R):
            for j in range(M // L):
                sl = pl.ds(j * L, L)
                obuf[r, sl] = accs[r][sl] * scale_v[sl]
        pltpu.async_copy(obuf, outf_hbm.at[k, pl.ds(d, R)], osem)

    def quad_step(j, _):
        d0 = dbase + 2 * R * j
        d1 = d0 + R
        pltpu.make_async_copy(feat_hbm.at[k, pl.ds(d0, R)], buf_a, sem_a).wait()
        pltpu.async_copy(feat_hbm.at[k, pl.ds(d1, R)], buf_b, sem_b)
        process(buf_a, obuf_a, osem_a, d0, j == 0)
        pltpu.make_async_copy(feat_hbm.at[k, pl.ds(d1, R)], buf_b, sem_b).wait()

        @pl.when(j < HALF - 1)
        def _():
            pltpu.async_copy(feat_hbm.at[k, pl.ds(d1 + R, R)], buf_a, sem_a)

        process(buf_b, obuf_b, osem_b, d1, j == 0)
        return 0

    lax.fori_loop(0, HALF, quad_step, 0)

    dlast = dbase + D_PER_W - R
    pltpu.make_async_copy(obuf_a, outf_hbm.at[k, pl.ds(dlast, R)], osem_a).wait()
    pltpu.make_async_copy(obuf_b, outf_hbm.at[k, pl.ds(dlast, R)], osem_b).wait()


@jax.jit
def kernel(feat, label, cluster_label):
    mesh = plsc.VectorSubcoreMesh(core_axis_name="c", subcore_axis_name="s")
    fn = functools.partial(
        pl.kernel,
        out_type=[
            jax.ShapeDtypeStruct((K, D, M), jnp.float32),
            jax.ShapeDtypeStruct((K, M), jnp.float32),
        ],
        mesh=mesh,
        compiler_params=pltpu.CompilerParams(
            needs_layout_passes=False,
            disable_bounds_checks=True,
        ),
        scratch_types=[
            pltpu.VMEM((N,), jnp.int32),
            pltpu.VMEM((N,), jnp.float32),
            pltpu.VMEM((R, N), jnp.float32),
            pltpu.VMEM((R, N), jnp.float32),
            pltpu.VMEM((M,), jnp.float32),
            pltpu.VMEM((M,), jnp.float32),
            pltpu.VMEM((M,), jnp.float32),
            pltpu.VMEM((M,), jnp.float32),
            pltpu.VMEM((M,), jnp.float32),
            pltpu.VMEM((M,), jnp.float32),
            pltpu.VMEM((M,), jnp.float32),
            pltpu.VMEM((R, M), jnp.float32),
            pltpu.VMEM((R, M), jnp.float32),
            pltpu.SemaphoreType.DMA,
            pltpu.SemaphoreType.DMA,
            pltpu.SemaphoreType.DMA,
            pltpu.SemaphoreType.DMA,
            pltpu.SemaphoreType.DMA,
        ],
    )(_sc_body)
    outf, outs = fn(feat, label, cluster_label)
    return outf, outs

# --- scband reference (transcript-rebuilt; emitter-appended) ---
"""Pipeline reference for scband-proto-net-53206054863437 (READ-ONLY COPY).

The authoritative reference and input builder live on the scoring server;
editing this copy changes nothing except your own understanding.
"""

import jax, jax.numpy as jnp
import numpy as np

K, D, N, M = 16, 256, 8192, 256

def setup_inputs(seed: int = 0) -> dict:
    key = jax.random.key(seed)
    k1, k2, k3 = jax.random.split(key, 3)
    feat = jax.random.normal(k1, (K, D, N), dtype=jnp.float32)
    # binary point-level labels (original code uses 0/1 float labels)
    label = (jax.random.uniform(k2, (K, N), dtype=jnp.float32) > 0.5).astype(jnp.float32)
    cluster_label = jax.random.randint(k3, (K, N), 0, M, dtype=jnp.int32)
    return {"feat": feat, "label": label, "cluster_label": cluster_label}


def reference(feat, label, cluster_label):
    # Faithful fixed-shape version of ProtoNet.aggregate_cluster_one_class:
    # per support cloud i:
    #   cluster_size = scatter_add(ones, cluster_label)
    #   cluster_feat = scatter_mean(feat, cluster_label, dim=1)
    #   cluster_lab  = scatter_mean(label, cluster_label) thresholded at 0.5
    #   keep clusters whose majority label is the class (mask instead of gather
    #   to preserve static shapes; empty clusters have mean label 0 -> dropped)
    Kk, Dd, Nn = feat.shape
    Mm = M
    seg = (cluster_label.astype(jnp.int32) + jnp.arange(Kk, dtype=jnp.int32)[:, None] * Mm).reshape(-1)
    ones = jnp.ones((Kk * Nn,), dtype=jnp.float32)
    size = jax.ops.segment_sum(ones, seg, num_segments=Kk * Mm).reshape(Kk, Mm)
    feat_t = jnp.transpose(feat, (0, 2, 1)).reshape(Kk * Nn, Dd)
    seg_feat = jax.ops.segment_sum(feat_t, seg, num_segments=Kk * Mm).reshape(Kk, Mm, Dd)
    denom = jnp.clip(size, 1.0, None)
    cluster_feat = seg_feat / denom[:, :, None]
    mean_label = jax.ops.segment_sum(label.reshape(-1), seg, num_segments=Kk * Mm).reshape(Kk, Mm) / denom
    cls_mask = (mean_label > 0.5).astype(jnp.float32)
    cls_cluster_feat = jnp.transpose(cluster_feat, (0, 2, 1)) * cls_mask[:, None, :]  # (K, d, M)
    cls_cluster_size = size * cls_mask  # (K, M)
    return cls_cluster_feat, cls_cluster_size

if __name__ == "__main__":
    import jax
    _d = setup_inputs()
    print(jax.jit(kernel)(*tuple(_d.values())))

</pallas_src>

<mosaic_0001>
#map = affine_map<(d0, d1) -> (0, 0, 0)>
#map1 = affine_map<(d0, d1) -> (0, 0)>
module attributes {stable_mosaic.version = 14 : i64} {
  func.func @_sc_body(%arg0: i32, %arg1: i32, %arg2: memref<16x256x8192xf32, #tpu.memory_space<hbm>>, %arg3: memref<16x8192xf32, #tpu.memory_space<hbm>>, %arg4: memref<16x8192xi32, #tpu.memory_space<hbm>>, %arg5: memref<16x256x256xf32, #tpu.memory_space<hbm>>, %arg6: memref<16x256xf32, #tpu.memory_space<hbm>>, %arg7: memref<8192xi32, #tpu.memory_space<vmem>>, %arg8: memref<8192xf32, #tpu.memory_space<vmem>>, %arg9: memref<4x8192xf32, #tpu.memory_space<vmem>>, %arg10: memref<4x8192xf32, #tpu.memory_space<vmem>>, %arg11: memref<256xf32, #tpu.memory_space<vmem>>, %arg12: memref<256xf32, #tpu.memory_space<vmem>>, %arg13: memref<256xf32, #tpu.memory_space<vmem>>, %arg14: memref<256xf32, #tpu.memory_space<vmem>>, %arg15: memref<256xf32, #tpu.memory_space<vmem>>, %arg16: memref<256xf32, #tpu.memory_space<vmem>>, %arg17: memref<256xf32, #tpu.memory_space<vmem>>, %arg18: memref<4x256xf32, #tpu.memory_space<vmem>>, %arg19: memref<4x256xf32, #tpu.memory_space<vmem>>, %arg20: memref<!tpu.dma_semaphore, #tpu.memory_space<semaphore_mem>>, %arg21: memref<!tpu.dma_semaphore, #tpu.memory_space<semaphore_mem>>, %arg22: memref<!tpu.dma_semaphore, #tpu.memory_space<semaphore_mem>>, %arg23: memref<!tpu.dma_semaphore, #tpu.memory_space<semaphore_mem>>, %arg24: memref<!tpu.dma_semaphore, #tpu.memory_space<semaphore_mem>>) attributes {dimension_semantics = [#tpu.dimension_semantics<core_parallel>, #tpu.dimension_semantics<subcore_parallel>], iteration_bounds = array<i64: 2, 16>, scalar_prefetch = 0 : i64, scratch_operands = 18 : i64, tpu.core_type = #tpu.core_type<sc_vector_subcore>, window_params = [{transform_indices = #map}, {transform_indices = #map1}, {transform_indices = #map1}, {transform_indices = #map}, {transform_indices = #map1}]} {
    %mul3A = arith.constant 2 : i32
    %mul3A_0 = arith.muli %arg1, %mul3A : i32
    %add3A = arith.addi %mul3A_0, %arg0 : i32
    %jit3A = arith.constant 2 : i32
    %div3A = arith.divsi %add3A, %jit3A : i32
    %sign3A = arith.constant 0 : i32
    %sign3A_1 = arith.cmpi sgt, %add3A, %sign3A : i32
    %sign3A_2 = arith.extui %sign3A_1 : i1 to i32
    %sign3A_3 = arith.constant 0 : i32
    %sign3A_4 = arith.cmpi slt, %add3A, %sign3A_3 : i32
    %sign3A_5 = arith.extui %sign3A_4 : i1 to i32
    %sign3A_6 = arith.subi %sign3A_2, %sign3A_5 : i32
    %sign3A_7 = arith.constant 0 : i32
    %sign3A_8 = arith.cmpi sgt, %jit3A, %sign3A_7 : i32
    %sign3A_9 = arith.extui %sign3A_8 : i1 to i32
    %sign3A_10 = arith.constant 0 : i32
    %sign3A_11 = arith.cmpi slt, %jit3A, %sign3A_10 : i32
    %sign3A_12 = arith.extui %sign3A_11 : i1 to i32
    %sign3A_13 = arith.subi %sign3A_9, %sign3A_12 : i32
    %ne3A = arith.cmpi ne, %sign3A_6, %sign3A_13 : i32
    %rem3A = arith.remsi %add3A, %jit3A : i32
    %ne3A_14 = arith.constant 0 : i32
    %ne3A_15 = arith.cmpi ne, %rem3A, %ne3A_14 : i32
    %and3A = arith.andi %ne3A, %ne3A_15 : i1
    %sub3A = arith.constant 1 : i32
    %sub3A_16 = arith.subi %div3A, %sub3A : i32
    %select_n3A = arith.select %and3A, %sub3A_16, %div3A : i32
    %jit3A_17 = arith.constant 2 : i32
    %eq3A = arith.constant 0 : i32
    %eq3A_18 = arith.cmpi eq, %jit3A_17, %eq3A : i32
    %jit3A_19 = arith.constant 1 : i32
    %select_n3A_20 = arith.select %eq3A_18, %jit3A_19, %jit3A_17 : i32
    %rem3A_21 = arith.remsi %add3A, %select_n3A_20 : i32
    %ne3A_22 = arith.constant 0 : i32
    %ne3A_23 = arith.cmpi ne, %rem3A_21, %ne3A_22 : i32
    %lt3A = arith.constant 0 : i32
    %lt3A_24 = arith.cmpi slt, %rem3A_21, %lt3A : i32
    %lt3A_25 = arith.constant 0 : i32
    %lt3A_26 = arith.cmpi slt, %select_n3A_20, %lt3A_25 : i32
    %ne3A_27 = arith.xori %lt3A_24, %lt3A_26 : i1
    %and3A_28 = arith.andi %ne3A_27, %ne3A_23 : i1
    %add3A_29 = arith.addi %rem3A_21, %select_n3A_20 : i32
    %select_n3A_30 = arith.select %and3A_28, %add3A_29, %rem3A_21 : i32
    %mul3A_31 = arith.constant 128 : i32
    %mul3A_32 = arith.muli %select_n3A_30, %mul3A_31 : i32
    %broadcast_in_dim3A = arith.constant 1.000000e+00 : f32
    %broadcast_in_dim3A_33 = vector.broadcast %broadcast_in_dim3A : f32 to vector<16xf32>
    %broadcast_in_dim3A_34 = arith.constant 0.000000e+00 : f32
    %broadcast_in_dim3A_35 = vector.broadcast %broadcast_in_dim3A_34 : f32 to vector<16xf32>
    %dma_start3A = arith.constant 0 : i32
    %dma_start3A_36 = tpu.memref_slice %arg4[%select_n3A, %dma_start3A] : memref<16x8192xi32, #tpu.memory_space<hbm>> -> memref<1x8192xi32, #tpu.memory_space<hbm>>
    %dma_start3A_37 = tpu.memref_squeeze %dma_start3A_36 : memref<1x8192xi32, #tpu.memory_space<hbm>> -> memref<8192xi32, #tpu.memory_space<hbm>>
    %dma_start3A_38 = arith.constant 0 : i32
    %dma_start3A_39 = tpu.memref_slice %arg4[%select_n3A, %dma_start3A_38] : memref<16x8192xi32, #tpu.memory_space<hbm>> -> memref<1x8192xi32, #tpu.memory_space<hbm>>
    %dma_start3A_40 = tpu.memref_squeeze %dma_start3A_39 : memref<1x8192xi32, #tpu.memory_space<hbm>> -> memref<8192xi32, #tpu.memory_space<hbm>>
    tpu.enqueue_dma source(%dma_start3A_40 : memref<8192xi32, #tpu.memory_space<hbm>>) target(%arg7 : memref<8192xi32, #tpu.memory_space<vmem>>) target_semaphore(%arg24 : memref<!tpu.dma_semaphore, #tpu.memory_space<semaphore_mem>>)
    %dma_start3A_41 = arith.constant 0 : i32
    %dma_start3A_42 = tpu.memref_slice %arg3[%select_n3A, %dma_start3A_41] : memref<16x8192xf32, #tpu.memory_space<hbm>> -> memref<1x8192xf32, #tpu.memory_space<hbm>>
    %dma_start3A_43 = tpu.memref_squeeze %dma_start3A_42 : memref<1x8192xf32, #tpu.memory_space<hbm>> -> memref<8192xf32, #tpu.memory_space<hbm>>
    %dma_start3A_44 = arith.constant 0 : i32
    %dma_start3A_45 = tpu.memref_slice %arg3[%select_n3A, %dma_start3A_44] : memref<16x8192xf32, #tpu.memory_space<hbm>> -> memref<1x8192xf32, #tpu.memory_space<hbm>>
    %dma_start3A_46 = tpu.memref_squeeze %dma_start3A_45 : memref<1x8192xf32, #tpu.memory_space<hbm>> -> memref<8192xf32, #tpu.memory_space<hbm>>
    tpu.enqueue_dma source(%dma_start3A_46 : memref<8192xf32, #tpu.memory_space<hbm>>) target(%arg8 : memref<8192xf32, #tpu.memory_space<vmem>>) target_semaphore(%arg24 : memref<!tpu.dma_semaphore, #tpu.memory_space<semaphore_mem>>)
    %dma_start3A_47 = arith.constant 0 : i32
    %dma_start3A_48 = tpu.memref_slice %arg2[%select_n3A, %mul3A_32, %dma_start3A_47] : memref<16x256x8192xf32, #tpu.memory_space<hbm>> -> memref<1x4x8192xf32, #tpu.memory_space<hbm>>
    %dma_start3A_49 = tpu.memref_squeeze %dma_start3A_48 : memref<1x4x8192xf32, #tpu.memory_space<hbm>> -> memref<4x8192xf32, #tpu.memory_space<hbm>>
    %dma_start3A_50 = arith.constant 0 : i32
    %dma_start3A_51 = tpu.memref_slice %arg2[%select_n3A, %mul3A_32, %dma_start3A_50] : memref<16x256x8192xf32, #tpu.memory_space<hbm>> -> memref<1x4x8192xf32, #tpu.memory_space<hbm>>
    %dma_start3A_52 = tpu.memref_squeeze %dma_start3A_51 : memref<1x4x8192xf32, #tpu.memory_space<hbm>> -> memref<4x8192xf32, #tpu.memory_space<hbm>>
    tpu.enqueue_dma source(%dma_start3A_52 : memref<4x8192xf32, #tpu.memory_space<hbm>>) target(%arg9 : memref<4x8192xf32, #tpu.memory_space<vmem>>) target_semaphore(%arg20 : memref<!tpu.dma_semaphore, #tpu.memory_space<semaphore_mem>>)
    %dma_wait3A = arith.constant 0 : i32
    %dma_wait3A_53 = tpu.memref_slice %arg4[%select_n3A, %dma_wait3A] : memref<16x8192xi32, #tpu.memory_space<hbm>> -> memref<1x8192xi32, #tpu.memory_space<hbm>>
    %dma_wait3A_54 = tpu.memref_squeeze %dma_wait3A_53 : memref<1x8192xi32, #tpu.memory_space<hbm>> -> memref<8192xi32, #tpu.memory_space<hbm>>
    %dma_wait3A_55 = arith.constant 0 : i32
    %dma_wait3A_56 = tpu.memref_slice %arg4[%select_n3A, %dma_wait3A_55] : memref<16x8192xi32, #tpu.memory_space<hbm>> -> memref<1x8192xi32, #tpu.memory_space<hbm>>
    %dma_wait3A_57 = tpu.memref_squeeze %dma_wait3A_56 : memref<1x8192xi32, #tpu.memory_space<hbm>> -> memref<8192xi32, #tpu.memory_space<hbm>>
    tpu.wait_dma2 semaphore(%arg24 : memref<!tpu.dma_semaphore, #tpu.memory_space<semaphore_mem>>) src(%dma_wait3A_57 : memref<8192xi32, #tpu.memory_space<hbm>>) dst(%arg7 : memref<8192xi32, #tpu.memory_space<vmem>>)
    %dma_wait3A_58 = arith.constant 0 : i32
    %dma_wait3A_59 = tpu.memref_slice %arg3[%select_n3A, %dma_wait3A_58] : memref<16x8192xf32, #tpu.memory_space<hbm>> -> memref<1x8192xf32, #tpu.memory_space<hbm>>
    %dma_wait3A_60 = tpu.memref_squeeze %dma_wait3A_59 : memref<1x8192xf32, #tpu.memory_space<hbm>> -> memref<8192xf32, #tpu.memory_space<hbm>>
    %dma_wait3A_61 = arith.constant 0 : i32
    %dma_wait3A_62 = tpu.memref_slice %arg3[%select_n3A, %dma_wait3A_61] : memref<16x8192xf32, #tpu.memory_space<hbm>> -> memref<1x8192xf32, #tpu.memory_space<hbm>>
    %dma_wait3A_63 = tpu.memref_squeeze %dma_wait3A_62 : memref<1x8192xf32, #tpu.memory_space<hbm>> -> memref<8192xf32, #tpu.memory_space<hbm>>
    tpu.wait_dma2 semaphore(%arg24 : memref<!tpu.dma_semaphore, #tpu.memory_space<semaphore_mem>>) src(%dma_wait3A_63 : memref<8192xf32, #tpu.memory_space<hbm>>) dst(%arg8 : memref<8192xf32, #tpu.memory_space<vmem>>)
    %swap3A = arith.constant 0 : index
    %swap3A_64 = tpu.vector_load %arg11[%swap3A] {strides = array<i32>} : memref<256xf32, #tpu.memory_space<vmem>>, vector<16xf32>,
    tpu.vector_store %arg11[%swap3A], %broadcast_in_dim3A_35 {strides = array<i32>} : memref<256xf32, #tpu.memory_space<vmem>>, vector<16xf32>,
    %swap3A_65 = arith.constant 0 : index
    %swap3A_66 = tpu.vector_load %arg12[%swap3A_65] {strides = array<i32>} : memref<256xf32, #tpu.memory_space<vmem>>, vector<16xf32>,
    tpu.vector_store %arg12[%swap3A_65], %broadcast_in_dim3A_35 {strides = array<i32>} : memref<256xf32, #tpu.memory_space<vmem>>, vector<16xf32>,
    %swap3A_67 = arith.constant 16 : index
    %swap3A_68 = tpu.vector_load %arg11[%swap3A_67] {strides = array<i32>} : memref<256xf32, #tpu.memory_space<vmem>>, vector<16xf32>,
    tpu.vector_store %arg11[%swap3A_67], %broadcast_in_dim3A_35 {strides = array<i32>} : memref<256xf32, #tpu.memory_space<vmem>>, vector<16xf32>,
    %swap3A_69 = arith.constant 16 : index
    %swap3A_70 = tpu.vector_load %arg12[%swap3A_69] {strides = array<i32>} : memref<256xf32, #tpu.memory_space<vmem>>, vector<16xf32>,
    tpu.vector_store %arg12[%swap3A_69], %broadcast_in_dim3A_35 {strides = array<i32>} : memref<256xf32, #tpu.memory_space<vmem>>, vector<16xf32>,
    %swap3A_71 = arith.constant 32 : index
    %swap3A_72 = tpu.vector_load %arg11[%swap3A_71] {strides = array<i32>} : memref<256xf32, #tpu.memory_space<vmem>>, vector<16xf32>,
    tpu.vector_store %arg11[%swap3A_71], %broadcast_in_dim3A_35 {strides = array<i32>} : memref<256xf32, #tpu.memory_space<vmem>>, vector<16xf32>,
    %swap3A_73 = arith.constant 32 : index
    %swap3A_74 = tpu.vector_load %arg12[%swap3A_73] {strides = array<i32>} : memref<256xf32, #tpu.memory_space<vmem>>, vector<16xf32>,
    tpu.vector_store %arg12[%swap3A_73], %broadcast_in_dim3A_35 {strides = array<i32>} : memref<256xf32, #tpu.memory_space<vmem>>, vector<16xf32>,
    %swap3A_75 = arith.constant 48 : index
    %swap3A_76 = tpu.vector_load %arg11[%swap3A_75] {strides = array<i32>} : memref<256xf32, #tpu.memory_space<vmem>>, vector<16xf32>,
    tpu.vector_store %arg11[%swap3A_75], %broadcast_in_dim3A_35 {strides = array<i32>} : memref<256xf32, #tpu.memory_space<vmem>>, vector<16xf32>,
    %swap3A_77 = arith.constant 48 : index
    %swap3A_78 = tpu.vector_load %arg12[%swap3A_77] {strides = array<i32>} : memref<256xf32, #tpu.memory_space<vmem>>, vector<16xf32>,
    tpu.vector_store %arg12[%swap3A_77], %broadcast_in_dim3A_35 {strides = array<i32>} : memref<256xf32, #tpu.memory_space<vmem>>, vector<16xf32>,
    %swap3A_79 = arith.constant 64 : index
    %swap3A_80 = tpu.vector_load %arg11[%swap3A_79] {strides = array<i32>} : memref<256xf32, #tpu.memory_space<vmem>>, vector<16xf32>,
    tpu.vector_store %arg11[%swap3A_79], %broadcast_in_dim3A_35 {strides = array<i32>} : memref<256xf32, #tpu.memory_space<vmem>>, vector<16xf32>,
    %swap3A_81 = arith.constant 64 : index
    %swap3A_82 = tpu.vector_load %arg12[%swap3A_81] {strides = array<i32>} : memref<256xf32, #tpu.memory_space<vmem>>, vector<16xf32>,
    tpu.vector_store %arg12[%swap3A_81], %broadcast_in_dim3A_35 {strides = array<i32>} : memref<256xf32, #tpu.memory_space<vmem>>, vector<16xf32>,
    %swap3A_83 = arith.constant 80 : index
    %swap3A_84 = tpu.vector_load %arg11[%swap3A_83] {strides = array<i32>} : memref<256xf32, #tpu.memory_space<vmem>>, vector<16xf32>,
    tpu.vector_store %arg11[%swap3A_83], %broadcast_in_dim3A_35 {strides = array<i32>} : memref<256xf32, #tpu.memory_space<vmem>>, vector<16xf32>,
    %swap3A_85 = arith.constant 80 : index
    %swap3A_86 = tpu.vector_load %arg12[%swap3A_85] {strides = array<i32>} : memref<256xf32, #tpu.memory_space<vmem>>, vector<16xf32>,
    tpu.vector_store %arg12[%swap3A_85], %broadcast_in_dim3A_35 {strides = array<i32>} : memref<256xf32, #tpu.memory_space<vmem>>, vector<16xf32>,
    %swap3A_87 = arith.constant 96 : index
    %swap3A_88 = tpu.vector_load %arg11[%swap3A_87] {strides = array<i32>} : memref<256xf32, #tpu.memory_space<vmem>>, vector<16xf32>,
    tpu.vector_store %arg11[%swap3A_87], %broadcast_in_dim3A_35 {strides = array<i32>} : memref<256xf32, #tpu.memory_space<vmem>>, vector<16xf32>,
    %swap3A_89 = arith.constant 96 : index
    %swap3A_90 = tpu.vector_load %arg12[%swap3A_89] {strides = array<i32>} : memref<256xf32, #tpu.memory_space<vmem>>, vector<16xf32>,
    tpu.vector_store %arg12[%swap3A_89], %broadcast_in_dim3A_35 {strides = array<i32>} : memref<256xf32, #tpu.memory_space<vmem>>, vector<16xf32>,
    %swap3A_91 = arith.constant 112 : index
    %swap3A_92 = tpu.vector_load %arg11[%swap3A_91] {strides = array<i32>} : memref<256xf32, #tpu.memory_space<vmem>>, vector<16xf32>,
    tpu.vector_store %arg11[%swap3A_91], %broadcast_in_dim3A_35 {strides = array<i32>} : memref<256xf32, #tpu.memory_space<vmem>>, vector<16xf32>,
    %swap3A_93 = arith.constant 112 : index
    %swap3A_94 = tpu.vector_load %arg12[%swap3A_93] {strides = array<i32>} : memref<256xf32, #tpu.memory_space<vmem>>, vector<16xf32>,
    tpu.vector_store %arg12[%swap3A_93], %broadcast_in_dim3A_35 {strides = array<i32>} : memref<256xf32, #tpu.memory_space<vmem>>, vector<16xf32>,
    %swap3A_95 = arith.constant 128 : index
    %swap3A_96 = tpu.vector_load %arg11[%swap3A_95] {strides = array<i32>} : memref<256xf32, #tpu.memory_space<vmem>>, vector<16xf32>,
    tpu.vector_store %arg11[%swap3A_95], %broadcast_in_dim3A_35 {strides = array<i32>} : memref<256xf32, #tpu.memory_space<vmem>>, vector<16xf32>,
    %swap3A_97 = arith.constant 128 : index
    %swap3A_98 = tpu.vector_load %arg12[%swap3A_97] {strides = array<i32>} : memref<256xf32, #tpu.memory_space<vmem>>, vector<16xf32>,
    tpu.vector_store %arg12[%swap3A_97], %broadcast_in_dim3A_35 {strides = array<i32>} : memref<256xf32, #tpu.memory_space<vmem>>, vector<16xf32>,
    %swap3A_99 = arith.constant 144 : index
    %swap3A_100 = tpu.vector_load %arg11[%swap3A_99] {strides = array<i32>} : memref<256xf32, #tpu.memory_space<vmem>>, vector<16xf32>,
    tpu.vector_store %arg11[%swap3A_99], %broadcast_in_dim3A_35 {strides = array<i32>} : memref<256xf32, #tpu.memory_space<vmem>>, vector<16xf32>,
    %swap3A_101 = arith.constant 144 : index
    %swap3A_102 = tpu.vector_load %arg12[%swap3A_101] {strides = array<i32>} : memref<256xf32, #tpu.memory_space<vmem>>, vector<16xf32>,
    tpu.vector_store %arg12[%swap3A_101], %broadcast_in_dim3A_35 {strides = array<i32>} : memref<256xf32, #tpu.memory_space<vmem>>, vector<16xf32>,
    %swap3A_103 = arith.constant 160 : index
    %swap3A_104 = tpu.vector_load %arg11[%swap3A_103] {strides = array<i32>} : memref<256xf32, #tpu.memory_space<vmem>>, vector<16xf32>,
    tpu.vector_store %arg11[%swap3A_103], %broadcast_in_dim3A_35 {strides = array<i32>} : memref<256xf32, #tpu.memory_space<vmem>>, vector<16xf32>,
    %swap3A_105 = arith.constant 160 : index
    %swap3A_106 = tpu.vector_load %arg12[%swap3A_105] {strides = array<i32>} : memref<256xf32, #tpu.memory_space<vmem>>, vector<16xf32>,
    tpu.vector_store %arg12[%swap3A_105], %broadcast_in_dim3A_35 {strides = array<i32>} : memref<256xf32, #tpu.memory_space<vmem>>, vector<16xf32>,
    %swap3A_107 = arith.constant 176 : index
    %swap3A_108 = tpu.vector_load %arg11[%swap3A_107] {strides = array<i32>} : memref<256xf32, #tpu.memory_space<vmem>>, vector<16xf32>,
    tpu.vector_store %arg11[%swap3A_107], %broadcast_in_dim3A_35 {strides = array<i32>} : memref<256xf32, #tpu.memory_space<vmem>>, vector<16xf32>,
    %swap3A_109 = arith.constant 176 : index
    %swap3A_110 = tpu.vector_load %arg12[%swap3A_109] {strides = array<i32>} : memref<256xf32, #tpu.memory_space<vmem>>, vector<16xf32>,
    tpu.vector_store %arg12[%swap3A_109], %broadcast_in_dim3A_35 {strides = array<i32>} : memref<256xf32, #tpu.memory_space<vmem>>, vector<16xf32>,
    %swap3A_111 = arith.constant 192 : index
    %swap3A_112 = tpu.vector_load %arg11[%swap3A_111] {strides = array<i32>} : memref<256xf32, #tpu.memory_space<vmem>>, vector<16xf32>,
    tpu.vector_store %arg11[%swap3A_111], %broadcast_in_dim3A_35 {strides = array<i32>} : memref<256xf32, #tpu.memory_space<vmem>>, vector<16xf32>,
    %swap3A_113 = arith.constant 192 : index
    %swap3A_114 = tpu.vector_load %arg12[%swap3A_113] {strides = array<i32>} : memref<256xf32, #tpu.memory_space<vmem>>, vector<16xf32>,
    tpu.vector_store %arg12[%swap3A_113], %broadcast_in_dim3A_35 {strides = array<i32>} : memref<256xf32, #tpu.memory_space<vmem>>, vector<16xf32>,
    %swap3A_115 = arith.constant 208 : index
    %swap3A_116 = tpu.vector_load %arg11[%swap3A_115] {strides = array<i32>} : memref<256xf32, #tpu.memory_space<vmem>>, vector<16xf32>,
    tpu.vector_store %arg11[%swap3A_115], %broadcast_in_dim3A_35 {strides = array<i32>} : memref<256xf32, #tpu.memory_space<vmem>>, vector<16xf32>,
    %swap3A_117 = arith.constant 208 : index
    %swap3A_118 = tpu.vector_load %arg12[%swap3A_117] {strides = array<i32>} : memref<256xf32, #tpu.memory_space<vmem>>, vector<16xf32>,
    tpu.vector_store %arg12[%swap3A_117], %broadcast_in_dim3A_35 {strides = array<i32>} : memref<256xf32, #tpu.memory_space<vmem>>, vector<16xf32>,
    %swap3A_119 = arith.constant 224 : index
    %swap3A_120 = tpu.vector_load %arg11[%swap3A_119] {strides = array<i32>} : memref<256xf32, #tpu.memory_space<vmem>>, vector<16xf32>,
    tpu.vector_store %arg11[%swap3A_119], %broadcast_in_dim3A_35 {strides = array<i32>} : memref<256xf32, #tpu.memory_space<vmem>>, vector<16xf32>,
    %swap3A_121 = arith.constant 224 : index
    %swap3A_122 = tpu.vector_load %arg12[%swap3A_121] {strides = array<i32>} : memref<256xf32, #tpu.memory_space<vmem>>, vector<16xf32>,
    tpu.vector_store %arg12[%swap3A_121], %broadcast_in_dim3A_35 {strides = array<i32>} : memref<256xf32, #tpu.memory_space<vmem>>, vector<16xf32>,
    %swap3A_123 = arith.constant 240 : index
    %swap3A_124 = tpu.vector_load %arg11[%swap3A_123] {strides = array<i32>} : memref<256xf32, #tpu.memory_space<vmem>>, vector<16xf32>,
    tpu.vector_store %arg11[%swap3A_123], %broadcast_in_dim3A_35 {strides = array<i32>} : memref<256xf32, #tpu.memory_space<vmem>>, vector<16xf32>,
    %swap3A_125 = arith.constant 240 : index
    %swap3A_126 = tpu.vector_load %arg12[%swap3A_125] {strides = array<i32>} : memref<256xf32, #tpu.memory_space<vmem>>, vector<16xf32>,
    tpu.vector_store %arg12[%swap3A_125], %broadcast_in_dim3A_35 {strides = array<i32>} : memref<256xf32, #tpu.memory_space<vmem>>, vector<16xf32>,
    %parallel_loop3A = arith.constant 0 : i32
    %parallel_loop3A_127 = arith.constant 512 : i32
    %parallel_loop3A_128 = arith.constant 1 : i32
    scf.for %parallel_loop3A_535 = %parallel_loop3A to %parallel_loop3A_127 step %parallel_loop3A_128  : i32 {
      %parallel_loop3A_536 = arith.constant 16 : i32
      %parallel_loop3A_537 = arith.muli %parallel_loop3A_535, %parallel_loop3A_536 : i32
      %parallel_loop3A_538 = arith.index_cast %parallel_loop3A_537 : i32 to index
      %parallel_loop3A_539 = tpu.vector_load %arg7[%parallel_loop3A_538] {strides = array<i32>} : memref<8192xi32, #tpu.memory_space<vmem>>, vector<16xi32>,
      tpu.vector_store_idx %arg11[%parallel_loop3A_539], %broadcast_in_dim3A_33 {add = true} : memref<256xf32, #tpu.memory_space<vmem>>[vector<16xi32>], vector<16xf32>,
      %parallel_loop3A_540 = arith.index_cast %parallel_loop3A_537 : i32 to index
      %parallel_loop3A_541 = tpu.vector_load %arg8[%parallel_loop3A_540] {strides = array<i32>} : memref<8192xf32, #tpu.memory_space<vmem>>, vector<16xf32>,
      tpu.vector_store_idx %arg12[%parallel_loop3A_539], %parallel_loop3A_541 {add = true} : memref<256xf32, #tpu.memory_space<vmem>>[vector<16xi32>], vector<16xf32>,
    } {sc.loop_unroll_factor = 2 : i64, sc.parallel_access}
    %get3A = arith.constant 0 : index
    %get3A_129 = tpu.vector_load %arg11[%get3A] {strides = array<i32>} : memref<256xf32, #tpu.memory_space<vmem>>, vector<16xf32>,
    %max3A = arith.constant 1.000000e+00 : f32
    %max3A_130 = vector.broadcast %max3A : f32 to vector<16xf32>
    %max3A_131 = arith.maximumf %get3A_129, %max3A_130 : vector<16xf32>
    %get3A_132 = arith.constant 0 : index
    %get3A_133 = tpu.vector_load %arg12[%get3A_132] {strides = array<i32>} : memref<256xf32, #tpu.memory_space<vmem>>, vector<16xf32>,
    %div3A_134 = arith.divf %get3A_133, %max3A_131 : vector<16xf32>
    %gt3A = arith.constant 5.000000e-01 : f32
    %gt3A_135 = vector.broadcast %gt3A : f32 to vector<16xf32>
    %gt3A_136 = arith.cmpf ogt, %div3A_134, %gt3A_135 : vector<16xf32>
    %jit3A_137 = arith.constant 1.000000e+00 : f32
    %jit3A_138 = arith.constant 0.000000e+00 : f32
    %broadcast_in_dim3A_139 = vector.broadcast %jit3A_137 : f32 to vector<16xf32>
    %broadcast_in_dim3A_140 = vector.broadcast %jit3A_138 : f32 to vector<16xf32>
    %select_n3A_141 = arith.select %gt3A_136, %broadcast_in_dim3A_139, %broadcast_in_dim3A_140 : vector<16xi1>, vector<16xf32>
    %div3A_142 = arith.divf %select_n3A_141, %max3A_131 : vector<16xf32>
    %swap3A_143 = arith.constant 0 : index
    %swap3A_144 = tpu.vector_load %arg13[%swap3A_143] {strides = array<i32>} : memref<256xf32, #tpu.memory_space<vmem>>, vector<16xf32>,
    tpu.vector_store %arg13[%swap3A_143], %div3A_142 {strides = array<i32>} : memref<256xf32, #tpu.memory_space<vmem>>, vector<16xf32>,
    %mul3A_145 = arith.mulf %get3A_129, %select_n3A_141 : vector<16xf32>
    %swap3A_146 = arith.constant 0 : i32
    %swap3A_147 = arith.index_cast %swap3A_146 : i32 to index
    %swap3A_148 = arith.constant 0 : index
    %swap3A_149 = tpu.vector_load %arg18[%swap3A_147, %swap3A_148] {strides = array<i32>} : memref<4x256xf32, #tpu.memory_space<vmem>>, vector<16xf32>,
    tpu.vector_store %arg18[%swap3A_147, %swap3A_148], %mul3A_145 {strides = array<i32>} : memref<4x256xf32, #tpu.memory_space<vmem>>, vector<16xf32>,
    %get3A_150 = arith.constant 16 : index
    %get3A_151 = tpu.vector_load %arg11[%get3A_150] {strides = array<i32>} : memref<256xf32, #tpu.memory_space<vmem>>, vector<16xf32>,
    %max3A_152 = arith.constant 1.000000e+00 : f32
    %max3A_153 = vector.broadcast %max3A_152 : f32 to vector<16xf32>
    %max3A_154 = arith.maximumf %get3A_151, %max3A_153 : vector<16xf32>
    %get3A_155 = arith.constant 16 : index
    %get3A_156 = tpu.vector_load %arg12[%get3A_155] {strides = array<i32>} : memref<256xf32, #tpu.memory_space<vmem>>, vector<16xf32>,
    %div3A_157 = arith.divf %get3A_156, %max3A_154 : vector<16xf32>
    %gt3A_158 = arith.constant 5.000000e-01 : f32
    %gt3A_159 = vector.broadcast %gt3A_158 : f32 to vector<16xf32>
    %gt3A_160 = arith.cmpf ogt, %div3A_157, %gt3A_159 : vector<16xf32>
    %jit3A_161 = arith.constant 1.000000e+00 : f32
    %jit3A_162 = arith.constant 0.000000e+00 : f32
    %broadcast_in_dim3A_163 = vector.broadcast %jit3A_161 : f32 to vector<16xf32>
    %broadcast_in_dim3A_164 = vector.broadcast %jit3A_162 : f32 to vector<16xf32>
    %select_n3A_165 = arith.select %gt3A_160, %broadcast_in_dim3A_163, %broadcast_in_dim3A_164 : vector<16xi1>, vector<16xf32>
    %div3A_166 = arith.divf %select_n3A_165, %max3A_154 : vector<16xf32>
    %swap3A_167 = arith.constant 16 : index
    %swap3A_168 = tpu.vector_load %arg13[%swap3A_167] {strides = array<i32>} : memref<256xf32, #tpu.memory_space<vmem>>, vector<16xf32>,
    tpu.vector_store %arg13[%swap3A_167], %div3A_166 {strides = array<i32>} : memref<256xf32, #tpu.memory_space<vmem>>, vector<16xf32>,
    %mul3A_169 = arith.mulf %get3A_151, %select_n3A_165 : vector<16xf32>
    %swap3A_170 = arith.constant 0 : i32
    %swap3A_171 = arith.index_cast %swap3A_170 : i32 to index
    %swap3A_172 = arith.constant 16 : index
    %swap3A_173 = tpu.vector_load %arg18[%swap3A_171, %swap3A_172] {strides = array<i32>} : memref<4x256xf32, #tpu.memory_space<vmem>>, vector<16xf32>,
    tpu.vector_store %arg18[%swap3A_171, %swap3A_172], %mul3A_169 {strides = array<i32>} : memref<4x256xf32, #tpu.memory_space<vmem>>, vector<16xf32>,
    %get3A_174 = arith.constant 32 : index
    %get3A_175 = tpu.vector_load %arg11[%get3A_174] {strides = array<i32>} : memref<256xf32, #tpu.memory_space<vmem>>, vector<16xf32>,
    %max3A_176 = arith.constant 1.000000e+00 : f32
    %max3A_177 = vector.broadcast %max3A_176 : f32 to vector<16xf32>
    %max3A_178 = arith.maximumf %get3A_175, %max3A_177 : vector<16xf32>
    %get3A_179 = arith.constant 32 : index
    %get3A_180 = tpu.vector_load %arg12[%get3A_179] {strides = array<i32>} : memref<256xf32, #tpu.memory_space<vmem>>, vector<16xf32>,
    %div3A_181 = arith.divf %get3A_180, %max3A_178 : vector<16xf32>
    %gt3A_182 = arith.constant 5.000000e-01 : f32
    %gt3A_183 = vector.broadcast %gt3A_182 : f32 to vector<16xf32>
    %gt3A_184 = arith.cmpf ogt, %div3A_181, %gt3A_183 : vector<16xf32>
    %jit3A_185 = arith.constant 1.000000e+00 : f32
    %jit3A_186 = arith.constant 0.000000e+00 : f32
    %broadcast_in_dim3A_187 = vector.broadcast %jit3A_185 : f32 to vector<16xf32>
    %broadcast_in_dim3A_188 = vector.broadcast %jit3A_186 : f32 to vector<16xf32>
    %select_n3A_189 = arith.select %gt3A_184, %broadcast_in_dim3A_187, %broadcast_in_dim3A_188 : vector<16xi1>, vector<16xf32>
    %div3A_190 = arith.divf %select_n3A_189, %max3A_178 : vector<16xf32>
    %swap3A_191 = arith.constant 32 : index
    %swap3A_192 = tpu.vector_load %arg13[%swap3A_191] {strides = array<i32>} : memref<256xf32, #tpu.memory_space<vmem>>, vector<16xf32>,
    tpu.vector_store %arg13[%swap3A_191], %div3A_190 {strides = array<i32>} : memref<256xf32, #tpu.memory_space<vmem>>, vector<16xf32>,
    %mul3A_193 = arith.mulf %get3A_175, %select_n3A_189 : vector<16xf32>
    %swap3A_194 = arith.constant 0 : i32
    %swap3A_195 = arith.index_cast %swap3A_194 : i32 to index
    %swap3A_196 = arith.constant 32 : index
    %swap3A_197 = tpu.vector_load %arg18[%swap3A_195, %swap3A_196] {strides = array<i32>} : memref<4x256xf32, #tpu.memory_space<vmem>>, vector<16xf32>,
    tpu.vector_store %arg18[%swap3A_195, %swap3A_196], %mul3A_193 {strides = array<i32>} : memref<4x256xf32, #tpu.memory_space<vmem>>, vector<16xf32>,
    %get3A_198 = arith.constant 48 : index
    %get3A_199 = tpu.vector_load %arg11[%get3A_198] {strides = array<i32>} : memref<256xf32, #tpu.memory_space<vmem>>, vector<16xf32>,
    %max3A_200 = arith.constant 1.000000e+00 : f32
    %max3A_201 = vector.broadcast %max3A_200 : f32 to vector<16xf32>
    %max3A_202 = arith.maximumf %get3A_199, %max3A_201 : vector<16xf32>
    %get3A_203 = arith.constant 48 : index
    %get3A_204 = tpu.vector_load %arg12[%get3A_203] {strides = array<i32>} : memref<256xf32, #tpu.memory_space<vmem>>, vector<16xf32>,
    %div3A_205 = arith.divf %get3A_204, %max3A_202 : vector<16xf32>
    %gt3A_206 = arith.constant 5.000000e-01 : f32
    %gt3A_207 = vector.broadcast %gt3A_206 : f32 to vector<16xf32>
    %gt3A_208 = arith.cmpf ogt, %div3A_205, %gt3A_207 : vector<16xf32>
    %jit3A_209 = arith.constant 1.000000e+00 : f32
    %jit3A_210 = arith.constant 0.000000e+00 : f32
    %broadcast_in_dim3A_211 = vector.broadcast %jit3A_209 : f32 to vector<16xf32>
    %broadcast_in_dim3A_212 = vector.broadcast %jit3A_210 : f32 to vector<16xf32>
    %select_n3A_213 = arith.select %gt3A_208, %broadcast_in_dim3A_211, %broadcast_in_dim3A_212 : vector<16xi1>, vector<16xf32>
    %div3A_214 = arith.divf %select_n3A_213, %max3A_202 : vector<16xf32>
    %swap3A_215 = arith.constant 48 : index
    %swap3A_216 = tpu.vector_load %arg13[%swap3A_215] {strides = array<i32>} : memref<256xf32, #tpu.memory_space<vmem>>, vector<16xf32>,
    tpu.vector_store %arg13[%swap3A_215], %div3A_214 {strides = array<i32>} : memref<256xf32, #tpu.memory_space<vmem>>, vector<16xf32>,
    %mul3A_217 = arith.mulf %get3A_199, %select_n3A_213 : vector<16xf32>
    %swap3A_218 = arith.constant 0 : i32
    %swap3A_219 = arith.index_cast %swap3A_218 : i32 to index
    %swap3A_220 = arith.constant 48 : index
    %swap3A_221 = tpu.vector_load %arg18[%swap3A_219, %swap3A_220] {strides = array<i32>} : memref<4x256xf32, #tpu.memory_space<vmem>>, vector<16xf32>,
    tpu.vector_store %arg18[%swap3A_219, %swap3A_220], %mul3A_217 {strides = array<i32>} : memref<4x256xf32, #tpu.memory_space<vmem>>, vector<16xf32>,
    %get3A_222 = arith.constant 64 : index
    %get3A_223 = tpu.vector_load %arg11[%get3A_222] {strides = array<i32>} : memref<256xf32, #tpu.memory_space<vmem>>, vector<16xf32>,
    %max3A_224 = arith.constant 1.000000e+00 : f32
    %max3A_225 = vector.broadcast %max3A_224 : f32 to vector<16xf32>
    %max3A_226 = arith.maximumf %get3A_223, %max3A_225 : vector<16xf32>
    %get3A_227 = arith.constant 64 : index
    %get3A_228 = tpu.vector_load %arg12[%get3A_227] {strides = array<i32>} : memref<256xf32, #tpu.memory_space<vmem>>, vector<16xf32>,
    %div3A_229 = arith.divf %get3A_228, %max3A_226 : vector<16xf32>
    %gt3A_230 = arith.constant 5.000000e-01 : f32
    %gt3A_231 = vector.broadcast %gt3A_230 : f32 to vector<16xf32>
    %gt3A_232 = arith.cmpf ogt, %div3A_229, %gt3A_231 : vector<16xf32>
    %jit3A_233 = arith.constant 1.000000e+00 : f32
    %jit3A_234 = arith.constant 0.000000e+00 : f32
    %broadcast_in_dim3A_235 = vector.broadcast %jit3A_233 : f32 to vector<16xf32>
    %broadcast_in_dim3A_236 = vector.broadcast %jit3A_234 : f32 to vector<16xf32>
    %select_n3A_237 = arith.select %gt3A_232, %broadcast_in_dim3A_235, %broadcast_in_dim3A_236 : vector<16xi1>, vector<16xf32>
    %div3A_238 = arith.divf %select_n3A_237, %max3A_226 : vector<16xf32>
    %swap3A_239 = arith.constant 64 : index
    %swap3A_240 = tpu.vector_load %arg13[%swap3A_239] {strides = array<i32>} : memref<256xf32, #tpu.memory_space<vmem>>, vector<16xf32>,
    tpu.vector_store %arg13[%swap3A_239], %div3A_238 {strides = array<i32>} : memref<256xf32, #tpu.memory_space<vmem>>, vector<16xf32>,
    %mul3A_241 = arith.mulf %get3A_223, %select_n3A_237 : vector<16xf32>
    %swap3A_242 = arith.constant 0 : i32
    %swap3A_243 = arith.index_cast %swap3A_242 : i32 to index
    %swap3A_244 = arith.constant 64 : index
    %swap3A_245 = tpu.vector_load %arg18[%swap3A_243, %swap3A_244] {strides = array<i32>} : memref<4x256xf32, #tpu.memory_space<vmem>>, vector<16xf32>,
    tpu.vector_store %arg18[%swap3A_243, %swap3A_244], %mul3A_241 {strides = array<i32>} : memref<4x256xf32, #tpu.memory_space<vmem>>, vector<16xf32>,
    %get3A_246 = arith.constant 80 : index
    %get3A_247 = tpu.vector_load %arg11[%get3A_246] {strides = array<i32>} : memref<256xf32, #tpu.memory_space<vmem>>, vector<16xf32>,
    %max3A_248 = arith.constant 1.000000e+00 : f32
    %max3A_249 = vector.broadcast %max3A_248 : f32 to vector<16xf32>
    %max3A_250 = arith.maximumf %get3A_247, %max3A_249 : vector<16xf32>
    %get3A_251 = arith.constant 80 : index
    %get3A_252 = tpu.vector_load %arg12[%get3A_251] {strides = array<i32>} : memref<256xf32, #tpu.memory_space<vmem>>, vector<16xf32>,
    %div3A_253 = arith.divf %get3A_252, %max3A_250 : vector<16xf32>
    %gt3A_254 = arith.constant 5.000000e-01 : f32
    %gt3A_255 = vector.broadcast %gt3A_254 : f32 to vector<16xf32>
    %gt3A_256 = arith.cmpf ogt, %div3A_253, %gt3A_255 : vector<16xf32>
    %jit3A_257 = arith.constant 1.000000e+00 : f32
    %jit3A_258 = arith.constant 0.000000e+00 : f32
    %broadcast_in_dim3A_259 = vector.broadcast %jit3A_257 : f32 to vector<16xf32>
    %broadcast_in_dim3A_260 = vector.broadcast %jit3A_258 : f32 to vector<16xf32>
    %select_n3A_261 = arith.select %gt3A_256, %broadcast_in_dim3A_259, %broadcast_in_dim3A_260 : vector<16xi1>, vector<16xf32>
    %div3A_262 = arith.divf %select_n3A_261, %max3A_250 : vector<16xf32>
    %swap3A_263 = arith.constant 80 : index
    %swap3A_264 = tpu.vector_load %arg13[%swap3A_263] {strides = array<i32>} : memref<256xf32, #tpu.memory_space<vmem>>, vector<16xf32>,
    tpu.vector_store %arg13[%swap3A_263], %div3A_262 {strides = array<i32>} : memref<256xf32, #tpu.memory_space<vmem>>, vector<16xf32>,
    %mul3A_265 = arith.mulf %get3A_247, %select_n3A_261 : vector<16xf32>
    %swap3A_266 = arith.constant 0 : i32
    %swap3A_267 = arith.index_cast %swap3A_266 : i32 to index
    %swap3A_268 = arith.constant 80 : index
    %swap3A_269 = tpu.vector_load %arg18[%swap3A_267, %swap3A_268] {strides = array<i32>} : memref<4x256xf32, #tpu.memory_space<vmem>>, vector<16xf32>,
    tpu.vector_store %arg18[%swap3A_267, %swap3A_268], %mul3A_265 {strides = array<i32>} : memref<4x256xf32, #tpu.memory_space<vmem>>, vector<16xf32>,
    %get3A_270 = arith.constant 96 : index
    %get3A_271 = tpu.vector_load %arg11[%get3A_270] {strides = array<i32>} : memref<256xf32, #tpu.memory_space<vmem>>, vector<16xf32>,
    %max3A_272 = arith.constant 1.000000e+00 : f32
    %max3A_273 = vector.broadcast %max3A_272 : f32 to vector<16xf32>
    %max3A_274 = arith.maximumf %get3A_271, %max3A_273 : vector<16xf32>
    %get3A_275 = arith.constant 96 : index
    %get3A_276 = tpu.vector_load %arg12[%get3A_275] {strides = array<i32>} : memref<256xf32, #tpu.memory_space<vmem>>, vector<16xf32>,
    %div3A_277 = arith.divf %get3A_276, %max3A_274 : vector<16xf32>
    %gt3A_278 = arith.constant 5.000000e-01 : f32
    %gt3A_279 = vector.broadcast %gt3A_278 : f32 to vector<16xf32>
    %gt3A_280 = arith.cmpf ogt, %div3A_277, %gt3A_279 : vector<16xf32>
    %jit3A_281 = arith.constant 1.000000e+00 : f32
    %jit3A_282 = arith.constant 0.000000e+00 : f32
    %broadcast_in_dim3A_283 = vector.broadcast %jit3A_281 : f32 to vector<16xf32>
    %broadcast_in_dim3A_284 = vector.broadcast %jit3A_282 : f32 to vector<16xf32>
    %select_n3A_285 = arith.select %gt3A_280, %broadcast_in_dim3A_283, %broadcast_in_dim3A_284 : vector<16xi1>, vector<16xf32>
    %div3A_286 = arith.divf %select_n3A_285, %max3A_274 : vector<16xf32>
    %swap3A_287 = arith.constant 96 : index
    %swap3A_288 = tpu.vector_load %arg13[%swap3A_287] {strides = array<i32>} : memref<256xf32, #tpu.memory_space<vmem>>, vector<16xf32>,
    tpu.vector_store %arg13[%swap3A_287], %div3A_286 {strides = array<i32>} : memref<256xf32, #tpu.memory_space<vmem>>, vector<16xf32>,
    %mul3A_289 = arith.mulf %get3A_271, %select_n3A_285 : vector<16xf32>
    %swap3A_290 = arith.constant 0 : i32
    %swap3A_291 = arith.index_cast %swap3A_290 : i32 to index
    %swap3A_292 = arith.constant 96 : index
    %swap3A_293 = tpu.vector_load %arg18[%swap3A_291, %swap3A_292] {strides = array<i32>} : memref<4x256xf32, #tpu.memory_space<vmem>>, vector<16xf32>,
    tpu.vector_store %arg18[%swap3A_291, %swap3A_292], %mul3A_289 {strides = array<i32>} : memref<4x256xf32, #tpu.memory_space<vmem>>, vector<16xf32>,
    %get3A_294 = arith.constant 112 : index
    %get3A_295 = tpu.vector_load %arg11[%get3A_294] {strides = array<i32>} : memref<256xf32, #tpu.memory_space<vmem>>, vector<16xf32>,
    %max3A_296 = arith.constant 1.000000e+00 : f32
    %max3A_297 = vector.broadcast %max3A_296 : f32 to vector<16xf32>
    %max3A_298 = arith.maximumf %get3A_295, %max3A_297 : vector<16xf32>
    %get3A_299 = arith.constant 112 : index
    %get3A_300 = tpu.vector_load %arg12[%get3A_299] {strides = array<i32>} : memref<256xf32, #tpu.memory_space<vmem>>, vector<16xf32>,
    %div3A_301 = arith.divf %get3A_300, %max3A_298 : vector<16xf32>
    %gt3A_302 = arith.constant 5.000000e-01 : f32
    %gt3A_303 = vector.broadcast %gt3A_302 : f32 to vector<16xf32>
    %gt3A_304 = arith.cmpf ogt, %div3A_301, %gt3A_303 : vector<16xf32>
    %jit3A_305 = arith.constant 1.000000e+00 : f32
    %jit3A_306 = arith.constant 0.000000e+00 : f32
    %broadcast_in_dim3A_307 = vector.broadcast %jit3A_305 : f32 to vector<16xf32>
    %broadcast_in_dim3A_308 = vector.broadcast %jit3A_306 : f32 to vector<16xf32>
    %select_n3A_309 = arith.select %gt3A_304, %broadcast_in_dim3A_307, %broadcast_in_dim3A_308 : vector<16xi1>, vector<16xf32>
    %div3A_310 = arith.divf %select_n3A_309, %max3A_298 : vector<16xf32>
    %swap3A_311 = arith.constant 112 : index
    %swap3A_312 = tpu.vector_load %arg13[%swap3A_311] {strides = array<i32>} : memref<256xf32, #tpu.memory_space<vmem>>, vector<16xf32>,
    tpu.vector_store %arg13[%swap3A_311], %div3A_310 {strides = array<i32>} : memref<256xf32, #tpu.memory_space<vmem>>, vector<16xf32>,
    %mul3A_313 = arith.mulf %get3A_295, %select_n3A_309 : vector<16xf32>
    %swap3A_314 = arith.constant 0 : i32
    %swap3A_315 = arith.index_cast %swap3A_314 : i32 to index
    %swap3A_316 = arith.constant 112 : index
    %swap3A_317 = tpu.vector_load %arg18[%swap3A_315, %swap3A_316] {strides = array<i32>} : memref<4x256xf32, #tpu.memory_space<vmem>>, vector<16xf32>,
    tpu.vector_store %arg18[%swap3A_315, %swap3A_316], %mul3A_313 {strides = array<i32>} : memref<4x256xf32, #tpu.memory_space<vmem>>, vector<16xf32>,
    %get3A_318 = arith.constant 128 : index
    %get3A_319 = tpu.vector_load %arg11[%get3A_318] {strides = array<i32>} : memref<256xf32, #tpu.memory_space<vmem>>, vector<16xf32>,
    %max3A_320 = arith.constant 1.000000e+00 : f32
    %max3A_321 = vector.broadcast %max3A_320 : f32 to vector<16xf32>
    %max3A_322 = arith.maximumf %get3A_319, %max3A_321 : vector<16xf32>
    %get3A_323 = arith.constant 128 : index
    %get3A_324 = tpu.vector_load %arg12[%get3A_323] {strides = array<i32>} : memref<256xf32, #tpu.memory_space<vmem>>, vector<16xf32>,
    %div3A_325 = arith.divf %get3A_324, %max3A_322 : vector<16xf32>
    %gt3A_326 = arith.constant 5.000000e-01 : f32
    %gt3A_327 = vector.broadcast %gt3A_326 : f32 to vector<16xf32>
    %gt3A_328 = arith.cmpf ogt, %div3A_325, %gt3A_327 : vector<16xf32>
    %jit3A_329 = arith.constant 1.000000e+00 : f32
    %jit3A_330 = arith.constant 0.000000e+00 : f32
    %broadcast_in_dim3A_331 = vector.broadcast %jit3A_329 : f32 to vector<16xf32>
    %broadcast_in_dim3A_332 = vector.broadcast %jit3A_330 : f32 to vector<16xf32>
    %select_n3A_333 = arith.select %gt3A_328, %broadcast_in_dim3A_331, %broadcast_in_dim3A_332 : vector<16xi1>, vector<16xf32>
    %div3A_334 = arith.divf %select_n3A_333, %max3A_322 : vector<16xf32>
    %swap3A_335 = arith.constant 128 : index
    %swap3A_336 = tpu.vector_load %arg13[%swap3A_335] {strides = array<i32>} : memref<256xf32, #tpu.memory_space<vmem>>, vector<16xf32>,
    tpu.vector_store %arg13[%swap3A_335], %div3A_334 {strides = array<i32>} : memref<256xf32, #tpu.memory_space<vmem>>, vector<16xf32>,
    %mul3A_337 = arith.mulf %get3A_319, %select_n3A_333 : vector<16xf32>
    %swap3A_338 = arith.constant 0 : i32
    %swap3A_339 = arith.index_cast %swap3A_338 : i32 to index
    %swap3A_340 = arith.constant 128 : index
    %swap3A_341 = tpu.vector_load %arg18[%swap3A_339, %swap3A_340] {strides = array<i32>} : memref<4x256xf32, #tpu.memory_space<vmem>>, vector<16xf32>,
    tpu.vector_store %arg18[%swap3A_339, %swap3A_340], %mul3A_337 {strides = array<i32>} : memref<4x256xf32, #tpu.memory_space<vmem>>, vector<16xf32>,
    %get3A_342 = arith.constant 144 : index
    %get3A_343 = tpu.vector_load %arg11[%get3A_342] {strides = array<i32>} : memref<256xf32, #tpu.memory_space<vmem>>, vector<16xf32>,
    %max3A_344 = arith.constant 1.000000e+00 : f32
    %max3A_345 = vector.broadcast %max3A_344 : f32 to vector<16xf32>
    %max3A_346 = arith.maximumf %get3A_343, %max3A_345 : vector<16xf32>
    %get3A_347 = arith.constant 144 : index
    %get3A_348 = tpu.vector_load %arg12[%get3A_347] {strides = array<i32>} : memref<256xf32, #tpu.memory_space<vmem>>, vector<16xf32>,
    %div3A_349 = arith.divf %get3A_348, %max3A_346 : vector<16xf32>
    %gt3A_350 = arith.constant 5.000000e-01 : f32
    %gt3A_351 = vector.broadcast %gt3A_350 : f32 to vector<16xf32>
    %gt3A_352 = arith.cmpf ogt, %div3A_349, %gt3A_351 : vector<16xf32>
    %jit3A_353 = arith.constant 1.000000e+00 : f32
    %jit3A_354 = arith.constant 0.000000e+00 : f32
    %broadcast_in_dim3A_355 = vector.broadcast %jit3A_353 : f32 to vector<16xf32>
    %broadcast_in_dim3A_356 = vector.broadcast %jit3A_354 : f32 to vector<16xf32>
    %select_n3A_357 = arith.select %gt3A_352, %broadcast_in_dim3A_355, %broadcast_in_dim3A_356 : vector<16xi1>, vector<16xf32>
    %div3A_358 = arith.divf %select_n3A_357, %max3A_346 : vector<16xf32>
    %swap3A_359 = arith.constant 144 : index
    %swap3A_360 = tpu.vector_load %arg13[%swap3A_359] {strides = array<i32>} : memref<256xf32, #tpu.memory_space<vmem>>, vector<16xf32>,
    tpu.vector_store %arg13[%swap3A_359], %div3A_358 {strides = array<i32>} : memref<256xf32, #tpu.memory_space<vmem>>, vector<16xf32>,
    %mul3A_361 = arith.mulf %get3A_343, %select_n3A_357 : vector<16xf32>
    %swap3A_362 = arith.constant 0 : i32
    %swap3A_363 = arith.index_cast %swap3A_362 : i32 to index
    %swap3A_364 = arith.constant 144 : index
    %swap3A_365 = tpu.vector_load %arg18[%swap3A_363, %swap3A_364] {strides = array<i32>} : memref<4x256xf32, #tpu.memory_space<vmem>>, vector<16xf32>,
    tpu.vector_store %arg18[%swap3A_363, %swap3A_364], %mul3A_361 {strides = array<i32>} : memref<4x256xf32, #tpu.memory_space<vmem>>, vector<16xf32>,
    %get3A_366 = arith.constant 160 : index
    %get3A_367 = tpu.vector_load %arg11[%get3A_366] {strides = array<i32>} : memref<256xf32, #tpu.memory_space<vmem>>, vector<16xf32>,
    %max3A_368 = arith.constant 1.000000e+00 : f32
    %max3A_369 = vector.broadcast %max3A_368 : f32 to vector<16xf32>
    %max3A_370 = arith.maximumf %get3A_367, %max3A_369 : vector<16xf32>
    %get3A_371 = arith.constant 160 : index
    %get3A_372 = tpu.vector_load %arg12[%get3A_371] {strides = array<i32>} : memref<256xf32, #tpu.memory_space<vmem>>, vector<16xf32>,
    %div3A_373 = arith.divf %get3A_372, %max3A_370 : vector<16xf32>
    %gt3A_374 = arith.constant 5.000000e-01 : f32
    %gt3A_375 = vector.broadcast %gt3A_374 : f32 to vector<16xf32>
    %gt3A_376 = arith.cmpf ogt, %div3A_373, %gt3A_375 : vector<16xf32>
    %jit3A_377 = arith.constant 1.000000e+00 : f32
    %jit3A_378 = arith.constant 0.000000e+00 : f32
    %broadcast_in_dim3A_379 = vector.broadcast %jit3A_377 : f32 to vector<16xf32>
    %broadcast_in_dim3A_380 = vector.broadcast %jit3A_378 : f32 to vector<16xf32>
    %select_n3A_381 = arith.select %gt3A_376, %broadcast_in_dim3A_379, %broadcast_in_dim3A_380 : vector<16xi1>, vector<16xf32>
    %div3A_382 = arith.divf %select_n3A_381, %max3A_370 : vector<16xf32>
    %swap3A_383 = arith.constant 160 : index
    %swap3A_384 = tpu.vector_load %arg13[%swap3A_383] {strides = array<i32>} : memref<256xf32, #tpu.memory_space<vmem>>, vector<16xf32>,
    tpu.vector_store %arg13[%swap3A_383], %div3A_382 {strides = array<i32>} : memref<256xf32, #tpu.memory_space<vmem>>, vector<16xf32>,
    %mul3A_385 = arith.mulf %get3A_367, %select_n3A_381 : vector<16xf32>
    %swap3A_386 = arith.constant 0 : i32
    %swap3A_387 = arith.index_cast %swap3A_386 : i32 to index
    %swap3A_388 = arith.constant 160 : index
    %swap3A_389 = tpu.vector_load %arg18[%swap3A_387, %swap3A_388] {strides = array<i32>} : memref<4x256xf32, #tpu.memory_space<vmem>>, vector<16xf32>,
    tpu.vector_store %arg18[%swap3A_387, %swap3A_388], %mul3A_385 {strides = array<i32>} : memref<4x256xf32, #tpu.memory_space<vmem>>, vector<16xf32>,
    %get3A_390 = arith.constant 176 : index
    %get3A_391 = tpu.vector_load %arg11[%get3A_390] {strides = array<i32>} : memref<256xf32, #tpu.memory_space<vmem>>, vector<16xf32>,
    %max3A_392 = arith.constant 1.000000e+00 : f32
    %max3A_393 = vector.broadcast %max3A_392 : f32 to vector<16xf32>
    %max3A_394 = arith.maximumf %get3A_391, %max3A_393 : vector<16xf32>
    %get3A_395 = arith.constant 176 : index
    %get3A_396 = tpu.vector_load %arg12[%get3A_395] {strides = array<i32>} : memref<256xf32, #tpu.memory_space<vmem>>, vector<16xf32>,
    %div3A_397 = arith.divf %get3A_396, %max3A_394 : vector<16xf32>
    %gt3A_398 = arith.constant 5.000000e-01 : f32
    %gt3A_399 = vector.broadcast %gt3A_398 : f32 to vector<16xf32>
    %gt3A_400 = arith.cmpf ogt, %div3A_397, %gt3A_399 : vector<16xf32>
    %jit3A_401 = arith.constant 1.000000e+00 : f32
    %jit3A_402 = arith.constant 0.000000e+00 : f32
    %broadcast_in_dim3A_403 = vector.broadcast %jit3A_401 : f32 to vector<16xf32>
    %broadcast_in_dim3A_404 = vector.broadcast %jit3A_402 : f32 to vector<16xf32>
    %select_n3A_405 = arith.select %gt3A_400, %broadcast_in_dim3A_403, %broadcast_in_dim3A_404 : vector<16xi1>, vector<16xf32>
    %div3A_406 = arith.divf %select_n3A_405, %max3A_394 : vector<16xf32>
    %swap3A_407 = arith.constant 176 : index
    %swap3A_408 = tpu.vector_load %arg13[%swap3A_407] {strides = array<i32>} : memref<256xf32, #tpu.memory_space<vmem>>, vector<16xf32>,
    tpu.vector_store %arg13[%swap3A_407], %div3A_406 {strides = array<i32>} : memref<256xf32, #tpu.memory_space<vmem>>, vector<16xf32>,
    %mul3A_409 = arith.mulf %get3A_391, %select_n3A_405 : vector<16xf32>
    %swap3A_410 = arith.constant 0 : i32
    %swap3A_411 = arith.index_cast %swap3A_410 : i32 to index
    %swap3A_412 = arith.constant 176 : index
    %swap3A_413 = tpu.vector_load %arg18[%swap3A_411, %swap3A_412] {strides = array<i32>} : memref<4x256xf32, #tpu.memory_space<vmem>>, vector<16xf32>,
    tpu.vector_store %arg18[%swap3A_411, %swap3A_412], %mul3A_409 {strides = array<i32>} : memref<4x256xf32, #tpu.memory_space<vmem>>, vector<16xf32>,
    %get3A_414 = arith.constant 192 : index
    %get3A_415 = tpu.vector_load %arg11[%get3A_414] {strides = array<i32>} : memref<256xf32, #tpu.memory_space<vmem>>, vector<16xf32>,
    %max3A_416 = arith.constant 1.000000e+00 : f32
    %max3A_417 = vector.broadcast %max3A_416 : f32 to vector<16xf32>
    %max3A_418 = arith.maximumf %get3A_415, %max3A_417 : vector<16xf32>
    %get3A_419 = arith.constant 192 : index
    %get3A_420 = tpu.vector_load %arg12[%get3A_419] {strides = array<i32>} : memref<256xf32, #tpu.memory_space<vmem>>, vector<16xf32>,
    %div3A_421 = arith.divf %get3A_420, %max3A_418 : vector<16xf32>
    %gt3A_422 = arith.constant 5.000000e-01 : f32
    %gt3A_423 = vector.broadcast %gt3A_422 : f32 to vector<16xf32>
    %gt3A_424 = arith.cmpf ogt, %div3A_421, %gt3A_423 : vector<16xf32>
    %jit3A_425 = arith.constant 1.000000e+00 : f32
    %jit3A_426 = arith.constant 0.000000e+00 : f32
    %broadcast_in_dim3A_427 = vector.broadcast %jit3A_425 : f32 to vector<16xf32>
    %broadcast_in_dim3A_428 = vector.broadcast %jit3A_426 : f32 to vector<16xf32>
    %select_n3A_429 = arith.select %gt3A_424, %broadcast_in_dim3A_427, %broadcast_in_dim3A_428 : vector<16xi1>, vector<16xf32>
    %div3A_430 = arith.divf %select_n3A_429, %max3A_418 : vector<16xf32>
    %swap3A_431 = arith.constant 192 : index
    %swap3A_432 = tpu.vector_load %arg13[%swap3A_431] {strides = array<i32>} : memref<256xf32, #tpu.memory_space<vmem>>, vector<16xf32>,
    tpu.vector_store %arg13[%swap3A_431], %div3A_430 {strides = array<i32>} : memref<256xf32, #tpu.memory_space<vmem>>, vector<16xf32>,
    %mul3A_433 = arith.mulf %get3A_415, %select_n3A_429 : vector<16xf32>
    %swap3A_434 = arith.constant 0 : i32
    %swap3A_435 = arith.index_cast %swap3A_434 : i32 to index
    %swap3A_436 = arith.constant 192 : index
    %swap3A_437 = tpu.vector_load %arg18[%swap3A_435, %swap3A_436] {strides = array<i32>} : memref<4x256xf32, #tpu.memory_space<vmem>>, vector<16xf32>,
    tpu.vector_store %arg18[%swap3A_435, %swap3A_436], %mul3A_433 {strides = array<i32>} : memref<4x256xf32, #tpu.memory_space<vmem>>, vector<16xf32>,
    %get3A_438 = arith.constant 208 : index
    %get3A_439 = tpu.vector_load %arg11[%get3A_438] {strides = array<i32>} : memref<256xf32, #tpu.memory_space<vmem>>, vector<16xf32>,
    %max3A_440 = arith.constant 1.000000e+00 : f32
    %max3A_441 = vector.broadcast %max3A_440 : f32 to vector<16xf32>
    %max3A_442 = arith.maximumf %get3A_439, %max3A_441 : vector<16xf32>
    %get3A_443 = arith.constant 208 : index
    %get3A_444 = tpu.vector_load %arg12[%get3A_443] {strides = array<i32>} : memref<256xf32, #tpu.memory_space<vmem>>, vector<16xf32>,
    %div3A_445 = arith.divf %get3A_444, %max3A_442 : vector<16xf32>
    %gt3A_446 = arith.constant 5.000000e-01 : f32
    %gt3A_447 = vector.broadcast %gt3A_446 : f32 to vector<16xf32>
    %gt3A_448 = arith.cmpf ogt, %div3A_445, %gt3A_447 : vector<16xf32>
    %jit3A_449 = arith.constant 1.000000e+00 : f32
    %jit3A_450 = arith.constant 0.000000e+00 : f32
    %broadcast_in_dim3A_451 = vector.broadcast %jit3A_449 : f32 to vector<16xf32>
    %broadcast_in_dim3A_452 = vector.broadcast %jit3A_450 : f32 to vector<16xf32>
    %select_n3A_453 = arith.select %gt3A_448, %broadcast_in_dim3A_451, %broadcast_in_dim3A_452 : vector<16xi1>, vector<16xf32>
    %div3A_454 = arith.divf %select_n3A_453, %max3A_442 : vector<16xf32>
    %swap3A_455 = arith.constant 208 : index
    %swap3A_456 = tpu.vector_load %arg13[%swap3A_455] {strides = array<i32>} : memref<256xf32, #tpu.memory_space<vmem>>, vector<16xf32>,
    tpu.vector_store %arg13[%swap3A_455], %div3A_454 {strides = array<i32>} : memref<256xf32, #tpu.memory_space<vmem>>, vector<16xf32>,
    %mul3A_457 = arith.mulf %get3A_439, %select_n3A_453 : vector<16xf32>
    %swap3A_458 = arith.constant 0 : i32
    %swap3A_459 = arith.index_cast %swap3A_458 : i32 to index
    %swap3A_460 = arith.constant 208 : index
    %swap3A_461 = tpu.vector_load %arg18[%swap3A_459, %swap3A_460] {strides = array<i32>} : memref<4x256xf32, #tpu.memory_space<vmem>>, vector<16xf32>,
    tpu.vector_store %arg18[%swap3A_459, %swap3A_460], %mul3A_457 {strides = array<i32>} : memref<4x256xf32, #tpu.memory_space<vmem>>, vector<16xf32>,
    %get3A_462 = arith.constant 224 : index
    %get3A_463 = tpu.vector_load %arg11[%get3A_462] {strides = array<i32>} : memref<256xf32, #tpu.memory_space<vmem>>, vector<16xf32>,
    %max3A_464 = arith.constant 1.000000e+00 : f32
    %max3A_465 = vector.broadcast %max3A_464 : f32 to vector<16xf32>
    %max3A_466 = arith.maximumf %get3A_463, %max3A_465 : vector<16xf32>
    %get3A_467 = arith.constant 224 : index
    %get3A_468 = tpu.vector_load %arg12[%get3A_467] {strides = array<i32>} : memref<256xf32, #tpu.memory_space<vmem>>, vector<16xf32>,
    %div3A_469 = arith.divf %get3A_468, %max3A_466 : vector<16xf32>
    %gt3A_470 = arith.constant 5.000000e-01 : f32
    %gt3A_471 = vector.broadcast %gt3A_470 : f32 to vector<16xf32>
    %gt3A_472 = arith.cmpf ogt, %div3A_469, %gt3A_471 : vector<16xf32>
    %jit3A_473 = arith.constant 1.000000e+00 : f32
    %jit3A_474 = arith.constant 0.000000e+00 : f32
    %broadcast_in_dim3A_475 = vector.broadcast %jit3A_473 : f32 to vector<16xf32>
    %broadcast_in_dim3A_476 = vector.broadcast %jit3A_474 : f32 to vector<16xf32>
    %select_n3A_477 = arith.select %gt3A_472, %broadcast_in_dim3A_475, %broadcast_in_dim3A_476 : vector<16xi1>, vector<16xf32>
    %div3A_478 = arith.divf %select_n3A_477, %max3A_466 : vector<16xf32>
    %swap3A_479 = arith.constant 224 : index
    %swap3A_480 = tpu.vector_load %arg13[%swap3A_479] {strides = array<i32>} : memref<256xf32, #tpu.memory_space<vmem>>, vector<16xf32>,
    tpu.vector_store %arg13[%swap3A_479], %div3A_478 {strides = array<i32>} : memref<256xf32, #tpu.memory_space<vmem>>, vector<16xf32>,
    %mul3A_481 = arith.mulf %get3A_463, %select_n3A_477 : vector<16xf32>
    %swap3A_482 = arith.constant 0 : i32
    %swap3A_483 = arith.index_cast %swap3A_482 : i32 to index
    %swap3A_484 = arith.constant 224 : index
    %swap3A_485 = tpu.vector_load %arg18[%swap3A_483, %swap3A_484] {strides = array<i32>} : memref<4x256xf32, #tpu.memory_space<vmem>>, vector<16xf32>,
    tpu.vector_store %arg18[%swap3A_483, %swap3A_484], %mul3A_481 {strides = array<i32>} : memref<4x256xf32, #tpu.memory_space<vmem>>, vector<16xf32>,
    %get3A_486 = arith.constant 240 : index
    %get3A_487 = tpu.vector_load %arg11[%get3A_486] {strides = array<i32>} : memref<256xf32, #tpu.memory_space<vmem>>, vector<16xf32>,
    %max3A_488 = arith.constant 1.000000e+00 : f32
    %max3A_489 = vector.broadcast %max3A_488 : f32 to vector<16xf32>
    %max3A_490 = arith.maximumf %get3A_487, %max3A_489 : vector<16xf32>
    %get3A_491 = arith.constant 240 : index
    %get3A_492 = tpu.vector_load %arg12[%get3A_491] {strides = array<i32>} : memref<256xf32, #tpu.memory_space<vmem>>, vector<16xf32>,
    %div3A_493 = arith.divf %get3A_492, %max3A_490 : vector<16xf32>
    %gt3A_494 = arith.constant 5.000000e-01 : f32
    %gt3A_495 = vector.broadcast %gt3A_494 : f32 to vector<16xf32>
    %gt3A_496 = arith.cmpf ogt, %div3A_493, %gt3A_495 : vector<16xf32>
    %jit3A_497 = arith.constant 1.000000e+00 : f32
    %jit3A_498 = arith.constant 0.000000e+00 : f32
    %broadcast_in_dim3A_499 = vector.broadcast %jit3A_497 : f32 to vector<16xf32>
    %broadcast_in_dim3A_500 = vector.broadcast %jit3A_498 : f32 to vector<16xf32>
    %select_n3A_501 = arith.select %gt3A_496, %broadcast_in_dim3A_499, %broadcast_in_dim3A_500 : vector<16xi1>, vector<16xf32>
    %div3A_502 = arith.divf %select_n3A_501, %max3A_490 : vector<16xf32>
    %swap3A_503 = arith.constant 240 : index
    %swap3A_504 = tpu.vector_load %arg13[%swap3A_503] {strides = array<i32>} : memref<256xf32, #tpu.memory_space<vmem>>, vector<16xf32>,
    tpu.vector_store %arg13[%swap3A_503], %div3A_502 {strides = array<i32>} : memref<256xf32, #tpu.memory_space<vmem>>, vector<16xf32>,
    %mul3A_505 = arith.mulf %get3A_487, %select_n3A_501 : vector<16xf32>
    %swap3A_506 = arith.constant 0 : i32
    %swap3A_507 = arith.index_cast %swap3A_506 : i32 to index
    %swap3A_508 = arith.constant 240 : index
    %swap3A_509 = tpu.vector_load %arg18[%swap3A_507, %swap3A_508] {strides = array<i32>} : memref<4x256xf32, #tpu.memory_space<vmem>>, vector<16xf32>,
    tpu.vector_store %arg18[%swap3A_507, %swap3A_508], %mul3A_505 {strides = array<i32>} : memref<4x256xf32, #tpu.memory_space<vmem>>, vector<16xf32>,
    %eq3A_510 = arith.constant 0 : i32
    %eq3A_511 = arith.cmpi eq, %mul3A_32, %eq3A_510 : i32
    %convert_element_type3A = arith.extui %eq3A_511 : i1 to i32
    %cond3A = arith.constant 0 : i32
    %cond3A_512 = arith.cmpi ne, %convert_element_type3A, %cond3A : i32
    scf.if %cond3A_512 {
      %run_scoped3A = arith.constant 0 : i32
      "tpu.region"() ({
        %run_scoped3A_535 = tpu.sem_alloc : memref<!tpu.dma_semaphore, #tpu.memory_space<semaphore_mem>>
        %dma_start3A_536 = arith.constant 0 : i32
        %dma_start3A_537 = tpu.memref_slice %arg18[%run_scoped3A, %dma_start3A_536] : memref<4x256xf32, #tpu.memory_space<vmem>> -> memref<1x256xf32, #tpu.memory_space<vmem>>
        %dma_start3A_538 = tpu.memref_squeeze %dma_start3A_537 : memref<1x256xf32, #tpu.memory_space<vmem>> -> memref<256xf32, #tpu.memory_space<vmem>>
        %dma_start3A_539 = arith.constant 0 : i32
        %dma_start3A_540 = tpu.memref_slice %arg6[%select_n3A, %dma_start3A_539] : memref<16x256xf32, #tpu.memory_space<hbm>> -> memref<1x256xf32, #tpu.memory_space<hbm>>
        %dma_start3A_541 = tpu.memref_squeeze %dma_start3A_540 : memref<1x256xf32, #tpu.memory_space<hbm>> -> memref<256xf32, #tpu.memory_space<hbm>>
        %dma_start3A_542 = arith.constant 0 : i32
        %dma_start3A_543 = tpu.memref_slice %arg6[%select_n3A, %dma_start3A_542] : memref<16x256xf32, #tpu.memory_space<hbm>> -> memref<1x256xf32, #tpu.memory_space<hbm>>
        %dma_start3A_544 = tpu.memref_squeeze %dma_start3A_543 : memref<1x256xf32, #tpu.memory_space<hbm>> -> memref<256xf32, #tpu.memory_space<hbm>>
        %dma_start3A_545 = arith.constant 0 : i32
        %dma_start3A_546 = tpu.memref_slice %arg18[%run_scoped3A, %dma_start3A_545] : memref<4x256xf32, #tpu.memory_space<vmem>> -> memref<1x256xf32, #tpu.memory_space<vmem>>
        %dma_start3A_547 = tpu.memref_squeeze %dma_start3A_546 : memref<1x256xf32, #tpu.memory_space<vmem>> -> memref<256xf32, #tpu.memory_space<vmem>>
        tpu.enqueue_dma source(%dma_start3A_547 : memref<256xf32, #tpu.memory_space<vmem>>) target(%dma_start3A_544 : memref<256xf32, #tpu.memory_space<hbm>>) target_semaphore(%run_scoped3A_535 : memref<!tpu.dma_semaphore, #tpu.memory_space<semaphore_mem>>)
        %dma_wait3A_548 = arith.constant 0 : i32
        %dma_wait3A_549 = tpu.memref_slice %arg18[%run_scoped3A, %dma_wait3A_548] : memref<4x256xf32, #tpu.memory_space<vmem>> -> memref<1x256xf32, #tpu.memory_space<vmem>>
        %dma_wait3A_550 = tpu.memref_squeeze %dma_wait3A_549 : memref<1x256xf32, #tpu.memory_space<vmem>> -> memref<256xf32, #tpu.memory_space<vmem>>
        %dma_wait3A_551 = arith.constant 0 : i32
        %dma_wait3A_552 = tpu.memref_slice %arg6[%select_n3A, %dma_wait3A_551] : memref<16x256xf32, #tpu.memory_space<hbm>> -> memref<1x256xf32, #tpu.memory_space<hbm>>
        %dma_wait3A_553 = tpu.memref_squeeze %dma_wait3A_552 : memref<1x256xf32, #tpu.memory_space<hbm>> -> memref<256xf32, #tpu.memory_space<hbm>>
        %dma_wait3A_554 = arith.constant 0 : i32
        %dma_wait3A_555 = tpu.memref_slice %arg6[%select_n3A, %dma_wait3A_554] : memref<16x256xf32, #tpu.memory_space<hbm>> -> memref<1x256xf32, #tpu.memory_space<hbm>>
        %dma_wait3A_556 = tpu.memref_squeeze %dma_wait3A_555 : memref<1x256xf32, #tpu.memory_space<hbm>> -> memref<256xf32, #tpu.memory_space<hbm>>
        %dma_wait3A_557 = arith.constant 0 : i32
        %dma_wait3A_558 = tpu.memref_slice %arg18[%run_scoped3A, %dma_wait3A_557] : memref<4x256xf32, #tpu.memory_space<vmem>> -> memref<1x256xf32, #tpu.memory_space<vmem>>
        %dma_wait3A_559 = tpu.memref_squeeze %dma_wait3A_558 : memref<1x256xf32, #tpu.memory_space<vmem>> -> memref<256xf32, #tpu.memory_space<vmem>>
        tpu.wait_dma2 semaphore(%run_scoped3A_535 : memref<!tpu.dma_semaphore, #tpu.memory_space<semaphore_mem>>) src(%dma_wait3A_559 : memref<256xf32, #tpu.memory_space<vmem>>) dst(%dma_wait3A_556 : memref<256xf32, #tpu.memory_space<hbm>>)
        tpu.yield
      }) : () -> ()
    } else {
    }
    %scan3A = arith.constant 0 : i32
    %scan3A_513 = arith.constant 0 : i32
    %scan3A_514 = arith.constant 16 : i32
    %scan3A_515 = arith.addi %scan3A_513, %scan3A_514 : i32
    %scan3A_516 = arith.constant 1 : i32
    %scan3A_517 = scf.for %scan3A_535 = %scan3A_513 to %scan3A_515 step %scan3A_516 iter_args(%scan3A_536 = %scan3A) -> (i32)  : i32 {
      %mul3A_537 = arith.constant 8 : i32
      %mul3A_538 = arith.muli %mul3A_537, %scan3A_535 : i32
      %add3A_539 = arith.addi %mul3A_32, %mul3A_538 : i32
      %add3A_540 = arith.constant 4 : i32
      %add3A_541 = arith.addi %add3A_539, %add3A_540 : i32
      %dma_wait3A_542 = arith.constant 0 : i32
      %dma_wait3A_543 = tpu.memref_slice %arg2[%select_n3A, %add3A_539, %dma_wait3A_542] : memref<16x256x8192xf32, #tpu.memory_space<hbm>> -> memref<1x4x8192xf32, #tpu.memory_space<hbm>>
      %dma_wait3A_544 = tpu.memref_squeeze %dma_wait3A_543 : memref<1x4x8192xf32, #tpu.memory_space<hbm>> -> memref<4x8192xf32, #tpu.memory_space<hbm>>
      %dma_wait3A_545 = arith.constant 0 : i32
      %dma_wait3A_546 = tpu.memref_slice %arg2[%select_n3A, %add3A_539, %dma_wait3A_545] : memref<16x256x8192xf32, #tpu.memory_space<hbm>> -> memref<1x4x8192xf32, #tpu.memory_space<hbm>>
      %dma_wait3A_547 = tpu.memref_squeeze %dma_wait3A_546 : memref<1x4x8192xf32, #tpu.memory_space<hbm>> -> memref<4x8192xf32, #tpu.memory_space<hbm>>
      tpu.wait_dma2 semaphore(%arg20 : memref<!tpu.dma_semaphore, #tpu.memory_space<semaphore_mem>>) src(%dma_wait3A_547 : memref<4x8192xf32, #tpu.memory_space<hbm>>) dst(%arg9 : memref<4x8192xf32, #tpu.memory_space<vmem>>)
      %dma_start3A_548 = arith.constant 0 : i32
      %dma_start3A_549 = tpu.memref_slice %arg2[%select_n3A, %add3A_541, %dma_start3A_548] : memref<16x256x8192xf32, #tpu.memory_space<hbm>> -> memref<1x4x8192xf32, #tpu.memory_space<hbm>>
      %dma_start3A_550 = tpu.memref_squeeze %dma_start3A_549 : memref<1x4x8192xf32, #tpu.memory_space<hbm>> -> memref<4x8192xf32, #tpu.memory_space<hbm>>
      %dma_start3A_551 = arith.constant 0 : i32
      %dma_start3A_552 = tpu.memref_slice %arg2[%select_n3A, %add3A_541, %dma_start3A_551] : memref<16x256x8192xf32, #tpu.memory_space<hbm>> -> memref<1x4x8192xf32, #tpu.memory_space<hbm>>
      %dma_start3A_553 = tpu.memref_squeeze %dma_start3A_552 : memref<1x4x8192xf32, #tpu.memory_space<hbm>> -> memref<4x8192xf32, #tpu.memory_space<hbm>>
      tpu.enqueue_dma source(%dma_start3A_553 : memref<4x8192xf32, #tpu.memory_space<hbm>>) target(%arg10 : memref<4x8192xf32, #tpu.memory_space<vmem>>) target_semaphore(%arg21 : memref<!tpu.dma_semaphore, #tpu.memory_space<semaphore_mem>>)
      %eq3A_554 = arith.constant 0 : i32
      %eq3A_555 = arith.cmpi eq, %scan3A_535, %eq3A_554 : i32
      %swap3A_556 = arith.constant 0 : index
      %swap3A_557 = tpu.vector_load %arg14[%swap3A_556] {strides = array<i32>} : memref<256xf32, #tpu.memory_space<vmem>>, vector<16xf32>,
      tpu.vector_store %arg14[%swap3A_556], %broadcast_in_dim3A_35 {strides = array<i32>} : memref<256xf32, #tpu.memory_space<vmem>>, vector<16xf32>,
      %swap3A_558 = arith.constant 16 : index
      %swap3A_559 = tpu.vector_load %arg14[%swap3A_558] {strides = array<i32>} : memref<256xf32, #tpu.memory_space<vmem>>, vector<16xf32>,
      tpu.vector_store %arg14[%swap3A_558], %broadcast_in_dim3A_35 {strides = array<i32>} : memref<256xf32, #tpu.memory_space<vmem>>, vector<16xf32>,
      %swap3A_560 = arith.constant 32 : index
      %swap3A_561 = tpu.vector_load %arg14[%swap3A_560] {strides = array<i32>} : memref<256xf32, #tpu.memory_space<vmem>>, vector<16xf32>,
      tpu.vector_store %arg14[%swap3A_560], %broadcast_in_dim3A_35 {strides = array<i32>} : memref<256xf32, #tpu.memory_space<vmem>>, vector<16xf32>,
      %swap3A_562 = arith.constant 48 : index
      %swap3A_563 = tpu.vector_load %arg14[%swap3A_562] {strides = array<i32>} : memref<256xf32, #tpu.memory_space<vmem>>, vector<16xf32>,
      tpu.vector_store %arg14[%swap3A_562], %broadcast_in_dim3A_35 {strides = array<i32>} : memref<256xf32, #tpu.memory_space<vmem>>, vector<16xf32>,
      %swap3A_564 = arith.constant 64 : index
      %swap3A_565 = tpu.vector_load %arg14[%swap3A_564] {strides = array<i32>} : memref<256xf32, #tpu.memory_space<vmem>>, vector<16xf32>,
      tpu.vector_store %arg14[%swap3A_564], %broadcast_in_dim3A_35 {strides = array<i32>} : memref<256xf32, #tpu.memory_space<vmem>>, vector<16xf32>,
      %swap3A_566 = arith.constant 80 : index
      %swap3A_567 = tpu.vector_load %arg14[%swap3A_566] {strides = array<i32>} : memref<256xf32, #tpu.memory_space<vmem>>, vector<16xf32>,
      tpu.vector_store %arg14[%swap3A_566], %broadcast_in_dim3A_35 {strides = array<i32>} : memref<256xf32, #tpu.memory_space<vmem>>, vector<16xf32>,
      %swap3A_568 = arith.constant 96 : index
      %swap3A_569 = tpu.vector_load %arg14[%swap3A_568] {strides = array<i32>} : memref<256xf32, #tpu.memory_space<vmem>>, vector<16xf32>,
      tpu.vector_store %arg14[%swap3A_568], %broadcast_in_dim3A_35 {strides = array<i32>} : memref<256xf32, #tpu.memory_space<vmem>>, vector<16xf32>,
      %swap3A_570 = arith.constant 112 : index
      %swap3A_571 = tpu.vector_load %arg14[%swap3A_570] {strides = array<i32>} : memref<256xf32, #tpu.memory_space<vmem>>, vector<16xf32>,
      tpu.vector_store %arg14[%swap3A_570], %broadcast_in_dim3A_35 {strides = array<i32>} : memref<256xf32, #tpu.memory_space<vmem>>, vector<16xf32>,
      %swap3A_572 = arith.constant 128 : index
      %swap3A_573 = tpu.vector_load %arg14[%swap3A_572] {strides = array<i32>} : memref<256xf32, #tpu.memory_space<vmem>>, vector<16xf32>,
      tpu.vector_store %arg14[%swap3A_572], %broadcast_in_dim3A_35 {strides = array<i32>} : memref<256xf32, #tpu.memory_space<vmem>>, vector<16xf32>,
      %swap3A_574 = arith.constant 144 : index
      %swap3A_575 = tpu.vector_load %arg14[%swap3A_574] {strides = array<i32>} : memref<256xf32, #tpu.memory_space<vmem>>, vector<16xf32>,
      tpu.vector_store %arg14[%swap3A_574], %broadcast_in_dim3A_35 {strides = array<i32>} : memref<256xf32, #tpu.memory_space<vmem>>, vector<16xf32>,
      %swap3A_576 = arith.constant 160 : index
      %swap3A_577 = tpu.vector_load %arg14[%swap3A_576] {strides = array<i32>} : memref<256xf32, #tpu.memory_space<vmem>>, vector<16xf32>,
      tpu.vector_store %arg14[%swap3A_576], %broadcast_in_dim3A_35 {strides = array<i32>} : memref<256xf32, #tpu.memory_space<vmem>>, vector<16xf32>,
      %swap3A_578 = arith.constant 176 : index
      %swap3A_579 = tpu.vector_load %arg14[%swap3A_578] {strides = array<i32>} : memref<256xf32, #tpu.memory_space<vmem>>, vector<16xf32>,
      tpu.vector_store %arg14[%swap3A_578], %broadcast_in_dim3A_35 {strides = array<i32>} : memref<256xf32, #tpu.memory_space<vmem>>, vector<16xf32>,
      %swap3A_580 = arith.constant 192 : index
      %swap3A_581 = tpu.vector_load %arg14[%swap3A_580] {strides = array<i32>} : memref<256xf32, #tpu.memory_space<vmem>>, vector<16xf32>,
      tpu.vector_store %arg14[%swap3A_580], %broadcast_in_dim3A_35 {strides = array<i32>} : memref<256xf32, #tpu.memory_space<vmem>>, vector<16xf32>,
      %swap3A_582 = arith.constant 208 : index
      %swap3A_583 = tpu.vector_load %arg14[%swap3A_582] {strides = array<i32>} : memref<256xf32, #tpu.memory_space<vmem>>, vector<16xf32>,
      tpu.vector_store %arg14[%swap3A_582], %broadcast_in_dim3A_35 {strides = array<i32>} : memref<256xf32, #tpu.memory_space<vmem>>, vector<16xf32>,
      %swap3A_584 = arith.constant 224 : index
      %swap3A_585 = tpu.vector_load %arg14[%swap3A_584] {strides = array<i32>} : memref<256xf32, #tpu.memory_space<vmem>>, vector<16xf32>,
      tpu.vector_store %arg14[%swap3A_584], %broadcast_in_dim3A_35 {strides = array<i32>} : memref<256xf32, #tpu.memory_space<vmem>>, vector<16xf32>,
      %swap3A_586 = arith.constant 240 : index
      %swap3A_587 = tpu.vector_load %arg14[%swap3A_586] {strides = array<i32>} : memref<256xf32, #tpu.memory_space<vmem>>, vector<16xf32>,
      tpu.vector_store %arg14[%swap3A_586], %broadcast_in_dim3A_35 {strides = array<i32>} : memref<256xf32, #tpu.memory_space<vmem>>, vector<16xf32>,
      %swap3A_588 = arith.constant 0 : index
      %swap3A_589 = tpu.vector_load %arg15[%swap3A_588] {strides = array<i32>} : memref<256xf32, #tpu.memory_space<vmem>>, vector<16xf32>,
      tpu.vector_store %arg15[%swap3A_588], %broadcast_in_dim3A_35 {strides = array<i32>} : memref<256xf32, #tpu.memory_space<vmem>>, vector<16xf32>,
      %swap3A_590 = arith.constant 16 : index
      %swap3A_591 = tpu.vector_load %arg15[%swap3A_590] {strides = array<i32>} : memref<256xf32, #tpu.memory_space<vmem>>, vector<16xf32>,
      tpu.vector_store %arg15[%swap3A_590], %broadcast_in_dim3A_35 {strides = array<i32>} : memref<256xf32, #tpu.memory_space<vmem>>, vector<16xf32>,
      %swap3A_592 = arith.constant 32 : index
      %swap3A_593 = tpu.vector_load %arg15[%swap3A_592] {strides = array<i32>} : memref<256xf32, #tpu.memory_space<vmem>>, vector<16xf32>,
      tpu.vector_store %arg15[%swap3A_592], %broadcast_in_dim3A_35 {strides = array<i32>} : memref<256xf32, #tpu.memory_space<vmem>>, vector<16xf32>,
      %swap3A_594 = arith.constant 48 : index
      %swap3A_595 = tpu.vector_load %arg15[%swap3A_594] {strides = array<i32>} : memref<256xf32, #tpu.memory_space<vmem>>, vector<16xf32>,
      tpu.vector_store %arg15[%swap3A_594], %broadcast_in_dim3A_35 {strides = array<i32>} : memref<256xf32, #tpu.memory_space<vmem>>, vector<16xf32>,
      %swap3A_596 = arith.constant 64 : index
      %swap3A_597 = tpu.vector_load %arg15[%swap3A_596] {strides = array<i32>} : memref<256xf32, #tpu.memory_space<vmem>>, vector<16xf32>,
      tpu.vector_store %arg15[%swap3A_596], %broadcast_in_dim3A_35 {strides = array<i32>} : memref<256xf32, #tpu.memory_space<vmem>>, vector<16xf32>,
      %swap3A_598 = arith.constant 80 : index
      %swap3A_599 = tpu.vector_load %arg15[%swap3A_598] {strides = array<i32>} : memref<256xf32, #tpu.memory_space<vmem>>, vector<16xf32>,
      tpu.vector_store %arg15[%swap3A_598], %broadcast_in_dim3A_35 {strides = array<i32>} : memref<256xf32, #tpu.memory_space<vmem>>, vector<16xf32>,
      %swap3A_600 = arith.constant 96 : index
      %swap3A_601 = tpu.vector_load %arg15[%swap3A_600] {strides = array<i32>} : memref<256xf32, #tpu.memory_space<vmem>>, vector<16xf32>,
      tpu.vector_store %arg15[%swap3A_600], %broadcast_in_dim3A_35 {strides = array<i32>} : memref<256xf32, #tpu.memory_space<vmem>>, vector<16xf32>,
      %swap3A_602 = arith.constant 112 : index
      %swap3A_603 = tpu.vector_load %arg15[%swap3A_602] {strides = array<i32>} : memref<256xf32, #tpu.memory_space<vmem>>, vector<16xf32>,
      tpu.vector_store %arg15[%swap3A_602], %broadcast_in_dim3A_35 {strides = array<i32>} : memref<256xf32, #tpu.memory_space<vmem>>, vector<16xf32>,
      %swap3A_604 = arith.constant 128 : index
      %swap3A_605 = tpu.vector_load %arg15[%swap3A_604] {strides = array<i32>} : memref<256xf32, #tpu.memory_space<vmem>>, vector<16xf32>,
      tpu.vector_store %arg15[%swap3A_604], %broadcast_in_dim3A_35 {strides = array<i32>} : memref<256xf32, #tpu.memory_space<vmem>>, vector<16xf32>,
      %swap3A_606 = arith.constant 144 : index
      %swap3A_607 = tpu.vector_load %arg15[%swap3A_606] {strides = array<i32>} : memref<256xf32, #tpu.memory_space<vmem>>, vector<16xf32>,
      tpu.vector_store %arg15[%swap3A_606], %broadcast_in_dim3A_35 {strides = array<i32>} : memref<256xf32, #tpu.memory_space<vmem>>, vector<16xf32>,
      %swap3A_608 = arith.constant 160 : index
      %swap3A_609 = tpu.vector_load %arg15[%swap3A_608] {strides = array<i32>} : memref<256xf32, #tpu.memory_space<vmem>>, vector<16xf32>,
      tpu.vector_store %arg15[%swap3A_608], %broadcast_in_dim3A_35 {strides = array<i32>} : memref<256xf32, #tpu.memory_space<vmem>>, vector<16xf32>,
      %swap3A_610 = arith.constant 176 : index
      %swap3A_611 = tpu.vector_load %arg15[%swap3A_610] {strides = array<i32>} : memref<256xf32, #tpu.memory_space<vmem>>, vector<16xf32>,
      tpu.vector_store %arg15[%swap3A_610], %broadcast_in_dim3A_35 {strides = array<i32>} : memref<256xf32, #tpu.memory_space<vmem>>, vector<16xf32>,
      %swap3A_612 = arith.constant 192 : index
      %swap3A_613 = tpu.vector_load %arg15[%swap3A_612] {strides = array<i32>} : memref<256xf32, #tpu.memory_space<vmem>>, vector<16xf32>,
      tpu.vector_store %arg15[%swap3A_612], %broadcast_in_dim3A_35 {strides = array<i32>} : memref<256xf32, #tpu.memory_space<vmem>>, vector<16xf32>,
      %swap3A_614 = arith.constant 208 : index
      %swap3A_615 = tpu.vector_load %arg15[%swap3A_614] {strides = array<i32>} : memref<256xf32, #tpu.memory_space<vmem>>, vector<16xf32>,
      tpu.vector_store %arg15[%swap3A_614], %broadcast_in_dim3A_35 {strides = array<i32>} : memref<256xf32, #tpu.memory_space<vmem>>, vector<16xf32>,
      %swap3A_616 = arith.constant 224 : index
      %swap3A_617 = tpu.vector_load %arg15[%swap3A_616] {strides = array<i32>} : memref<256xf32, #tpu.memory_space<vmem>>, vector<16xf32>,
      tpu.vector_store %arg15[%swap3A_616], %broadcast_in_dim3A_35 {strides = array<i32>} : memref<256xf32, #tpu.memory_space<vmem>>, vector<16xf32>,
      %swap3A_618 = arith.constant 240 : index
      %swap3A_619 = tpu.vector_load %arg15[%swap3A_618] {strides = array<i32>} : memref<256xf32, #tpu.memory_space<vmem>>, vector<16xf32>,
      tpu.vector_store %arg15[%swap3A_618], %broadcast_in_dim3A_35 {strides = array<i32>} : memref<256xf32, #tpu.memory_space<vmem>>, vector<16xf32>,
      %swap3A_620 = arith.constant 0 : index
      %swap3A_621 = tpu.vector_load %arg16[%swap3A_620] {strides = array<i32>} : memref<256xf32, #tpu.memory_space<vmem>>, vector<16xf32>,
      tpu.vector_store %arg16[%swap3A_620], %broadcast_in_dim3A_35 {strides = array<i32>} : memref<256xf32, #tpu.memory_space<vmem>>, vector<16xf32>,
      %swap3A_622 = arith.constant 16 : index
      %swap3A_623 = tpu.vector_load %arg16[%swap3A_622] {strides = array<i32>} : memref<256xf32, #tpu.memory_space<vmem>>, vector<16xf32>,
      tpu.vector_store %arg16[%swap3A_622], %broadcast_in_dim3A_35 {strides = array<i32>} : memref<256xf32, #tpu.memory_space<vmem>>, vector<16xf32>,
      %swap3A_624 = arith.constant 32 : index
      %swap3A_625 = tpu.vector_load %arg16[%swap3A_624] {strides = array<i32>} : memref<256xf32, #tpu.memory_space<vmem>>, vector<16xf32>,
      tpu.vector_store %arg16[%swap3A_624], %broadcast_in_dim3A_35 {strides = array<i32>} : memref<256xf32, #tpu.memory_space<vmem>>, vector<16xf32>,
      %swap3A_626 = arith.constant 48 : index
      %swap3A_627 = tpu.vector_load %arg16[%swap3A_626] {strides = array<i32>} : memref<256xf32, #tpu.memory_space<vmem>>, vector<16xf32>,
      tpu.vector_store %arg16[%swap3A_626], %broadcast_in_dim3A_35 {strides = array<i32>} : memref<256xf32, #tpu.memory_space<vmem>>, vector<16xf32>,
      %swap3A_628 = arith.constant 64 : index
      %swap3A_629 = tpu.vector_load %arg16[%swap3A_628] {strides = array<i32>} : memref<256xf32, #tpu.memory_space<vmem>>, vector<16xf32>,
      tpu.vector_store %arg16[%swap3A_628], %broadcast_in_dim3A_35 {strides = array<i32>} : memref<256xf32, #tpu.memory_space<vmem>>, vector<16xf32>,
      %swap3A_630 = arith.constant 80 : index
      %swap3A_631 = tpu.vector_load %arg16[%swap3A_630] {strides = array<i32>} : memref<256xf32, #tpu.memory_space<vmem>>, vector<16xf32>,
      tpu.vector_store %arg16[%swap3A_630], %broadcast_in_dim3A_35 {strides = array<i32>} : memref<256xf32, #tpu.memory_space<vmem>>, vector<16xf32>,
      %swap3A_632 = arith.constant 96 : index
      %swap3A_633 = tpu.vector_load %arg16[%swap3A_632] {strides = array<i32>} : memref<256xf32, #tpu.memory_space<vmem>>, vector<16xf32>,
      tpu.vector_store %arg16[%swap3A_632], %broadcast_in_dim3A_35 {strides = array<i32>} : memref<256xf32, #tpu.memory_space<vmem>>, vector<16xf32>,
      %swap3A_634 = arith.constant 112 : index
      %swap3A_635 = tpu.vector_load %arg16[%swap3A_634] {strides = array<i32>} : memref<256xf32, #tpu.memory_space<vmem>>, vector<16xf32>,
      tpu.vector_store %arg16[%swap3A_634], %broadcast_in_dim3A_35 {strides = array<i32>} : memref<256xf32, #tpu.memory_space<vmem>>, vector<16xf32>,
      %swap3A_636 = arith.constant 128 : index
      %swap3A_637 = tpu.vector_load %arg16[%swap3A_636] {strides = array<i32>} : memref<256xf32, #tpu.memory_space<vmem>>, vector<16xf32>,
      tpu.vector_store %arg16[%swap3A_636], %broadcast_in_dim3A_35 {strides = array<i32>} : memref<256xf32, #tpu.memory_space<vmem>>, vector<16xf32>,
      %swap3A_638 = arith.constant 144 : index
      %swap3A_639 = tpu.vector_load %arg16[%swap3A_638] {strides = array<i32>} : memref<256xf32, #tpu.memory_space<vmem>>, vector<16xf32>,
      tpu.vector_store %arg16[%swap3A_638], %broadcast_in_dim3A_35 {strides = array<i32>} : memref<256xf32, #tpu.memory_space<vmem>>, vector<16xf32>,
      %swap3A_640 = arith.constant 160 : index
      %swap3A_641 = tpu.vector_load %arg16[%swap3A_640] {strides = array<i32>} : memref<256xf32, #tpu.memory_space<vmem>>, vector<16xf32>,
      tpu.vector_store %arg16[%swap3A_640], %broadcast_in_dim3A_35 {strides = array<i32>} : memref<256xf32, #tpu.memory_space<vmem>>, vector<16xf32>,
      %swap3A_642 = arith.constant 176 : index
      %swap3A_643 = tpu.vector_load %arg16[%swap3A_642] {strides = array<i32>} : memref<256xf32, #tpu.memory_space<vmem>>, vector<16xf32>,
      tpu.vector_store %arg16[%swap3A_642], %broadcast_in_dim3A_35 {strides = array<i32>} : memref<256xf32, #tpu.memory_space<vmem>>, vector<16xf32>,
      %swap3A_644 = arith.constant 192 : index
      %swap3A_645 = tpu.vector_load %arg16[%swap3A_644] {strides = array<i32>} : memref<256xf32, #tpu.memory_space<vmem>>, vector<16xf32>,
      tpu.vector_store %arg16[%swap3A_644], %broadcast_in_dim3A_35 {strides = array<i32>} : memref<256xf32, #tpu.memory_space<vmem>>, vector<16xf32>,
      %swap3A_646 = arith.constant 208 : index
      %swap3A_647 = tpu.vector_load %arg16[%swap3A_646] {strides = array<i32>} : memref<256xf32, #tpu.memory_space<vmem>>, vector<16xf32>,
      tpu.vector_store %arg16[%swap3A_646], %broadcast_in_dim3A_35 {strides = array<i32>} : memref<256xf32, #tpu.memory_space<vmem>>, vector<16xf32>,
      %swap3A_648 = arith.constant 224 : index
      %swap3A_649 = tpu.vector_load %arg16[%swap3A_648] {strides = array<i32>} : memref<256xf32, #tpu.memory_space<vmem>>, vector<16xf32>,
      tpu.vector_store %arg16[%swap3A_648], %broadcast_in_dim3A_35 {strides = array<i32>} : memref<256xf32, #tpu.memory_space<vmem>>, vector<16xf32>,
      %swap3A_650 = arith.constant 240 : index
      %swap3A_651 = tpu.vector_load %arg16[%swap3A_650] {strides = array<i32>} : memref<256xf32, #tpu.memory_space<vmem>>, vector<16xf32>,
      tpu.vector_store %arg16[%swap3A_650], %broadcast_in_dim3A_35 {strides = array<i32>} : memref<256xf32, #tpu.memory_space<vmem>>, vector<16xf32>,
      %swap3A_652 = arith.constant 0 : index
      %swap3A_653 = tpu.vector_load %arg17[%swap3A_652] {strides = array<i32>} : memref<256xf32, #tpu.memory_space<vmem>>, vector<16xf32>,
      tpu.vector_store %arg17[%swap3A_652], %broadcast_in_dim3A_35 {strides = array<i32>} : memref<256xf32, #tpu.memory_space<vmem>>, vector<16xf32>,
      %swap3A_654 = arith.constant 16 : index
      %swap3A_655 = tpu.vector_load %arg17[%swap3A_654] {strides = array<i32>} : memref<256xf32, #tpu.memory_space<vmem>>, vector<16xf32>,
      tpu.vector_store %arg17[%swap3A_654], %broadcast_in_dim3A_35 {strides = array<i32>} : memref<256xf32, #tpu.memory_space<vmem>>, vector<16xf32>,
      %swap3A_656 = arith.constant 32 : index
      %swap3A_657 = tpu.vector_load %arg17[%swap3A_656] {strides = array<i32>} : memref<256xf32, #tpu.memory_space<vmem>>, vector<16xf32>,
      tpu.vector_store %arg17[%swap3A_656], %broadcast_in_dim3A_35 {strides = array<i32>} : memref<256xf32, #tpu.memory_space<vmem>>, vector<16xf32>,
      %swap3A_658 = arith.constant 48 : index
      %swap3A_659 = tpu.vector_load %arg17[%swap3A_658] {strides = array<i32>} : memref<256xf32, #tpu.memory_space<vmem>>, vector<16xf32>,
      tpu.vector_store %arg17[%swap3A_658], %broadcast_in_dim3A_35 {strides = array<i32>} : memref<256xf32, #tpu.memory_space<vmem>>, vector<16xf32>,
      %swap3A_660 = arith.constant 64 : index
      %swap3A_661 = tpu.vector_load %arg17[%swap3A_660] {strides = array<i32>} : memref<256xf32, #tpu.memory_space<vmem>>, vector<16xf32>,
      tpu.vector_store %arg17[%swap3A_660], %broadcast_in_dim3A_35 {strides = array<i32>} : memref<256xf32, #tpu.memory_space<vmem>>, vector<16xf32>,
      %swap3A_662 = arith.constant 80 : index
      %swap3A_663 = tpu.vector_load %arg17[%swap3A_662] {strides = array<i32>} : memref<256xf32, #tpu.memory_space<vmem>>, vector<16xf32>,
      tpu.vector_store %arg17[%swap3A_662], %broadcast_in_dim3A_35 {strides = array<i32>} : memref<256xf32, #tpu.memory_space<vmem>>, vector<16xf32>,
      %swap3A_664 = arith.constant 96 : index
      %swap3A_665 = tpu.vector_load %arg17[%swap3A_664] {strides = array<i32>} : memref<256xf32, #tpu.memory_space<vmem>>, vector<16xf32>,
      tpu.vector_store %arg17[%swap3A_664], %broadcast_in_dim3A_35 {strides = array<i32>} : memref<256xf32, #tpu.memory_space<vmem>>, vector<16xf32>,
      %swap3A_666 = arith.constant 112 : index
      %swap3A_667 = tpu.vector_load %arg17[%swap3A_666] {strides = array<i32>} : memref<256xf32, #tpu.memory_space<vmem>>, vector<16xf32>,
      tpu.vector_store %arg17[%swap3A_666], %broadcast_in_dim3A_35 {strides = array<i32>} : memref<256xf32, #tpu.memory_space<vmem>>, vector<16xf32>,
      %swap3A_668 = arith.constant 128 : index
      %swap3A_669 = tpu.vector_load %arg17[%swap3A_668] {strides = array<i32>} : memref<256xf32, #tpu.memory_space<vmem>>, vector<16xf32>,
      tpu.vector_store %arg17[%swap3A_668], %broadcast_in_dim3A_35 {strides = array<i32>} : memref<256xf32, #tpu.memory_space<vmem>>, vector<16xf32>,
      %swap3A_670 = arith.constant 144 : index
      %swap3A_671 = tpu.vector_load %arg17[%swap3A_670] {strides = array<i32>} : memref<256xf32, #tpu.memory_space<vmem>>, vector<16xf32>,
      tpu.vector_store %arg17[%swap3A_670], %broadcast_in_dim3A_35 {strides = array<i32>} : memref<256xf32, #tpu.memory_space<vmem>>, vector<16xf32>,
      %swap3A_672 = arith.constant 160 : index
      %swap3A_673 = tpu.vector_load %arg17[%swap3A_672] {strides = array<i32>} : memref<256xf32, #tpu.memory_space<vmem>>, vector<16xf32>,
      tpu.vector_store %arg17[%swap3A_672], %broadcast_in_dim3A_35 {strides = array<i32>} : memref<256xf32, #tpu.memory_space<vmem>>, vector<16xf32>,
      %swap3A_674 = arith.constant 176 : index
      %swap3A_675 = tpu.vector_load %arg17[%swap3A_674] {strides = array<i32>} : memref<256xf32, #tpu.memory_space<vmem>>, vector<16xf32>,
      tpu.vector_store %arg17[%swap3A_674], %broadcast_in_dim3A_35 {strides = array<i32>} : memref<256xf32, #tpu.memory_space<vmem>>, vector<16xf32>,
      %swap3A_676 = arith.constant 192 : index
      %swap3A_677 = tpu.vector_load %arg17[%swap3A_676] {strides = array<i32>} : memref<256xf32, #tpu.memory_space<vmem>>, vector<16xf32>,
      tpu.vector_store %arg17[%swap3A_676], %broadcast_in_dim3A_35 {strides = array<i32>} : memref<256xf32, #tpu.memory_space<vmem>>, vector<16xf32>,
      %swap3A_678 = arith.constant 208 : index
      %swap3A_679 = tpu.vector_load %arg17[%swap3A_678] {strides = array<i32>} : memref<256xf32, #tpu.memory_space<vmem>>, vector<16xf32>,
      tpu.vector_store %arg17[%swap3A_678], %broadcast_in_dim3A_35 {strides = array<i32>} : memref<256xf32, #tpu.memory_space<vmem>>, vector<16xf32>,
      %swap3A_680 = arith.constant 224 : index
      %swap3A_681 = tpu.vector_load %arg17[%swap3A_680] {strides = array<i32>} : memref<256xf32, #tpu.memory_space<vmem>>, vector<16xf32>,
      tpu.vector_store %arg17[%swap3A_680], %broadcast_in_dim3A_35 {strides = array<i32>} : memref<256xf32, #tpu.memory_space<vmem>>, vector<16xf32>,
      %swap3A_682 = arith.constant 240 : index
      %swap3A_683 = tpu.vector_load %arg17[%swap3A_682] {strides = array<i32>} : memref<256xf32, #tpu.memory_space<vmem>>, vector<16xf32>,
      tpu.vector_store %arg17[%swap3A_682], %broadcast_in_dim3A_35 {strides = array<i32>} : memref<256xf32, #tpu.memory_space<vmem>>, vector<16xf32>,
      %parallel_loop3A_684 = arith.constant 0 : i32
      %parallel_loop3A_685 = arith.constant 512 : i32
      %parallel_loop3A_686 = arith.constant 1 : i32
      scf.for %parallel_loop3A_2005 = %parallel_loop3A_684 to %parallel_loop3A_685 step %parallel_loop3A_686  : i32 {
        %parallel_loop3A_2006 = arith.constant 16 : i32
        %parallel_loop3A_2007 = arith.muli %parallel_loop3A_2005, %parallel_loop3A_2006 : i32
        %parallel_loop3A_2008 = arith.index_cast %parallel_loop3A_2007 : i32 to index
        %parallel_loop3A_2009 = tpu.vector_load %arg7[%parallel_loop3A_2008] {strides = array<i32>} : memref<8192xi32, #tpu.memory_space<vmem>>, vector<16xi32>,
        %parallel_loop3A_2010 = arith.constant 0 : i32
        %parallel_loop3A_2011 = arith.index_cast %parallel_loop3A_2010 : i32 to index
        %parallel_loop3A_2012 = arith.index_cast %parallel_loop3A_2007 : i32 to index
        %parallel_loop3A_2013 = tpu.vector_load %arg9[%parallel_loop3A_2011, %parallel_loop3A_2012] {strides = array<i32>} : memref<4x8192xf32, #tpu.memory_space<vmem>>, vector<16xf32>,
        tpu.vector_store_idx %arg14[%parallel_loop3A_2009], %parallel_loop3A_2013 {add = true} : memref<256xf32, #tpu.memory_space<vmem>>[vector<16xi32>], vector<16xf32>,
        %parallel_loop3A_2014 = arith.constant 1 : i32
        %parallel_loop3A_2015 = arith.index_cast %parallel_loop3A_2014 : i32 to index
        %parallel_loop3A_2016 = arith.index_cast %parallel_loop3A_2007 : i32 to index
        %parallel_loop3A_2017 = tpu.vector_load %arg9[%parallel_loop3A_2015, %parallel_loop3A_2016] {strides = array<i32>} : memref<4x8192xf32, #tpu.memory_space<vmem>>, vector<16xf32>,
        tpu.vector_store_idx %arg15[%parallel_loop3A_2009], %parallel_loop3A_2017 {add = true} : memref<256xf32, #tpu.memory_space<vmem>>[vector<16xi32>], vector<16xf32>,
        %parallel_loop3A_2018 = arith.constant 2 : i32
        %parallel_loop3A_2019 = arith.index_cast %parallel_loop3A_2018 : i32 to index
        %parallel_loop3A_2020 = arith.index_cast %parallel_loop3A_2007 : i32 to index
        %parallel_loop3A_2021 = tpu.vector_load %arg9[%parallel_loop3A_2019, %parallel_loop3A_2020] {strides = array<i32>} : memref<4x8192xf32, #tpu.memory_space<vmem>>, vector<16xf32>,
        tpu.vector_store_idx %arg16[%parallel_loop3A_2009], %parallel_loop3A_2021 {add = true} : memref<256xf32, #tpu.memory_space<vmem>>[vector<16xi32>], vector<16xf32>,
        %parallel_loop3A_2022 = arith.constant 3 : i32
        %parallel_loop3A_2023 = arith.index_cast %parallel_loop3A_2022 : i32 to index
        %parallel_loop3A_2024 = arith.index_cast %parallel_loop3A_2007 : i32 to index
        %parallel_loop3A_2025 = tpu.vector_load %arg9[%parallel_loop3A_2023, %parallel_loop3A_2024] {strides = array<i32>} : memref<4x8192xf32, #tpu.memory_space<vmem>>, vector<16xf32>,
        tpu.vector_store_idx %arg17[%parallel_loop3A_2009], %parallel_loop3A_2025 {add = true} : memref<256xf32, #tpu.memory_space<vmem>>[vector<16xi32>], vector<16xf32>,
      } {sc.loop_unroll_factor = 2 : i64, sc.parallel_access}
      %not3A = arith.constant true
      %not3A_687 = arith.xori %eq3A_555, %not3A : i1
      %convert_element_type3A_688 = arith.extui %not3A_687 : i1 to i32
      %cond3A_689 = arith.constant 0 : i32
      %cond3A_690 = arith.cmpi ne, %convert_element_type3A_688, %cond3A_689 : i32
      scf.if %cond3A_690 {
        %dma_wait3A_2005 = arith.constant 0 : i32
        %dma_wait3A_2006 = tpu.memref_slice %arg5[%select_n3A, %add3A_539, %dma_wait3A_2005] : memref<16x256x256xf32, #tpu.memory_space<hbm>> -> memref<1x4x256xf32, #tpu.memory_space<hbm>>
        %dma_wait3A_2007 = tpu.memref_squeeze %dma_wait3A_2006 : memref<1x4x256xf32, #tpu.memory_space<hbm>> -> memref<4x256xf32, #tpu.memory_space<hbm>>
        %dma_wait3A_2008 = arith.constant 0 : i32
        %dma_wait3A_2009 = tpu.memref_slice %arg5[%select_n3A, %add3A_539, %dma_wait3A_2008] : memref<16x256x256xf32, #tpu.memory_space<hbm>> -> memref<1x4x256xf32, #tpu.memory_space<hbm>>
        %dma_wait3A_2010 = tpu.memref_squeeze %dma_wait3A_2009 : memref<1x4x256xf32, #tpu.memory_space<hbm>> -> memref<4x256xf32, #tpu.memory_space<hbm>>
        tpu.wait_dma2 semaphore(%arg22 : memref<!tpu.dma_semaphore, #tpu.memory_space<semaphore_mem>>) src(%arg18 : memref<4x256xf32, #tpu.memory_space<vmem>>) dst(%dma_wait3A_2010 : memref<4x256xf32, #tpu.memory_space<hbm>>)
      } else {
      }
      %get3A_691 = arith.constant 0 : index
      %get3A_692 = tpu.vector_load %arg14[%get3A_691] {strides = array<i32>} : memref<256xf32, #tpu.memory_space<vmem>>, vector<16xf32>,
      %get3A_693 = arith.constant 0 : index
      %get3A_694 = tpu.vector_load %arg13[%get3A_693] {strides = array<i32>} : memref<256xf32, #tpu.memory_space<vmem>>, vector<16xf32>,
      %mul3A_695 = arith.mulf %get3A_692, %get3A_694 : vector<16xf32>
      %swap3A_696 = arith.constant 0 : i32
      %swap3A_697 = arith.index_cast %swap3A_696 : i32 to index
      %swap3A_698 = arith.constant 0 : index
      %swap3A_699 = tpu.vector_load %arg18[%swap3A_697, %swap3A_698] {strides = array<i32>} : memref<4x256xf32, #tpu.memory_space<vmem>>, vector<16xf32>,
      tpu.vector_store %arg18[%swap3A_697, %swap3A_698], %mul3A_695 {strides = array<i32>} : memref<4x256xf32, #tpu.memory_space<vmem>>, vector<16xf32>,
      %get3A_700 = arith.constant 16 : index
      %get3A_701 = tpu.vector_load %arg14[%get3A_700] {strides = array<i32>} : memref<256xf32, #tpu.memory_space<vmem>>, vector<16xf32>,
      %get3A_702 = arith.constant 16 : index
      %get3A_703 = tpu.vector_load %arg13[%get3A_702] {strides = array<i32>} : memref<256xf32, #tpu.memory_space<vmem>>, vector<16xf32>,
      %mul3A_704 = arith.mulf %get3A_701, %get3A_703 : vector<16xf32>
      %swap3A_705 = arith.constant 0 : i32
      %swap3A_706 = arith.index_cast %swap3A_705 : i32 to index
      %swap3A_707 = arith.constant 16 : index
      %swap3A_708 = tpu.vector_load %arg18[%swap3A_706, %swap3A_707] {strides = array<i32>} : memref<4x256xf32, #tpu.memory_space<vmem>>, vector<16xf32>,
      tpu.vector_store %arg18[%swap3A_706, %swap3A_707], %mul3A_704 {strides = array<i32>} : memref<4x256xf32, #tpu.memory_space<vmem>>, vector<16xf32>,
      %get3A_709 = arith.constant 32 : index
      %get3A_710 = tpu.vector_load %arg14[%get3A_709] {strides = array<i32>} : memref<256xf32, #tpu.memory_space<vmem>>, vector<16xf32>,
      %get3A_711 = arith.constant 32 : index
      %get3A_712 = tpu.vector_load %arg13[%get3A_711] {strides = array<i32>} : memref<256xf32, #tpu.memory_space<vmem>>, vector<16xf32>,
      %mul3A_713 = arith.mulf %get3A_710, %get3A_712 : vector<16xf32>
      %swap3A_714 = arith.constant 0 : i32
      %swap3A_715 = arith.index_cast %swap3A_714 : i32 to index
      %swap3A_716 = arith.constant 32 : index
      %swap3A_717 = tpu.vector_load %arg18[%swap3A_715, %swap3A_716] {strides = array<i32>} : memref<4x256xf32, #tpu.memory_space<vmem>>, vector<16xf32>,
      tpu.vector_store %arg18[%swap3A_715, %swap3A_716], %mul3A_713 {strides = array<i32>} : memref<4x256xf32, #tpu.memory_space<vmem>>, vector<16xf32>,
      %get3A_718 = arith.constant 48 : index
      %get3A_719 = tpu.vector_load %arg14[%get3A_718] {strides = array<i32>} : memref<256xf32, #tpu.memory_space<vmem>>, vector<16xf32>,
      %get3A_720 = arith.constant 48 : index
      %get3A_721 = tpu.vector_load %arg13[%get3A_720] {strides = array<i32>} : memref<256xf32, #tpu.memory_space<vmem>>, vector<16xf32>,
      %mul3A_722 = arith.mulf %get3A_719, %get3A_721 : vector<16xf32>
      %swap3A_723 = arith.constant 0 : i32
      %swap3A_724 = arith.index_cast %swap3A_723 : i32 to index
      %swap3A_725 = arith.constant 48 : index
      %swap3A_726 = tpu.vector_load %arg18[%swap3A_724, %swap3A_725] {strides = array<i32>} : memref<4x256xf32, #tpu.memory_space<vmem>>, vector<16xf32>,
      tpu.vector_store %arg18[%swap3A_724, %swap3A_725], %mul3A_722 {strides = array<i32>} : memref<4x256xf32, #tpu.memory_space<vmem>>, vector<16xf32>,
      %get3A_727 = arith.constant 64 : index
      %get3A_728 = tpu.vector_load %arg14[%get3A_727] {strides = array<i32>} : memref<256xf32, #tpu.memory_space<vmem>>, vector<16xf32>,
      %get3A_729 = arith.constant 64 : index
      %get3A_730 = tpu.vector_load %arg13[%get3A_729] {strides = array<i32>} : memref<256xf32, #tpu.memory_space<vmem>>, vector<16xf32>,
      %mul3A_731 = arith.mulf %get3A_728, %get3A_730 : vector<16xf32>
      %swap3A_732 = arith.constant 0 : i32
      %swap3A_733 = arith.index_cast %swap3A_732 : i32 to index
      %swap3A_734 = arith.constant 64 : index
      %swap3A_735 = tpu.vector_load %arg18[%swap3A_733, %swap3A_734] {strides = array<i32>} : memref<4x256xf32, #tpu.memory_space<vmem>>, vector<16xf32>,
      tpu.vector_store %arg18[%swap3A_733, %swap3A_734], %mul3A_731 {strides = array<i32>} : memref<4x256xf32, #tpu.memory_space<vmem>>, vector<16xf32>,
      %get3A_736 = arith.constant 80 : index
      %get3A_737 = tpu.vector_load %arg14[%get3A_736] {strides = array<i32>} : memref<256xf32, #tpu.memory_space<vmem>>, vector<16xf32>,
      %get3A_738 = arith.constant 80 : index
      %get3A_739 = tpu.vector_load %arg13[%get3A_738] {strides = array<i32>} : memref<256xf32, #tpu.memory_space<vmem>>, vector<16xf32>,
      %mul3A_740 = arith.mulf %get3A_737, %get3A_739 : vector<16xf32>
      %swap3A_741 = arith.constant 0 : i32
      %swap3A_742 = arith.index_cast %swap3A_741 : i32 to index
      %swap3A_743 = arith.constant 80 : index
      %swap3A_744 = tpu.vector_load %arg18[%swap3A_742, %swap3A_743] {strides = array<i32>} : memref<4x256xf32, #tpu.memory_space<vmem>>, vector<16xf32>,
      tpu.vector_store %arg18[%swap3A_742, %swap3A_743], %mul3A_740 {strides = array<i32>} : memref<4x256xf32, #tpu.memory_space<vmem>>, vector<16xf32>,
      %get3A_745 = arith.constant 96 : index
      %get3A_746 = tpu.vector_load %arg14[%get3A_745] {strides = array<i32>} : memref<256xf32, #tpu.memory_space<vmem>>, vector<16xf32>,
      %get3A_747 = arith.constant 96 : index
      %get3A_748 = tpu.vector_load %arg13[%get3A_747] {strides = array<i32>} : memref<256xf32, #tpu.memory_space<vmem>>, vector<16xf32>,
      %mul3A_749 = arith.mulf %get3A_746, %get3A_748 : vector<16xf32>
      %swap3A_750 = arith.constant 0 : i32
      %swap3A_751 = arith.index_cast %swap3A_750 : i32 to index
      %swap3A_752 = arith.constant 96 : index
      %swap3A_753 = tpu.vector_load %arg18[%swap3A_751, %swap3A_752] {strides = array<i32>} : memref<4x256xf32, #tpu.memory_space<vmem>>, vector<16xf32>,
      tpu.vector_store %arg18[%swap3A_751, %swap3A_752], %mul3A_749 {strides = array<i32>} : memref<4x256xf32, #tpu.memory_space<vmem>>, vector<16xf32>,
      %get3A_754 = arith.constant 112 : index
      %get3A_755 = tpu.vector_load %arg14[%get3A_754] {strides = array<i32>} : memref<256xf32, #tpu.memory_space<vmem>>, vector<16xf32>,
      %get3A_756 = arith.constant 112 : index
      %get3A_757 = tpu.vector_load %arg13[%get3A_756] {strides = array<i32>} : memref<256xf32, #tpu.memory_space<vmem>>, vector<16xf32>,
      %mul3A_758 = arith.mulf %get3A_755, %get3A_757 : vector<16xf32>
      %swap3A_759 = arith.constant 0 : i32
      %swap3A_760 = arith.index_cast %swap3A_759 : i32 to index
      %swap3A_761 = arith.constant 112 : index
      %swap3A_762 = tpu.vector_load %arg18[%swap3A_760, %swap3A_761] {strides = array<i32>} : memref<4x256xf32, #tpu.memory_space<vmem>>, vector<16xf32>,
      tpu.vector_store %arg18[%swap3A_760, %swap3A_761], %mul3A_758 {strides = array<i32>} : memref<4x256xf32, #tpu.memory_space<vmem>>, vector<16xf32>,
      %get3A_763 = arith.constant 128 : index
      %get3A_764 = tpu.vector_load %arg14[%get3A_763] {strides = array<i32>} : memref<256xf32, #tpu.memory_space<vmem>>, vector<16xf32>,
      %get3A_765 = arith.constant 128 : index
      %get3A_766 = tpu.vector_load %arg13[%get3A_765] {strides = array<i32>} : memref<256xf32, #tpu.memory_space<vmem>>, vector<16xf32>,
      %mul3A_767 = arith.mulf %get3A_764, %get3A_766 : vector<16xf32>
      %swap3A_768 = arith.constant 0 : i32
      %swap3A_769 = arith.index_cast %swap3A_768 : i32 to index
      %swap3A_770 = arith.constant 128 : index
      %swap3A_771 = tpu.vector_load %arg18[%swap3A_769, %swap3A_770] {strides = array<i32>} : memref<4x256xf32, #tpu.memory_space<vmem>>, vector<16xf32>,
      tpu.vector_store %arg18[%swap3A_769, %swap3A_770], %mul3A_767 {strides = array<i32>} : memref<4x256xf32, #tpu.memory_space<vmem>>, vector<16xf32>,
      %get3A_772 = arith.constant 144 : index
      %get3A_773 = tpu.vector_load %arg14[%get3A_772] {strides = array<i32>} : memref<256xf32, #tpu.memory_space<vmem>>, vector<16xf32>,
      %get3A_774 = arith.constant 144 : index
      %get3A_775 = tpu.vector_load %arg13[%get3A_774] {strides = array<i32>} : memref<256xf32, #tpu.memory_space<vmem>>, vector<16xf32>,
      %mul3A_776 = arith.mulf %get3A_773, %get3A_775 : vector<16xf32>
      %swap3A_777 = arith.constant 0 : i32
      %swap3A_778 = arith.index_cast %swap3A_777 : i32 to index
      %swap3A_779 = arith.constant 144 : index
      %swap3A_780 = tpu.vector_load %arg18[%swap3A_778, %swap3A_779] {strides = array<i32>} : memref<4x256xf32, #tpu.memory_space<vmem>>, vector<16xf32>,
      tpu.vector_store %arg18[%swap3A_778, %swap3A_779], %mul3A_776 {strides = array<i32>} : memref<4x256xf32, #tpu.memory_space<vmem>>, vector<16xf32>,
      %get3A_781 = arith.constant 160 : index
      %get3A_782 = tpu.vector_load %arg14[%get3A_781] {strides = array<i32>} : memref<256xf32, #tpu.memory_space<vmem>>, vector<16xf32>,
      %get3A_783 = arith.constant 160 : index
      %get3A_784 = tpu.vector_load %arg13[%get3A_783] {strides = array<i32>} : memref<256xf32, #tpu.memory_space<vmem>>, vector<16xf32>,
      %mul3A_785 = arith.mulf %get3A_782, %get3A_784 : vector<16xf32>
      %swap3A_786 = arith.constant 0 : i32
      %swap3A_787 = arith.index_cast %swap3A_786 : i32 to index
      %swap3A_788 = arith.constant 160 : index
      %swap3A_789 = tpu.vector_load %arg18[%swap3A_787, %swap3A_788] {strides = array<i32>} : memref<4x256xf32, #tpu.memory_space<vmem>>, vector<16xf32>,
      tpu.vector_store %arg18[%swap3A_787, %swap3A_788], %mul3A_785 {strides = array<i32>} : memref<4x256xf32, #tpu.memory_space<vmem>>, vector<16xf32>,
      %get3A_790 = arith.constant 176 : index
      %get3A_791 = tpu.vector_load %arg14[%get3A_790] {strides = array<i32>} : memref<256xf32, #tpu.memory_space<vmem>>, vector<16xf32>,
      %get3A_792 = arith.constant 176 : index
      %get3A_793 = tpu.vector_load %arg13[%get3A_792] {strides = array<i32>} : memref<256xf32, #tpu.memory_space<vmem>>, vector<16xf32>,
      %mul3A_794 = arith.mulf %get3A_791, %get3A_793 : vector<16xf32>
      %swap3A_795 = arith.constant 0 : i32
      %swap3A_796 = arith.index_cast %swap3A_795 : i32 to index
      %swap3A_797 = arith.constant 176 : index
      %swap3A_798 = tpu.vector_load %arg18[%swap3A_796, %swap3A_797] {strides = array<i32>} : memref<4x256xf32, #tpu.memory_space<vmem>>, vector<16xf32>,
      tpu.vector_store %arg18[%swap3A_796, %swap3A_797], %mul3A_794 {strides = array<i32>} : memref<4x256xf32, #tpu.memory_space<vmem>>, vector<16xf32>,
      %get3A_799 = arith.constant 192 : index
      %get3A_800 = tpu.vector_load %arg14[%get3A_799] {strides = array<i32>} : memref<256xf32, #tpu.memory_space<vmem>>, vector<16xf32>,
      %get3A_801 = arith.constant 192 : index
      %get3A_802 = tpu.vector_load %arg13[%get3A_801] {strides = array<i32>} : memref<256xf32, #tpu.memory_space<vmem>>, vector<16xf32>,
      %mul3A_803 = arith.mulf %get3A_800, %get3A_802 : vector<16xf32>
      %swap3A_804 = arith.constant 0 : i32
      %swap3A_805 = arith.index_cast %swap3A_804 : i32 to index
      %swap3A_806 = arith.constant 192 : index
      %swap3A_807 = tpu.vector_load %arg18[%swap3A_805, %swap3A_806] {strides = array<i32>} : memref<4x256xf32, #tpu.memory_space<vmem>>, vector<16xf32>,
      tpu.vector_store %arg18[%swap3A_805, %swap3A_806], %mul3A_803 {strides = array<i32>} : memref<4x256xf32, #tpu.memory_space<vmem>>, vector<16xf32>,
      %get3A_808 = arith.constant 208 : index
      %get3A_809 = tpu.vector_load %arg14[%get3A_808] {strides = array<i32>} : memref<256xf32, #tpu.memory_space<vmem>>, vector<16xf32>,
      %get3A_810 = arith.constant 208 : index
      %get3A_811 = tpu.vector_load %arg13[%get3A_810] {strides = array<i32>} : memref<256xf32, #tpu.memory_space<vmem>>, vector<16xf32>,
      %mul3A_812 = arith.mulf %get3A_809, %get3A_811 : vector<16xf32>
      %swap3A_813 = arith.constant 0 : i32
      %swap3A_814 = arith.index_cast %swap3A_813 : i32 to index
      %swap3A_815 = arith.constant 208 : index
      %swap3A_816 = tpu.vector_load %arg18[%swap3A_814, %swap3A_815] {strides = array<i32>} : memref<4x256xf32, #tpu.memory_space<vmem>>, vector<16xf32>,
      tpu.vector_store %arg18[%swap3A_814, %swap3A_815], %mul3A_812 {strides = array<i32>} : memref<4x256xf32, #tpu.memory_space<vmem>>, vector<16xf32>,
      %get3A_817 = arith.constant 224 : index
      %get3A_818 = tpu.vector_load %arg14[%get3A_817] {strides = array<i32>} : memref<256xf32, #tpu.memory_space<vmem>>, vector<16xf32>,
      %get3A_819 = arith.constant 224 : index
      %get3A_820 = tpu.vector_load %arg13[%get3A_819] {strides = array<i32>} : memref<256xf32, #tpu.memory_space<vmem>>, vector<16xf32>,
      %mul3A_821 = arith.mulf %get3A_818, %get3A_820 : vector<16xf32>
      %swap3A_822 = arith.constant 0 : i32
      %swap3A_823 = arith.index_cast %swap3A_822 : i32 to index
      %swap3A_824 = arith.constant 224 : index
      %swap3A_825 = tpu.vector_load %arg18[%swap3A_823, %swap3A_824] {strides = array<i32>} : memref<4x256xf32, #tpu.memory_space<vmem>>, vector<16xf32>,
      tpu.vector_store %arg18[%swap3A_823, %swap3A_824], %mul3A_821 {strides = array<i32>} : memref<4x256xf32, #tpu.memory_space<vmem>>, vector<16xf32>,
      %get3A_826 = arith.constant 240 : index
      %get3A_827 = tpu.vector_load %arg14[%get3A_826] {strides = array<i32>} : memref<256xf32, #tpu.memory_space<vmem>>, vector<16xf32>,
      %get3A_828 = arith.constant 240 : index
      %get3A_829 = tpu.vector_load %arg13[%get3A_828] {strides = array<i32>} : memref<256xf32, #tpu.memory_space<vmem>>, vector<16xf32>,
      %mul3A_830 = arith.mulf %get3A_827, %get3A_829 : vector<16xf32>
      %swap3A_831 = arith.constant 0 : i32
      %swap3A_832 = arith.index_cast %swap3A_831 : i32 to index
      %swap3A_833 = arith.constant 240 : index
      %swap3A_834 = tpu.vector_load %arg18[%swap3A_832, %swap3A_833] {strides = array<i32>} : memref<4x256xf32, #tpu.memory_space<vmem>>, vector<16xf32>,
      tpu.vector_store %arg18[%swap3A_832, %swap3A_833], %mul3A_830 {strides = array<i32>} : memref<4x256xf32, #tpu.memory_space<vmem>>, vector<16xf32>,
      %get3A_835 = arith.constant 0 : index
      %get3A_836 = tpu.vector_load %arg15[%get3A_835] {strides = array<i32>} : memref<256xf32, #tpu.memory_space<vmem>>, vector<16xf32>,
      %get3A_837 = arith.constant 0 : index
      %get3A_838 = tpu.vector_load %arg13[%get3A_837] {strides = array<i32>} : memref<256xf32, #tpu.memory_space<vmem>>, vector<16xf32>,
      %mul3A_839 = arith.mulf %get3A_836, %get3A_838 : vector<16xf32>
      %swap3A_840 = arith.constant 1 : i32
      %swap3A_841 = arith.index_cast %swap3A_840 : i32 to index
      %swap3A_842 = arith.constant 0 : index
      %swap3A_843 = tpu.vector_load %arg18[%swap3A_841, %swap3A_842] {strides = array<i32>} : memref<4x256xf32, #tpu.memory_space<vmem>>, vector<16xf32>,
      tpu.vector_store %arg18[%swap3A_841, %swap3A_842], %mul3A_839 {strides = array<i32>} : memref<4x256xf32, #tpu.memory_space<vmem>>, vector<16xf32>,
      %get3A_844 = arith.constant 16 : index
      %get3A_845 = tpu.vector_load %arg15[%get3A_844] {strides = array<i32>} : memref<256xf32, #tpu.memory_space<vmem>>, vector<16xf32>,
      %get3A_846 = arith.constant 16 : index
      %get3A_847 = tpu.vector_load %arg13[%get3A_846] {strides = array<i32>} : memref<256xf32, #tpu.memory_space<vmem>>, vector<16xf32>,
      %mul3A_848 = arith.mulf %get3A_845, %get3A_847 : vector<16xf32>
      %swap3A_849 = arith.constant 1 : i32
      %swap3A_850 = arith.index_cast %swap3A_849 : i32 to index
      %swap3A_851 = arith.constant 16 : index
      %swap3A_852 = tpu.vector_load %arg18[%swap3A_850, %swap3A_851] {strides = array<i32>} : memref<4x256xf32, #tpu.memory_space<vmem>>, vector<16xf32>,
      tpu.vector_store %arg18[%swap3A_850, %swap3A_851], %mul3A_848 {strides = array<i32>} : memref<4x256xf32, #tpu.memory_space<vmem>>, vector<16xf32>,
      %get3A_853 = arith.constant 32 : index
      %get3A_854 = tpu.vector_load %arg15[%get3A_853] {strides = array<i32>} : memref<256xf32, #tpu.memory_space<vmem>>, vector<16xf32>,
      %get3A_855 = arith.constant 32 : index
      %get3A_856 = tpu.vector_load %arg13[%get3A_855] {strides = array<i32>} : memref<256xf32, #tpu.memory_space<vmem>>, vector<16xf32>,
      %mul3A_857 = arith.mulf %get3A_854, %get3A_856 : vector<16xf32>
      %swap3A_858 = arith.constant 1 : i32
      %swap3A_859 = arith.index_cast %swap3A_858 : i32 to index
      %swap3A_860 = arith.constant 32 : index
      %swap3A_861 = tpu.vector_load %arg18[%swap3A_859, %swap3A_860] {strides = array<i32>} : memref<4x256xf32, #tpu.memory_space<vmem>>, vector<16xf32>,
      tpu.vector_store %arg18[%swap3A_859, %swap3A_860], %mul3A_857 {strides = array<i32>} : memref<4x256xf32, #tpu.memory_space<vmem>>, vector<16xf32>,
      %get3A_862 = arith.constant 48 : index
      %get3A_863 = tpu.vector_load %arg15[%get3A_862] {strides = array<i32>} : memref<256xf32, #tpu.memory_space<vmem>>, vector<16xf32>,
      %get3A_864 = arith.constant 48 : index
      %get3A_865 = tpu.vector_load %arg13[%get3A_864] {strides = array<i32>} : memref<256xf32, #tpu.memory_space<vmem>>, vector<16xf32>,
      %mul3A_866 = arith.mulf %get3A_863, %get3A_865 : vector<16xf32>
      %swap3A_867 = arith.constant 1 : i32
      %swap3A_868 = arith.index_cast %swap3A_867 : i32 to index
      %swap3A_869 = arith.constant 48 : index
      %swap3A_870 = tpu.vector_load %arg18[%swap3A_868, %swap3A_869] {strides = array<i32>} : memref<4x256xf32, #tpu.memory_space<vmem>>, vector<16xf32>,
      tpu.vector_store %arg18[%swap3A_868, %swap3A_869], %mul3A_866 {strides = array<i32>} : memref<4x256xf32, #tpu.memory_space<vmem>>, vector<16xf32>,
      %get3A_871 = arith.constant 64 : index
      %get3A_872 = tpu.vector_load %arg15[%get3A_871] {strides = array<i32>} : memref<256xf32, #tpu.memory_space<vmem>>, vector<16xf32>,
      %get3A_873 = arith.constant 64 : index
      %get3A_874 = tpu.vector_load %arg13[%get3A_873] {strides = array<i32>} : memref<256xf32, #tpu.memory_space<vmem>>, vector<16xf32>,
      %mul3A_875 = arith.mulf %get3A_872, %get3A_874 : vector<16xf32>
      %swap3A_876 = arith.constant 1 : i32
      %swap3A_877 = arith.index_cast %swap3A_876 : i32 to index
      %swap3A_878 = arith.constant 64 : index
      %swap3A_879 = tpu.vector_load %arg18[%swap3A_877, %swap3A_878] {strides = array<i32>} : memref<4x256xf32, #tpu.memory_space<vmem>>, vector<16xf32>,
      tpu.vector_store %arg18[%swap3A_877, %swap3A_878], %mul3A_875 {strides = array<i32>} : memref<4x256xf32, #tpu.memory_space<vmem>>, vector<16xf32>,
      %get3A_880 = arith.constant 80 : index
      %get3A_881 = tpu.vector_load %arg15[%get3A_880] {strides = array<i32>} : memref<256xf32, #tpu.memory_space<vmem>>, vector<16xf32>,
      %get3A_882 = arith.constant 80 : index
      %get3A_883 = tpu.vector_load %arg13[%get3A_882] {strides = array<i32>} : memref<256xf32, #tpu.memory_space<vmem>>, vector<16xf32>,
      %mul3A_884 = arith.mulf %get3A_881, %get3A_883 : vector<16xf32>
      %swap3A_885 = arith.constant 1 : i32
      %swap3A_886 = arith.index_cast %swap3A_885 : i32 to index
      %swap3A_887 = arith.constant 80 : index
      %swap3A_888 = tpu.vector_load %arg18[%swap3A_886, %swap3A_887] {strides = array<i32>} : memref<4x256xf32, #tpu.memory_space<vmem>>, vector<16xf32>,
      tpu.vector_store %arg18[%swap3A_886, %swap3A_887], %mul3A_884 {strides = array<i32>} : memref<4x256xf32, #tpu.memory_space<vmem>>, vector<16xf32>,
      %get3A_889 = arith.constant 96 : index
      %get3A_890 = tpu.vector_load %arg15[%get3A_889] {strides = array<i32>} : memref<256xf32, #tpu.memory_space<vmem>>, vector<16xf32>,
      %get3A_891 = arith.constant 96 : index
      %get3A_892 = tpu.vector_load %arg13[%get3A_891] {strides = array<i32>} : memref<256xf32, #tpu.memory_space<vmem>>, vector<16xf32>,
      %mul3A_893 = arith.mulf %get3A_890, %get3A_892 : vector<16xf32>
      %swap3A_894 = arith.constant 1 : i32
      %swap3A_895 = arith.index_cast %swap3A_894 : i32 to index
      %swap3A_896 = arith.constant 96 : index
      %swap3A_897 = tpu.vector_load %arg18[%swap3A_895, %swap3A_896] {strides = array<i32>} : memref<4x256xf32, #tpu.memory_space<vmem>>, vector<16xf32>,
      tpu.vector_store %arg18[%swap3A_895, %swap3A_896], %mul3A_893 {strides = array<i32>} : memref<4x256xf32, #tpu.memory_space<vmem>>, vector<16xf32>,
      %get3A_898 = arith.constant 112 : index
      %get3A_899 = tpu.vector_load %arg15[%get3A_898] {strides = array<i32>} : memref<256xf32, #tpu.memory_space<vmem>>, vector<16xf32>,
      %get3A_900 = arith.constant 112 : index
      %get3A_901 = tpu.vector_load %arg13[%get3A_900] {strides = array<i32>} : memref<256xf32, #tpu.memory_space<vmem>>, vector<16xf32>,
      %mul3A_902 = arith.mulf %get3A_899, %get3A_901 : vector<16xf32>
      %swap3A_903 = arith.constant 1 : i32
      %swap3A_904 = arith.index_cast %swap3A_903 : i32 to index
      %swap3A_905 = arith.constant 112 : index
      %swap3A_906 = tpu.vector_load %arg18[%swap3A_904, %swap3A_905] {strides = array<i32>} : memref<4x256xf32, #tpu.memory_space<vmem>>, vector<16xf32>,
      tpu.vector_store %arg18[%swap3A_904, %swap3A_905], %mul3A_902 {strides = array<i32>} : memref<4x256xf32, #tpu.memory_space<vmem>>, vector<16xf32>,
      %get3A_907 = arith.constant 128 : index
      %get3A_908 = tpu.vector_load %arg15[%get3A_907] {strides = array<i32>} : memref<256xf32, #tpu.memory_space<vmem>>, vector<16xf32>,
      %get3A_909 = arith.constant 128 : index
      %get3A_910 = tpu.vector_load %arg13[%get3A_909] {strides = array<i32>} : memref<256xf32, #tpu.memory_space<vmem>>, vector<16xf32>,
      %mul3A_911 = arith.mulf %get3A_908, %get3A_910 : vector<16xf32>
      %swap3A_912 = arith.constant 1 : i32
      %swap3A_913 = arith.index_cast %swap3A_912 : i32 to index
      %swap3A_914 = arith.constant 128 : index
      %swap3A_915 = tpu.vector_load %arg18[%swap3A_913, %swap3A_914] {strides = array<i32>} : memref<4x256xf32, #tpu.memory_space<vmem>>, vector<16xf32>,
      tpu.vector_store %arg18[%swap3A_913, %swap3A_914], %mul3A_911 {strides = array<i32>} : memref<4x256xf32, #tpu.memory_space<vmem>>, vector<16xf32>,
      %get3A_916 = arith.constant 144 : index
      %get3A_917 = tpu.vector_load %arg15[%get3A_916] {strides = array<i32>} : memref<256xf32, #tpu.memory_space<vmem>>, vector<16xf32>,
      %get3A_918 = arith.constant 144 : index
      %get3A_919 = tpu.vector_load %arg13[%get3A_918] {strides = array<i32>} : memref<256xf32, #tpu.memory_space<vmem>>, vector<16xf32>,
      %mul3A_920 = arith.mulf %get3A_917, %get3A_919 : vector<16xf32>
      %swap3A_921 = arith.constant 1 : i32
      %swap3A_922 = arith.index_cast %swap3A_921 : i32 to index
      %swap3A_923 = arith.constant 144 : index
      %swap3A_924 = tpu.vector_load %arg18[%swap3A_922, %swap3A_923] {strides = array<i32>} : memref<4x256xf32, #tpu.memory_space<vmem>>, vector<16xf32>,
      tpu.vector_store %arg18[%swap3A_922, %swap3A_923], %mul3A_920 {strides = array<i32>} : memref<4x256xf32, #tpu.memory_space<vmem>>, vector<16xf32>,
      %get3A_925 = arith.constant 160 : index
      %get3A_926 = tpu.vector_load %arg15[%get3A_925] {strides = array<i32>} : memref<256xf32, #tpu.memory_space<vmem>>, vector<16xf32>,
      %get3A_927 = arith.constant 160 : index
      %get3A_928 = tpu.vector_load %arg13[%get3A_927] {strides = array<i32>} : memref<256xf32, #tpu.memory_space<vmem>>, vector<16xf32>,
      %mul3A_929 = arith.mulf %get3A_926, %get3A_928 : vector<16xf32>
      %swap3A_930 = arith.constant 1 : i32
      %swap3A_931 = arith.index_cast %swap3A_930 : i32 to index
      %swap3A_932 = arith.constant 160 : index
      %swap3A_933 = tpu.vector_load %arg18[%swap3A_931, %swap3A_932] {strides = array<i32>} : memref<4x256xf32, #tpu.memory_space<vmem>>, vector<16xf32>,
      tpu.vector_store %arg18[%swap3A_931, %swap3A_932], %mul3A_929 {strides = array<i32>} : memref<4x256xf32, #tpu.memory_space<vmem>>, vector<16xf32>,
      %get3A_934 = arith.constant 176 : index
      %get3A_935 = tpu.vector_load %arg15[%get3A_934] {strides = array<i32>} : memref<256xf32, #tpu.memory_space<vmem>>, vector<16xf32>,
      %get3A_936 = arith.constant 176 : index
      %get3A_937 = tpu.vector_load %arg13[%get3A_936] {strides = array<i32>} : memref<256xf32, #tpu.memory_space<vmem>>, vector<16xf32>,
      %mul3A_938 = arith.mulf %get3A_935, %get3A_937 : vector<16xf32>
      %swap3A_939 = arith.constant 1 : i32
      %swap3A_940 = arith.index_cast %swap3A_939 : i32 to index
      %swap3A_941 = arith.constant 176 : index
      %swap3A_942 = tpu.vector_load %arg18[%swap3A_940, %swap3A_941] {strides = array<i32>} : memref<4x256xf32, #tpu.memory_space<vmem>>, vector<16xf32>,
      tpu.vector_store %arg18[%swap3A_940, %swap3A_941], %mul3A_938 {strides = array<i32>} : memref<4x256xf32, #tpu.memory_space<vmem>>, vector<16xf32>,
      %get3A_943 = arith.constant 192 : index
      %get3A_944 = tpu.vector_load %arg15[%get3A_943] {strides = array<i32>} : memref<256xf32, #tpu.memory_space<vmem>>, vector<16xf32>,
      %get3A_945 = arith.constant 192 : index
      %get3A_946 = tpu.vector_load %arg13[%get3A_945] {strides = array<i32>} : memref<256xf32, #tpu.memory_space<vmem>>, vector<16xf32>,
      %mul3A_947 = arith.mulf %get3A_944, %get3A_946 : vector<16xf32>
      %swap3A_948 = arith.constant 1 : i32
      %swap3A_949 = arith.index_cast %swap3A_948 : i32 to index
      %swap3A_950 = arith.constant 192 : index
      %swap3A_951 = tpu.vector_load %arg18[%swap3A_949, %swap3A_950] {strides = array<i32>} : memref<4x256xf32, #tpu.memory_space<vmem>>, vector<16xf32>,
      tpu.vector_store %arg18[%swap3A_949, %swap3A_950], %mul3A_947 {strides = array<i32>} : memref<4x256xf32, #tpu.memory_space<vmem>>, vector<16xf32>,
      %get3A_952 = arith.constant 208 : index
      %get3A_953 = tpu.vector_load %arg15[%get3A_952] {strides = array<i32>} : memref<256xf32, #tpu.memory_space<vmem>>, vector<16xf32>,
      %get3A_954 = arith.constant 208 : index
      %get3A_955 = tpu.vector_load %arg13[%get3A_954] {strides = array<i32>} : memref<256xf32, #tpu.memory_space<vmem>>, vector<16xf32>,
      %mul3A_956 = arith.mulf %get3A_953, %get3A_955 : vector<16xf32>
      %swap3A_957 = arith.constant 1 : i32
      %swap3A_958 = arith.index_cast %swap3A_957 : i32 to index
      %swap3A_959 = arith.constant 208 : index
      %swap3A_960 = tpu.vector_load %arg18[%swap3A_958, %swap3A_959] {strides = array<i32>} : memref<4x256xf32, #tpu.memory_space<vmem>>, vector<16xf32>,
      tpu.vector_store %arg18[%swap3A_958, %swap3A_959], %mul3A_956 {strides = array<i32>} : memref<4x256xf32, #tpu.memory_space<vmem>>, vector<16xf32>,
      %get3A_961 = arith.constant 224 : index
      %get3A_962 = tpu.vector_load %arg15[%get3A_961] {strides = array<i32>} : memref<256xf32, #tpu.memory_space<vmem>>, vector<16xf32>,
      %get3A_963 = arith.constant 224 : index
      %get3A_964 = tpu.vector_load %arg13[%get3A_963] {strides = array<i32>} : memref<256xf32, #tpu.memory_space<vmem>>, vector<16xf32>,
      %mul3A_965 = arith.mulf %get3A_962, %get3A_964 : vector<16xf32>
      %swap3A_966 = arith.constant 1 : i32
      %swap3A_967 = arith.index_cast %swap3A_966 : i32 to index
      %swap3A_968 = arith.constant 224 : index
      %swap3A_969 = tpu.vector_load %arg18[%swap3A_967, %swap3A_968] {strides = array<i32>} : memref<4x256xf32, #tpu.memory_space<vmem>>, vector<16xf32>,
      tpu.vector_store %arg18[%swap3A_967, %swap3A_968], %mul3A_965 {strides = array<i32>} : memref<4x256xf32, #tpu.memory_space<vmem>>, vector<16xf32>,
      %get3A_970 = arith.constant 240 : index
      %get3A_971 = tpu.vector_load %arg15[%get3A_970] {strides = array<i32>} : memref<256xf32, #tpu.memory_space<vmem>>, vector<16xf32>,
      %get3A_972 = arith.constant 240 : index
      %get3A_973 = tpu.vector_load %arg13[%get3A_972] {strides = array<i32>} : memref<256xf32, #tpu.memory_space<vmem>>, vector<16xf32>,
      %mul3A_974 = arith.mulf %get3A_971, %get3A_973 : vector<16xf32>
      %swap3A_975 = arith.constant 1 : i32
      %swap3A_976 = arith.index_cast %swap3A_975 : i32 to index
      %swap3A_977 = arith.constant 240 : index
      %swap3A_978 = tpu.vector_load %arg18[%swap3A_976, %swap3A_977] {strides = array<i32>} : memref<4x256xf32, #tpu.memory_space<vmem>>, vector<16xf32>,
      tpu.vector_store %arg18[%swap3A_976, %swap3A_977], %mul3A_974 {strides = array<i32>} : memref<4x256xf32, #tpu.memory_space<vmem>>, vector<16xf32>,
      %get3A_979 = arith.constant 0 : index
      %get3A_980 = tpu.vector_load %arg16[%get3A_979] {strides = array<i32>} : memref<256xf32, #tpu.memory_space<vmem>>, vector<16xf32>,
      %get3A_981 = arith.constant 0 : index
      %get3A_982 = tpu.vector_load %arg13[%get3A_981] {strides = array<i32>} : memref<256xf32, #tpu.memory_space<vmem>>, vector<16xf32>,
      %mul3A_983 = arith.mulf %get3A_980, %get3A_982 : vector<16xf32>
      %swap3A_984 = arith.constant 2 : i32
      %swap3A_985 = arith.index_cast %swap3A_984 : i32 to index
      %swap3A_986 = arith.constant 0 : index
      %swap3A_987 = tpu.vector_load %arg18[%swap3A_985, %swap3A_986] {strides = array<i32>} : memref<4x256xf32, #tpu.memory_space<vmem>>, vector<16xf32>,
      tpu.vector_store %arg18[%swap3A_985, %swap3A_986], %mul3A_983 {strides = array<i32>} : memref<4x256xf32, #tpu.memory_space<vmem>>, vector<16xf32>,
      %get3A_988 = arith.constant 16 : index
      %get3A_989 = tpu.vector_load %arg16[%get3A_988] {strides = array<i32>} : memref<256xf32, #tpu.memory_space<vmem>>, vector<16xf32>,
      %get3A_990 = arith.constant 16 : index
      %get3A_991 = tpu.vector_load %arg13[%get3A_990] {strides = array<i32>} : memref<256xf32, #tpu.memory_space<vmem>>, vector<16xf32>,
      %mul3A_992 = arith.mulf %get3A_989, %get3A_991 : vector<16xf32>
      %swap3A_993 = arith.constant 2 : i32
      %swap3A_994 = arith.index_cast %swap3A_993 : i32 to index
      %swap3A_995 = arith.constant 16 : index
      %swap3A_996 = tpu.vector_load %arg18[%swap3A_994, %swap3A_995] {strides = array<i32>} : memref<4x256xf32, #tpu.memory_space<vmem>>, vector<16xf32>,
      tpu.vector_store %arg18[%swap3A_994, %swap3A_995], %mul3A_992 {strides = array<i32>} : memref<4x256xf32, #tpu.memory_space<vmem>>, vector<16xf32>,
      %get3A_997 = arith.constant 32 : index
      %get3A_998 = tpu.vector_load %arg16[%get3A_997] {strides = array<i32>} : memref<256xf32, #tpu.memory_space<vmem>>, vector<16xf32>,
      %get3A_999 = arith.constant 32 : index
      %get3A_1000 = tpu.vector_load %arg13[%get3A_999] {strides = array<i32>} : memref<256xf32, #tpu.memory_space<vmem>>, vector<16xf32>,
      %mul3A_1001 = arith.mulf %get3A_998, %get3A_1000 : vector<16xf32>
      %swap3A_1002 = arith.constant 2 : i32
      %swap3A_1003 = arith.index_cast %swap3A_1002 : i32 to index
      %swap3A_1004 = arith.constant 32 : index
      %swap3A_1005 = tpu.vector_load %arg18[%swap3A_1003, %swap3A_1004] {strides = array<i32>} : memref<4x256xf32, #tpu.memory_space<vmem>>, vector<16xf32>,
      tpu.vector_store %arg18[%swap3A_1003, %swap3A_1004], %mul3A_1001 {strides = array<i32>} : memref<4x256xf32, #tpu.memory_space<vmem>>, vector<16xf32>,
      %get3A_1006 = arith.constant 48 : index
      %get3A_1007 = tpu.vector_load %arg16[%get3A_1006] {strides = array<i32>} : memref<256xf32, #tpu.memory_space<vmem>>, vector<16xf32>,
      %get3A_1008 = arith.constant 48 : index
      %get3A_1009 = tpu.vector_load %arg13[%get3A_1008] {strides = array<i32>} : memref<256xf32, #tpu.memory_space<vmem>>, vector<16xf32>,
      %mul3A_1010 = arith.mulf %get3A_1007, %get3A_1009 : vector<16xf32>
      %swap3A_1011 = arith.constant 2 : i32
      %swap3A_1012 = arith.index_cast %swap3A_1011 : i32 to index
      %swap3A_1013 = arith.constant 48 : index
      %swap3A_1014 = tpu.vector_load %arg18[%swap3A_1012, %swap3A_1013] {strides = array<i32>} : memref<4x256xf32, #tpu.memory_space<vmem>>, vector<16xf32>,
      tpu.vector_store %arg18[%swap3A_1012, %swap3A_1013], %mul3A_1010 {strides = array<i32>} : memref<4x256xf32, #tpu.memory_space<vmem>>, vector<16xf32>,
      %get3A_1015 = arith.constant 64 : index
      %get3A_1016 = tpu.vector_load %arg16[%get3A_1015] {strides = array<i32>} : memref<256xf32, #tpu.memory_space<vmem>>, vector<16xf32>,
      %get3A_1017 = arith.constant 64 : index
      %get3A_1018 = tpu.vector_load %arg13[%get3A_1017] {strides = array<i32>} : memref<256xf32, #tpu.memory_space<vmem>>, vector<16xf32>,
      %mul3A_1019 = arith.mulf %get3A_1016, %get3A_1018 : vector<16xf32>
      %swap3A_1020 = arith.constant 2 : i32
      %swap3A_1021 = arith.index_cast %swap3A_1020 : i32 to index
      %swap3A_1022 = arith.constant 64 : index
      %swap3A_1023 = tpu.vector_load %arg18[%swap3A_1021, %swap3A_1022] {strides = array<i32>} : memref<4x256xf32, #tpu.memory_space<vmem>>, vector<16xf32>,
      tpu.vector_store %arg18[%swap3A_1021, %swap3A_1022], %mul3A_1019 {strides = array<i32>} : memref<4x256xf32, #tpu.memory_space<vmem>>, vector<16xf32>,
      %get3A_1024 = arith.constant 80 : index
      %get3A_1025 = tpu.vector_load %arg16[%get3A_1024] {strides = array<i32>} : memref<256xf32, #tpu.memory_space<vmem>>, vector<16xf32>,
      %get3A_1026 = arith.constant 80 : index
      %get3A_1027 = tpu.vector_load %arg13[%get3A_1026] {strides = array<i32>} : memref<256xf32, #tpu.memory_space<vmem>>, vector<16xf32>,
      %mul3A_1028 = arith.mulf %get3A_1025, %get3A_1027 : vector<16xf32>
      %swap3A_1029 = arith.constant 2 : i32
      %swap3A_1030 = arith.index_cast %swap3A_1029 : i32 to index
      %swap3A_1031 = arith.constant 80 : index
      %swap3A_1032 = tpu.vector_load %arg18[%swap3A_1030, %swap3A_1031] {strides = array<i32>} : memref<4x256xf32, #tpu.memory_space<vmem>>, vector<16xf32>,
      tpu.vector_store %arg18[%swap3A_1030, %swap3A_1031], %mul3A_1028 {strides = array<i32>} : memref<4x256xf32, #tpu.memory_space<vmem>>, vector<16xf32>,
      %get3A_1033 = arith.constant 96 : index
      %get3A_1034 = tpu.vector_load %arg16[%get3A_1033] {strides = array<i32>} : memref<256xf32, #tpu.memory_space<vmem>>, vector<16xf32>,
      %get3A_1035 = arith.constant 96 : index
      %get3A_1036 = tpu.vector_load %arg13[%get3A_1035] {strides = array<i32>} : memref<256xf32, #tpu.memory_space<vmem>>, vector<16xf32>,
      %mul3A_1037 = arith.mulf %get3A_1034, %get3A_1036 : vector<16xf32>
      %swap3A_1038 = arith.constant 2 : i32
      %swap3A_1039 = arith.index_cast %swap3A_1038 : i32 to index
      %swap3A_1040 = arith.constant 96 : index
      %swap3A_1041 = tpu.vector_load %arg18[%swap3A_1039, %swap3A_1040] {strides = array<i32>} : memref<4x256xf32, #tpu.memory_space<vmem>>, vector<16xf32>,
      tpu.vector_store %arg18[%swap3A_1039, %swap3A_1040], %mul3A_1037 {strides = array<i32>} : memref<4x256xf32, #tpu.memory_space<vmem>>, vector<16xf32>,
      %get3A_1042 = arith.constant 112 : index
      %get3A_1043 = tpu.vector_load %arg16[%get3A_1042] {strides = array<i32>} : memref<256xf32, #tpu.memory_space<vmem>>, vector<16xf32>,
      %get3A_1044 = arith.constant 112 : index
      %get3A_1045 = tpu.vector_load %arg13[%get3A_1044] {strides = array<i32>} : memref<256xf32, #tpu.memory_space<vmem>>, vector<16xf32>,
      %mul3A_1046 = arith.mulf %get3A_1043, %get3A_1045 : vector<16xf32>
      %swap3A_1047 = arith.constant 2 : i32
      %swap3A_1048 = arith.index_cast %swap3A_1047 : i32 to index
      %swap3A_1049 = arith.constant 112 : index
      %swap3A_1050 = tpu.vector_load %arg18[%swap3A_1048, %swap3A_1049] {strides = array<i32>} : memref<4x256xf32, #tpu.memory_space<vmem>>, vector<16xf32>,
      tpu.vector_store %arg18[%swap3A_1048, %swap3A_1049], %mul3A_1046 {strides = array<i32>} : memref<4x256xf32, #tpu.memory_space<vmem>>, vector<16xf32>,
      %get3A_1051 = arith.constant 128 : index
      %get3A_1052 = tpu.vector_load %arg16[%get3A_1051] {strides = array<i32>} : memref<256xf32, #tpu.memory_space<vmem>>, vector<16xf32>,
      %get3A_1053 = arith.constant 128 : index
      %get3A_1054 = tpu.vector_load %arg13[%get3A_1053] {strides = array<i32>} : memref<256xf32, #tpu.memory_space<vmem>>, vector<16xf32>,
      %mul3A_1055 = arith.mulf %get3A_1052, %get3A_1054 : vector<16xf32>
      %swap3A_1056 = arith.constant 2 : i32
      %swap3A_1057 = arith.index_cast %swap3A_1056 : i32 to index
      %swap3A_1058 = arith.constant 128 : index
      %swap3A_1059 = tpu.vector_load %arg18[%swap3A_1057, %swap3A_1058] {strides = array<i32>} : memref<4x256xf32, #tpu.memory_space<vmem>>, vector<16xf32>,
      tpu.vector_store %arg18[%swap3A_1057, %swap3A_1058], %mul3A_1055 {strides = array<i32>} : memref<4x256xf32, #tpu.memory_space<vmem>>, vector<16xf32>,
      %get3A_1060 = arith.constant 144 : index
      %get3A_1061 = tpu.vector_load %arg16[%get3A_1060] {strides = array<i32>} : memref<256xf32, #tpu.memory_space<vmem>>, vector<16xf32>,
      %get3A_1062 = arith.constant 144 : index
      %get3A_1063 = tpu.vector_load %arg13[%get3A_1062] {strides = array<i32>} : memref<256xf32, #tpu.memory_space<vmem>>, vector<16xf32>,
      %mul3A_1064 = arith.mulf %get3A_1061, %get3A_1063 : vector<16xf32>
      %swap3A_1065 = arith.constant 2 : i32
      %swap3A_1066 = arith.index_cast %swap3A_1065 : i32 to index
      %swap3A_1067 = arith.constant 144 : index
      %swap3A_1068 = tpu.vector_load %arg18[%swap3A_1066, %swap3A_1067] {strides = array<i32>} : memref<4x256xf32, #tpu.memory_space<vmem>>, vector<16xf32>,
      tpu.vector_store %arg18[%swap3A_1066, %swap3A_1067], %mul3A_1064 {strides = array<i32>} : memref<4x256xf32, #tpu.memory_space<vmem>>, vector<16xf32>,
      %get3A_1069 = arith.constant 160 : index
      %get3A_1070 = tpu.vector_load %arg16[%get3A_1069] {strides = array<i32>} : memref<256xf32, #tpu.memory_space<vmem>>, vector<16xf32>,
      %get3A_1071 = arith.constant 160 : index
      %get3A_1072 = tpu.vector_load %arg13[%get3A_1071] {strides = array<i32>} : memref<256xf32, #tpu.memory_space<vmem>>, vector<16xf32>,
      %mul3A_1073 = arith.mulf %get3A_1070, %get3A_1072 : vector<16xf32>
      %swap3A_1074 = arith.constant 2 : i32
      %swap3A_1075 = arith.index_cast %swap3A_1074 : i32 to index
      %swap3A_1076 = arith.constant 160 : index
      %swap3A_1077 = tpu.vector_load %arg18[%swap3A_1075, %swap3A_1076] {strides = array<i32>} : memref<4x256xf32, #tpu.memory_space<vmem>>, vector<16xf32>,
      tpu.vector_store %arg18[%swap3A_1075, %swap3A_1076], %mul3A_1073 {strides = array<i32>} : memref<4x256xf32, #tpu.memory_space<vmem>>, vector<16xf32>,
      %get3A_1078 = arith.constant 176 : index
      %get3A_1079 = tpu.vector_load %arg16[%get3A_1078] {strides = array<i32>} : memref<256xf32, #tpu.memory_space<vmem>>, vector<16xf32>,
      %get3A_1080 = arith.constant 176 : index
      %get3A_1081 = tpu.vector_load %arg13[%get3A_1080] {strides = array<i32>} : memref<256xf32, #tpu.memory_space<vmem>>, vector<16xf32>,
      %mul3A_1082 = arith.mulf %get3A_1079, %get3A_1081 : vector<16xf32>
      %swap3A_1083 = arith.constant 2 : i32
      %swap3A_1084 = arith.index_cast %swap3A_1083 : i32 to index
      %swap3A_1085 = arith.constant 176 : index
      %swap3A_1086 = tpu.vector_load %arg18[%swap3A_1084, %swap3A_1085] {strides = array<i32>} : memref<4x256xf32, #tpu.memory_space<vmem>>, vector<16xf32>,
      tpu.vector_store %arg18[%swap3A_1084, %swap3A_1085], %mul3A_1082 {strides = array<i32>} : memref<4x256xf32, #tpu.memory_space<vmem>>, vector<16xf32>,
      %get3A_1087 = arith.constant 192 : index
      %get3A_1088 = tpu.vector_load %arg16[%get3A_1087] {strides = array<i32>} : memref<256xf32, #tpu.memory_space<vmem>>, vector<16xf32>,
      %get3A_1089 = arith.constant 192 : index
      %get3A_1090 = tpu.vector_load %arg13[%get3A_1089] {strides = array<i32>} : memref<256xf32, #tpu.memory_space<vmem>>, vector<16xf32>,
      %mul3A_1091 = arith.mulf %get3A_1088, %get3A_1090 : vector<16xf32>
      %swap3A_1092 = arith.constant 2 : i32
      %swap3A_1093 = arith.index_cast %swap3A_1092 : i32 to index
      %swap3A_1094 = arith.constant 192 : index
      %swap3A_1095 = tpu.vector_load %arg18[%swap3A_1093, %swap3A_1094] {strides = array<i32>} : memref<4x256xf32, #tpu.memory_space<vmem>>, vector<16xf32>,
      tpu.vector_store %arg18[%swap3A_1093, %swap3A_1094], %mul3A_1091 {strides = array<i32>} : memref<4x256xf32, #tpu.memory_space<vmem>>, vector<16xf32>,
      %get3A_1096 = arith.constant 208 : index
      %get3A_1097 = tpu.vector_load %arg16[%get3A_1096] {strides = array<i32>} : memref<256xf32, #tpu.memory_space<vmem>>, vector<16xf32>,
      %get3A_1098 = arith.constant 208 : index
      %get3A_1099 = tpu.vector_load %arg13[%get3A_1098] {strides = array<i32>} : memref<256xf32, #tpu.memory_space<vmem>>, vector<16xf32>,
      %mul3A_1100 = arith.mulf %get3A_1097, %get3A_1099 : vector<16xf32>
      %swap3A_1101 = arith.constant 2 : i32
      %swap3A_1102 = arith.index_cast %swap3A_1101 : i32 to index
      %swap3A_1103 = arith.constant 208 : index
      %swap3A_1104 = tpu.vector_load %arg18[%swap3A_1102, %swap3A_1103] {strides = array<i32>} : memref<4x256xf32, #tpu.memory_space<vmem>>, vector<16xf32>,
      tpu.vector_store %arg18[%swap3A_1102, %swap3A_1103], %mul3A_1100 {strides = array<i32>} : memref<4x256xf32, #tpu.memory_space<vmem>>, vector<16xf32>,
      %get3A_1105 = arith.constant 224 : index
      %get3A_1106 = tpu.vector_load %arg16[%get3A_1105] {strides = array<i32>} : memref<256xf32, #tpu.memory_space<vmem>>, vector<16xf32>,
      %get3A_1107 = arith.constant 224 : index
      %get3A_1108 = tpu.vector_load %arg13[%get3A_1107] {strides = array<i32>} : memref<256xf32, #tpu.memory_space<vmem>>, vector<16xf32>,
      %mul3A_1109 = arith.mulf %get3A_1106, %get3A_1108 : vector<16xf32>
      %swap3A_1110 = arith.constant 2 : i32
      %swap3A_1111 = arith.index_cast %swap3A_1110 : i32 to index
      %swap3A_1112 = arith.constant 224 : index
      %swap3A_1113 = tpu.vector_load %arg18[%swap3A_1111, %swap3A_1112] {strides = array<i32>} : memref<4x256xf32, #tpu.memory_space<vmem>>, vector<16xf32>,
      tpu.vector_store %arg18[%swap3A_1111, %swap3A_1112], %mul3A_1109 {strides = array<i32>} : memref<4x256xf32, #tpu.memory_space<vmem>>, vector<16xf32>,
      %get3A_1114 = arith.constant 240 : index
      %get3A_1115 = tpu.vector_load %arg16[%get3A_1114] {strides = array<i32>} : memref<256xf32, #tpu.memory_space<vmem>>, vector<16xf32>,
      %get3A_1116 = arith.constant 240 : index
      %get3A_1117 = tpu.vector_load %arg13[%get3A_1116] {strides = array<i32>} : memref<256xf32, #tpu.memory_space<vmem>>, vector<16xf32>,
      %mul3A_1118 = arith.mulf %get3A_1115, %get3A_1117 : vector<16xf32>
      %swap3A_1119 = arith.constant 2 : i32
      %swap3A_1120 = arith.index_cast %swap3A_1119 : i32 to index
      %swap3A_1121 = arith.constant 240 : index
      %swap3A_1122 = tpu.vector_load %arg18[%swap3A_1120, %swap3A_1121] {strides = array<i32>} : memref<4x256xf32, #tpu.memory_space<vmem>>, vector<16xf32>,
      tpu.vector_store %arg18[%swap3A_1120, %swap3A_1121], %mul3A_1118 {strides = array<i32>} : memref<4x256xf32, #tpu.memory_space<vmem>>, vector<16xf32>,
      %get3A_1123 = arith.constant 0 : index
      %get3A_1124 = tpu.vector_load %arg17[%get3A_1123] {strides = array<i32>} : memref<256xf32, #tpu.memory_space<vmem>>, vector<16xf32>,
      %get3A_1125 = arith.constant 0 : index
      %get3A_1126 = tpu.vector_load %arg13[%get3A_1125] {strides = array<i32>} : memref<256xf32, #tpu.memory_space<vmem>>, vector<16xf32>,
      %mul3A_1127 = arith.mulf %get3A_1124, %get3A_1126 : vector<16xf32>
      %swap3A_1128 = arith.constant 3 : i32
      %swap3A_1129 = arith.index_cast %swap3A_1128 : i32 to index
      %swap3A_1130 = arith.constant 0 : index
      %swap3A_1131 = tpu.vector_load %arg18[%swap3A_1129, %swap3A_1130] {strides = array<i32>} : memref<4x256xf32, #tpu.memory_space<vmem>>, vector<16xf32>,
      tpu.vector_store %arg18[%swap3A_1129, %swap3A_1130], %mul3A_1127 {strides = array<i32>} : memref<4x256xf32, #tpu.memory_space<vmem>>, vector<16xf32>,
      %get3A_1132 = arith.constant 16 : index
      %get3A_1133 = tpu.vector_load %arg17[%get3A_1132] {strides = array<i32>} : memref<256xf32, #tpu.memory_space<vmem>>, vector<16xf32>,
      %get3A_1134 = arith.constant 16 : index
      %get3A_1135 = tpu.vector_load %arg13[%get3A_1134] {strides = array<i32>} : memref<256xf32, #tpu.memory_space<vmem>>, vector<16xf32>,
      %mul3A_1136 = arith.mulf %get3A_1133, %get3A_1135 : vector<16xf32>
      %swap3A_1137 = arith.constant 3 : i32
      %swap3A_1138 = arith.index_cast %swap3A_1137 : i32 to index
      %swap3A_1139 = arith.constant 16 : index
      %swap3A_1140 = tpu.vector_load %arg18[%swap3A_1138, %swap3A_1139] {strides = array<i32>} : memref<4x256xf32, #tpu.memory_space<vmem>>, vector<16xf32>,
      tpu.vector_store %arg18[%swap3A_1138, %swap3A_1139], %mul3A_1136 {strides = array<i32>} : memref<4x256xf32, #tpu.memory_space<vmem>>, vector<16xf32>,
      %get3A_1141 = arith.constant 32 : index
      %get3A_1142 = tpu.vector_load %arg17[%get3A_1141] {strides = array<i32>} : memref<256xf32, #tpu.memory_space<vmem>>, vector<16xf32>,
      %get3A_1143 = arith.constant 32 : index
      %get3A_1144 = tpu.vector_load %arg13[%get3A_1143] {strides = array<i32>} : memref<256xf32, #tpu.memory_space<vmem>>, vector<16xf32>,
      %mul3A_1145 = arith.mulf %get3A_1142, %get3A_1144 : vector<16xf32>
      %swap3A_1146 = arith.constant 3 : i32
      %swap3A_1147 = arith.index_cast %swap3A_1146 : i32 to index
      %swap3A_1148 = arith.constant 32 : index
      %swap3A_1149 = tpu.vector_load %arg18[%swap3A_1147, %swap3A_1148] {strides = array<i32>} : memref<4x256xf32, #tpu.memory_space<vmem>>, vector<16xf32>,
      tpu.vector_store %arg18[%swap3A_1147, %swap3A_1148], %mul3A_1145 {strides = array<i32>} : memref<4x256xf32, #tpu.memory_space<vmem>>, vector<16xf32>,
      %get3A_1150 = arith.constant 48 : index
      %get3A_1151 = tpu.vector_load %arg17[%get3A_1150] {strides = array<i32>} : memref<256xf32, #tpu.memory_space<vmem>>, vector<16xf32>,
      %get3A_1152 = arith.constant 48 : index
      %get3A_1153 = tpu.vector_load %arg13[%get3A_1152] {strides = array<i32>} : memref<256xf32, #tpu.memory_space<vmem>>, vector<16xf32>,
      %mul3A_1154 = arith.mulf %get3A_1151, %get3A_1153 : vector<16xf32>
      %swap3A_1155 = arith.constant 3 : i32
      %swap3A_1156 = arith.index_cast %swap3A_1155 : i32 to index
      %swap3A_1157 = arith.constant 48 : index
      %swap3A_1158 = tpu.vector_load %arg18[%swap3A_1156, %swap3A_1157] {strides = array<i32>} : memref<4x256xf32, #tpu.memory_space<vmem>>, vector<16xf32>,
      tpu.vector_store %arg18[%swap3A_1156, %swap3A_1157], %mul3A_1154 {strides = array<i32>} : memref<4x256xf32, #tpu.memory_space<vmem>>, vector<16xf32>,
      %get3A_1159 = arith.constant 64 : index
      %get3A_1160 = tpu.vector_load %arg17[%get3A_1159] {strides = array<i32>} : memref<256xf32, #tpu.memory_space<vmem>>, vector<16xf32>,
      %get3A_1161 = arith.constant 64 : index
      %get3A_1162 = tpu.vector_load %arg13[%get3A_1161] {strides = array<i32>} : memref<256xf32, #tpu.memory_space<vmem>>, vector<16xf32>,
      %mul3A_1163 = arith.mulf %get3A_1160, %get3A_1162 : vector<16xf32>
      %swap3A_1164 = arith.constant 3 : i32
      %swap3A_1165 = arith.index_cast %swap3A_1164 : i32 to index
      %swap3A_1166 = arith.constant 64 : index
      %swap3A_1167 = tpu.vector_load %arg18[%swap3A_1165, %swap3A_1166] {strides = array<i32>} : memref<4x256xf32, #tpu.memory_space<vmem>>, vector<16xf32>,
      tpu.vector_store %arg18[%swap3A_1165, %swap3A_1166], %mul3A_1163 {strides = array<i32>} : memref<4x256xf32, #tpu.memory_space<vmem>>, vector<16xf32>,
      %get3A_1168 = arith.constant 80 : index
      %get3A_1169 = tpu.vector_load %arg17[%get3A_1168] {strides = array<i32>} : memref<256xf32, #tpu.memory_space<vmem>>, vector<16xf32>,
      %get3A_1170 = arith.constant 80 : index
      %get3A_1171 = tpu.vector_load %arg13[%get3A_1170] {strides = array<i32>} : memref<256xf32, #tpu.memory_space<vmem>>, vector<16xf32>,
      %mul3A_1172 = arith.mulf %get3A_1169, %get3A_1171 : vector<16xf32>
      %swap3A_1173 = arith.constant 3 : i32
      %swap3A_1174 = arith.index_cast %swap3A_1173 : i32 to index
      %swap3A_1175 = arith.constant 80 : index
      %swap3A_1176 = tpu.vector_load %arg18[%swap3A_1174, %swap3A_1175] {strides = array<i32>} : memref<4x256xf32, #tpu.memory_space<vmem>>, vector<16xf32>,
      tpu.vector_store %arg18[%swap3A_1174, %swap3A_1175], %mul3A_1172 {strides = array<i32>} : memref<4x256xf32, #tpu.memory_space<vmem>>, vector<16xf32>,
      %get3A_1177 = arith.constant 96 : index
      %get3A_1178 = tpu.vector_load %arg17[%get3A_1177] {strides = array<i32>} : memref<256xf32, #tpu.memory_space<vmem>>, vector<16xf32>,
      %get3A_1179 = arith.constant 96 : index
      %get3A_1180 = tpu.vector_load %arg13[%get3A_1179] {strides = array<i32>} : memref<256xf32, #tpu.memory_space<vmem>>, vector<16xf32>,
      %mul3A_1181 = arith.mulf %get3A_1178, %get3A_1180 : vector<16xf32>
      %swap3A_1182 = arith.constant 3 : i32
      %swap3A_1183 = arith.index_cast %swap3A_1182 : i32 to index
      %swap3A_1184 = arith.constant 96 : index
      %swap3A_1185 = tpu.vector_load %arg18[%swap3A_1183, %swap3A_1184] {strides = array<i32>} : memref<4x256xf32, #tpu.memory_space<vmem>>, vector<16xf32>,
      tpu.vector_store %arg18[%swap3A_1183, %swap3A_1184], %mul3A_1181 {strides = array<i32>} : memref<4x256xf32, #tpu.memory_space<vmem>>, vector<16xf32>,
      %get3A_1186 = arith.constant 112 : index
      %get3A_1187 = tpu.vector_load %arg17[%get3A_1186] {strides = array<i32>} : memref<256xf32, #tpu.memory_space<vmem>>, vector<16xf32>,
      %get3A_1188 = arith.constant 112 : index
      %get3A_1189 = tpu.vector_load %arg13[%get3A_1188] {strides = array<i32>} : memref<256xf32, #tpu.memory_space<vmem>>, vector<16xf32>,
      %mul3A_1190 = arith.mulf %get3A_1187, %get3A_1189 : vector<16xf32>
      %swap3A_1191 = arith.constant 3 : i32
      %swap3A_1192 = arith.index_cast %swap3A_1191 : i32 to index
      %swap3A_1193 = arith.constant 112 : index
      %swap3A_1194 = tpu.vector_load %arg18[%swap3A_1192, %swap3A_1193] {strides = array<i32>} : memref<4x256xf32, #tpu.memory_space<vmem>>, vector<16xf32>,
      tpu.vector_store %arg18[%swap3A_1192, %swap3A_1193], %mul3A_1190 {strides = array<i32>} : memref<4x256xf32, #tpu.memory_space<vmem>>, vector<16xf32>,
      %get3A_1195 = arith.constant 128 : index
      %get3A_1196 = tpu.vector_load %arg17[%get3A_1195] {strides = array<i32>} : memref<256xf32, #tpu.memory_space<vmem>>, vector<16xf32>,
      %get3A_1197 = arith.constant 128 : index
      %get3A_1198 = tpu.vector_load %arg13[%get3A_1197] {strides = array<i32>} : memref<256xf32, #tpu.memory_space<vmem>>, vector<16xf32>,
      %mul3A_1199 = arith.mulf %get3A_1196, %get3A_1198 : vector<16xf32>
      %swap3A_1200 = arith.constant 3 : i32
      %swap3A_1201 = arith.index_cast %swap3A_1200 : i32 to index
      %swap3A_1202 = arith.constant 128 : index
      %swap3A_1203 = tpu.vector_load %arg18[%swap3A_1201, %swap3A_1202] {strides = array<i32>} : memref<4x256xf32, #tpu.memory_space<vmem>>, vector<16xf32>,
      tpu.vector_store %arg18[%swap3A_1201, %swap3A_1202], %mul3A_1199 {strides = array<i32>} : memref<4x256xf32, #tpu.memory_space<vmem>>, vector<16xf32>,
      %get3A_1204 = arith.constant 144 : index
      %get3A_1205 = tpu.vector_load %arg17[%get3A_1204] {strides = array<i32>} : memref<256xf32, #tpu.memory_space<vmem>>, vector<16xf32>,
      %get3A_1206 = arith.constant 144 : index
      %get3A_1207 = tpu.vector_load %arg13[%get3A_1206] {strides = array<i32>} : memref<256xf32, #tpu.memory_space<vmem>>, vector<16xf32>,
      %mul3A_1208 = arith.mulf %get3A_1205, %get3A_1207 : vector<16xf32>
      %swap3A_1209 = arith.constant 3 : i32
      %swap3A_1210 = arith.index_cast %swap3A_1209 : i32 to index
      %swap3A_1211 = arith.constant 144 : index
      %swap3A_1212 = tpu.vector_load %arg18[%swap3A_1210, %swap3A_1211] {strides = array<i32>} : memref<4x256xf32, #tpu.memory_space<vmem>>, vector<16xf32>,
      tpu.vector_store %arg18[%swap3A_1210, %swap3A_1211], %mul3A_1208 {strides = array<i32>} : memref<4x256xf32, #tpu.memory_space<vmem>>, vector<16xf32>,
      %get3A_1213 = arith.constant 160 : index
      %get3A_1214 = tpu.vector_load %arg17[%get3A_1213] {strides = array<i32>} : memref<256xf32, #tpu.memory_space<vmem>>, vector<16xf32>,
      %get3A_1215 = arith.constant 160 : index
      %get3A_1216 = tpu.vector_load %arg13[%get3A_1215] {strides = array<i32>} : memref<256xf32, #tpu.memory_space<vmem>>, vector<16xf32>,
      %mul3A_1217 = arith.mulf %get3A_1214, %get3A_1216 : vector<16xf32>
      %swap3A_1218 = arith.constant 3 : i32
      %swap3A_1219 = arith.index_cast %swap3A_1218 : i32 to index
      %swap3A_1220 = arith.constant 160 : index
      %swap3A_1221 = tpu.vector_load %arg18[%swap3A_1219, %swap3A_1220] {strides = array<i32>} : memref<4x256xf32, #tpu.memory_space<vmem>>, vector<16xf32>,
      tpu.vector_store %arg18[%swap3A_1219, %swap3A_1220], %mul3A_1217 {strides = array<i32>} : memref<4x256xf32, #tpu.memory_space<vmem>>, vector<16xf32>,
      %get3A_1222 = arith.constant 176 : index
      %get3A_1223 = tpu.vector_load %arg17[%get3A_1222] {strides = array<i32>} : memref<256xf32, #tpu.memory_space<vmem>>, vector<16xf32>,
      %get3A_1224 = arith.constant 176 : index
      %get3A_1225 = tpu.vector_load %arg13[%get3A_1224] {strides = array<i32>} : memref<256xf32, #tpu.memory_space<vmem>>, vector<16xf32>,
      %mul3A_1226 = arith.mulf %get3A_1223, %get3A_1225 : vector<16xf32>
      %swap3A_1227 = arith.constant 3 : i32
      %swap3A_1228 = arith.index_cast %swap3A_1227 : i32 to index
      %swap3A_1229 = arith.constant 176 : index
      %swap3A_1230 = tpu.vector_load %arg18[%swap3A_1228, %swap3A_1229] {strides = array<i32>} : memref<4x256xf32, #tpu.memory_space<vmem>>, vector<16xf32>,
      tpu.vector_store %arg18[%swap3A_1228, %swap3A_1229], %mul3A_1226 {strides = array<i32>} : memref<4x256xf32, #tpu.memory_space<vmem>>, vector<16xf32>,
      %get3A_1231 = arith.constant 192 : index
      %get3A_1232 = tpu.vector_load %arg17[%get3A_1231] {strides = array<i32>} : memref<256xf32, #tpu.memory_space<vmem>>, vector<16xf32>,
      %get3A_1233 = arith.constant 192 : index
      %get3A_1234 = tpu.vector_load %arg13[%get3A_1233] {strides = array<i32>} : memref<256xf32, #tpu.memory_space<vmem>>, vector<16xf32>,
      %mul3A_1235 = arith.mulf %get3A_1232, %get3A_1234 : vector<16xf32>
      %swap3A_1236 = arith.constant 3 : i32
      %swap3A_1237 = arith.index_cast %swap3A_1236 : i32 to index
      %swap3A_1238 = arith.constant 192 : index
      %swap3A_1239 = tpu.vector_load %arg18[%swap3A_1237, %swap3A_1238] {strides = array<i32>} : memref<4x256xf32, #tpu.memory_space<vmem>>, vector<16xf32>,
      tpu.vector_store %arg18[%swap3A_1237, %swap3A_1238], %mul3A_1235 {strides = array<i32>} : memref<4x256xf32, #tpu.memory_space<vmem>>, vector<16xf32>,
      %get3A_1240 = arith.constant 208 : index
      %get3A_1241 = tpu.vector_load %arg17[%get3A_1240] {strides = array<i32>} : memref<256xf32, #tpu.memory_space<vmem>>, vector<16xf32>,
      %get3A_1242 = arith.constant 208 : index
      %get3A_1243 = tpu.vector_load %arg13[%get3A_1242] {strides = array<i32>} : memref<256xf32, #tpu.memory_space<vmem>>, vector<16xf32>,
      %mul3A_1244 = arith.mulf %get3A_1241, %get3A_1243 : vector<16xf32>
      %swap3A_1245 = arith.constant 3 : i32
      %swap3A_1246 = arith.index_cast %swap3A_1245 : i32 to index
      %swap3A_1247 = arith.constant 208 : index
      %swap3A_1248 = tpu.vector_load %arg18[%swap3A_1246, %swap3A_1247] {strides = array<i32>} : memref<4x256xf32, #tpu.memory_space<vmem>>, vector<16xf32>,
      tpu.vector_store %arg18[%swap3A_1246, %swap3A_1247], %mul3A_1244 {strides = array<i32>} : memref<4x256xf32, #tpu.memory_space<vmem>>, vector<16xf32>,
      %get3A_1249 = arith.constant 224 : index
      %get3A_1250 = tpu.vector_load %arg17[%get3A_1249] {strides = array<i32>} : memref<256xf32, #tpu.memory_space<vmem>>, vector<16xf32>,
      %get3A_1251 = arith.constant 224 : index
      %get3A_1252 = tpu.vector_load %arg13[%get3A_1251] {strides = array<i32>} : memref<256xf32, #tpu.memory_space<vmem>>, vector<16xf32>,
      %mul3A_1253 = arith.mulf %get3A_1250, %get3A_1252 : vector<16xf32>
      %swap3A_1254 = arith.constant 3 : i32
      %swap3A_1255 = arith.index_cast %swap3A_1254 : i32 to index
      %swap3A_1256 = arith.constant 224 : index
      %swap3A_1257 = tpu.vector_load %arg18[%swap3A_1255, %swap3A_1256] {strides = array<i32>} : memref<4x256xf32, #tpu.memory_space<vmem>>, vector<16xf32>,
      tpu.vector_store %arg18[%swap3A_1255, %swap3A_1256], %mul3A_1253 {strides = array<i32>} : memref<4x256xf32, #tpu.memory_space<vmem>>, vector<16xf32>,
      %get3A_1258 = arith.constant 240 : index
      %get3A_1259 = tpu.vector_load %arg17[%get3A_1258] {strides = array<i32>} : memref<256xf32, #tpu.memory_space<vmem>>, vector<16xf32>,
      %get3A_1260 = arith.constant 240 : index
      %get3A_1261 = tpu.vector_load %arg13[%get3A_1260] {strides = array<i32>} : memref<256xf32, #tpu.memory_space<vmem>>, vector<16xf32>,
      %mul3A_1262 = arith.mulf %get3A_1259, %get3A_1261 : vector<16xf32>
      %swap3A_1263 = arith.constant 3 : i32
      %swap3A_1264 = arith.index_cast %swap3A_1263 : i32 to index
      %swap3A_1265 = arith.constant 240 : index
      %swap3A_1266 = tpu.vector_load %arg18[%swap3A_1264, %swap3A_1265] {strides = array<i32>} : memref<4x256xf32, #tpu.memory_space<vmem>>, vector<16xf32>,
      tpu.vector_store %arg18[%swap3A_1264, %swap3A_1265], %mul3A_1262 {strides = array<i32>} : memref<4x256xf32, #tpu.memory_space<vmem>>, vector<16xf32>,
      %dma_start3A_1267 = arith.constant 0 : i32
      %dma_start3A_1268 = tpu.memref_slice %arg5[%select_n3A, %add3A_539, %dma_start3A_1267] : memref<16x256x256xf32, #tpu.memory_space<hbm>> -> memref<1x4x256xf32, #tpu.memory_space<hbm>>
      %dma_start3A_1269 = tpu.memref_squeeze %dma_start3A_1268 : memref<1x4x256xf32, #tpu.memory_space<hbm>> -> memref<4x256xf32, #tpu.memory_space<hbm>>
      %dma_start3A_1270 = arith.constant 0 : i32
      %dma_start3A_1271 = tpu.memref_slice %arg5[%select_n3A, %add3A_539, %dma_start3A_1270] : memref<16x256x256xf32, #tpu.memory_space<hbm>> -> memref<1x4x256xf32, #tpu.memory_space<hbm>>
      %dma_start3A_1272 = tpu.memref_squeeze %dma_start3A_1271 : memref<1x4x256xf32, #tpu.memory_space<hbm>> -> memref<4x256xf32, #tpu.memory_space<hbm>>
      tpu.enqueue_dma source(%arg18 : memref<4x256xf32, #tpu.memory_space<vmem>>) target(%dma_start3A_1272 : memref<4x256xf32, #tpu.memory_space<hbm>>) target_semaphore(%arg22 : memref<!tpu.dma_semaphore, #tpu.memory_space<semaphore_mem>>)
      %dma_wait3A_1273 = arith.constant 0 : i32
      %dma_wait3A_1274 = tpu.memref_slice %arg2[%select_n3A, %add3A_541, %dma_wait3A_1273] : memref<16x256x8192xf32, #tpu.memory_space<hbm>> -> memref<1x4x8192xf32, #tpu.memory_space<hbm>>
      %dma_wait3A_1275 = tpu.memref_squeeze %dma_wait3A_1274 : memref<1x4x8192xf32, #tpu.memory_space<hbm>> -> memref<4x8192xf32, #tpu.memory_space<hbm>>
      %dma_wait3A_1276 = arith.constant 0 : i32
      %dma_wait3A_1277 = tpu.memref_slice %arg2[%select_n3A, %add3A_541, %dma_wait3A_1276] : memref<16x256x8192xf32, #tpu.memory_space<hbm>> -> memref<1x4x8192xf32, #tpu.memory_space<hbm>>
      %dma_wait3A_1278 = tpu.memref_squeeze %dma_wait3A_1277 : memref<1x4x8192xf32, #tpu.memory_space<hbm>> -> memref<4x8192xf32, #tpu.memory_space<hbm>>
      tpu.wait_dma2 semaphore(%arg21 : memref<!tpu.dma_semaphore, #tpu.memory_space<semaphore_mem>>) src(%dma_wait3A_1278 : memref<4x8192xf32, #tpu.memory_space<hbm>>) dst(%arg10 : memref<4x8192xf32, #tpu.memory_space<vmem>>)
      %lt3A_1279 = arith.constant 15 : i32
      %lt3A_1280 = arith.cmpi slt, %scan3A_535, %lt3A_1279 : i32
      %convert_element_type3A_1281 = arith.extui %lt3A_1280 : i1 to i32
      %cond3A_1282 = arith.constant 0 : i32
      %cond3A_1283 = arith.cmpi ne, %convert_element_type3A_1281, %cond3A_1282 : i32
      scf.if %cond3A_1283 {
        %add3A_2005 = arith.constant 4 : i32
        %add3A_2006 = arith.addi %add3A_541, %add3A_2005 : i32
        %dma_start3A_2007 = arith.constant 0 : i32
        %dma_start3A_2008 = tpu.memref_slice %arg2[%select_n3A, %add3A_2006, %dma_start3A_2007] : memref<16x256x8192xf32, #tpu.memory_space<hbm>> -> memref<1x4x8192xf32, #tpu.memory_space<hbm>>
        %dma_start3A_2009 = tpu.memref_squeeze %dma_start3A_2008 : memref<1x4x8192xf32, #tpu.memory_space<hbm>> -> memref<4x8192xf32, #tpu.memory_space<hbm>>
        %dma_start3A_2010 = arith.constant 0 : i32
        %dma_start3A_2011 = tpu.memref_slice %arg2[%select_n3A, %add3A_2006, %dma_start3A_2010] : memref<16x256x8192xf32, #tpu.memory_space<hbm>> -> memref<1x4x8192xf32, #tpu.memory_space<hbm>>
        %dma_start3A_2012 = tpu.memref_squeeze %dma_start3A_2011 : memref<1x4x8192xf32, #tpu.memory_space<hbm>> -> memref<4x8192xf32, #tpu.memory_space<hbm>>
        tpu.enqueue_dma source(%dma_start3A_2012 : memref<4x8192xf32, #tpu.memory_space<hbm>>) target(%arg9 : memref<4x8192xf32, #tpu.memory_space<vmem>>) target_semaphore(%arg20 : memref<!tpu.dma_semaphore, #tpu.memory_space<semaphore_mem>>)
      } else {
      }
      %eq3A_1284 = arith.constant 0 : i32
      %eq3A_1285 = arith.cmpi eq, %scan3A_535, %eq3A_1284 : i32
      %swap3A_1286 = arith.constant 0 : index
      %swap3A_1287 = tpu.vector_load %arg14[%swap3A_1286] {strides = array<i32>} : memref<256xf32, #tpu.memory_space<vmem>>, vector<16xf32>,
      tpu.vector_store %arg14[%swap3A_1286], %broadcast_in_dim3A_35 {strides = array<i32>} : memref<256xf32, #tpu.memory_space<vmem>>, vector<16xf32>,
      %swap3A_1288 = arith.constant 16 : index
      %swap3A_1289 = tpu.vector_load %arg14[%swap3A_1288] {strides = array<i32>} : memref<256xf32, #tpu.memory_space<vmem>>, vector<16xf32>,
      tpu.vector_store %arg14[%swap3A_1288], %broadcast_in_dim3A_35 {strides = array<i32>} : memref<256xf32, #tpu.memory_space<vmem>>, vector<16xf32>,
      %swap3A_1290 = arith.constant 32 : index
      %swap3A_1291 = tpu.vector_load %arg14[%swap3A_1290] {strides = array<i32>} : memref<256xf32, #tpu.memory_space<vmem>>, vector<16xf32>,
      tpu.vector_store %arg14[%swap3A_1290], %broadcast_in_dim3A_35 {strides = array<i32>} : memref<256xf32, #tpu.memory_space<vmem>>, vector<16xf32>,
      %swap3A_1292 = arith.constant 48 : index
      %swap3A_1293 = tpu.vector_load %arg14[%swap3A_1292] {strides = array<i32>} : memref<256xf32, #tpu.memory_space<vmem>>, vector<16xf32>,
      tpu.vector_store %arg14[%swap3A_1292], %broadcast_in_dim3A_35 {strides = array<i32>} : memref<256xf32, #tpu.memory_space<vmem>>, vector<16xf32>,
      %swap3A_1294 = arith.constant 64 : index
      %swap3A_1295 = tpu.vector_load %arg14[%swap3A_1294] {strides = array<i32>} : memref<256xf32, #tpu.memory_space<vmem>>, vector<16xf32>,
      tpu.vector_store %arg14[%swap3A_1294], %broadcast_in_dim3A_35 {strides = array<i32>} : memref<256xf32, #tpu.memory_space<vmem>>, vector<16xf32>,
      %swap3A_1296 = arith.constant 80 : index
      %swap3A_1297 = tpu.vector_load %arg14[%swap3A_1296] {strides = array<i32>} : memref<256xf32, #tpu.memory_space<vmem>>, vector<16xf32>,
      tpu.vector_store %arg14[%swap3A_1296], %broadcast_in_dim3A_35 {strides = array<i32>} : memref<256xf32, #tpu.memory_space<vmem>>, vector<16xf32>,
      %swap3A_1298 = arith.constant 96 : index
      %swap3A_1299 = tpu.vector_load %arg14[%swap3A_1298] {strides = array<i32>} : memref<256xf32, #tpu.memory_space<vmem>>, vector<16xf32>,
      tpu.vector_store %arg14[%swap3A_1298], %broadcast_in_dim3A_35 {strides = array<i32>} : memref<256xf32, #tpu.memory_space<vmem>>, vector<16xf32>,
      %swap3A_1300 = arith.constant 112 : index
      %swap3A_1301 = tpu.vector_load %arg14[%swap3A_1300] {strides = array<i32>} : memref<256xf32, #tpu.memory_space<vmem>>, vector<16xf32>,
      tpu.vector_store %arg14[%swap3A_1300], %broadcast_in_dim3A_35 {strides = array<i32>} : memref<256xf32, #tpu.memory_space<vmem>>, vector<16xf32>,
      %swap3A_1302 = arith.constant 128 : index
      %swap3A_1303 = tpu.vector_load %arg14[%swap3A_1302] {strides = array<i32>} : memref<256xf32, #tpu.memory_space<vmem>>, vector<16xf32>,
      tpu.vector_store %arg14[%swap3A_1302], %broadcast_in_dim3A_35 {strides = array<i32>} : memref<256xf32, #tpu.memory_space<vmem>>, vector<16xf32>,
      %swap3A_1304 = arith.constant 144 : index
      %swap3A_1305 = tpu.vector_load %arg14[%swap3A_1304] {strides = array<i32>} : memref<256xf32, #tpu.memory_space<vmem>>, vector<16xf32>,
      tpu.vector_store %arg14[%swap3A_1304], %broadcast_in_dim3A_35 {strides = array<i32>} : memref<256xf32, #tpu.memory_space<vmem>>, vector<16xf32>,
      %swap3A_1306 = arith.constant 160 : index
      %swap3A_1307 = tpu.vector_load %arg14[%swap3A_1306] {strides = array<i32>} : memref<256xf32, #tpu.memory_space<vmem>>, vector<16xf32>,
      tpu.vector_store %arg14[%swap3A_1306], %broadcast_in_dim3A_35 {strides = array<i32>} : memref<256xf32, #tpu.memory_space<vmem>>, vector<16xf32>,
      %swap3A_1308 = arith.constant 176 : index
      %swap3A_1309 = tpu.vector_load %arg14[%swap3A_1308] {strides = array<i32>} : memref<256xf32, #tpu.memory_space<vmem>>, vector<16xf32>,
      tpu.vector_store %arg14[%swap3A_1308], %broadcast_in_dim3A_35 {strides = array<i32>} : memref<256xf32, #tpu.memory_space<vmem>>, vector<16xf32>,
      %swap3A_1310 = arith.constant 192 : index
      %swap3A_1311 = tpu.vector_load %arg14[%swap3A_1310] {strides = array<i32>} : memref<256xf32, #tpu.memory_space<vmem>>, vector<16xf32>,
      tpu.vector_store %arg14[%swap3A_1310], %broadcast_in_dim3A_35 {strides = array<i32>} : memref<256xf32, #tpu.memory_space<vmem>>, vector<16xf32>,
      %swap3A_1312 = arith.constant 208 : index
      %swap3A_1313 = tpu.vector_load %arg14[%swap3A_1312] {strides = array<i32>} : memref<256xf32, #tpu.memory_space<vmem>>, vector<16xf32>,
      tpu.vector_store %arg14[%swap3A_1312], %broadcast_in_dim3A_35 {strides = array<i32>} : memref<256xf32, #tpu.memory_space<vmem>>, vector<16xf32>,
      %swap3A_1314 = arith.constant 224 : index
      %swap3A_1315 = tpu.vector_load %arg14[%swap3A_1314] {strides = array<i32>} : memref<256xf32, #tpu.memory_space<vmem>>, vector<16xf32>,
      tpu.vector_store %arg14[%swap3A_1314], %broadcast_in_dim3A_35 {strides = array<i32>} : memref<256xf32, #tpu.memory_space<vmem>>, vector<16xf32>,
      %swap3A_1316 = arith.constant 240 : index
      %swap3A_1317 = tpu.vector_load %arg14[%swap3A_1316] {strides = array<i32>} : memref<256xf32, #tpu.memory_space<vmem>>, vector<16xf32>,
      tpu.vector_store %arg14[%swap3A_1316], %broadcast_in_dim3A_35 {strides = array<i32>} : memref<256xf32, #tpu.memory_space<vmem>>, vector<16xf32>,
      %swap3A_1318 = arith.constant 0 : index
      %swap3A_1319 = tpu.vector_load %arg15[%swap3A_1318] {strides = array<i32>} : memref<256xf32, #tpu.memory_space<vmem>>, vector<16xf32>,
      tpu.vector_store %arg15[%swap3A_1318], %broadcast_in_dim3A_35 {strides = array<i32>} : memref<256xf32, #tpu.memory_space<vmem>>, vector<16xf32>,
      %swap3A_1320 = arith.constant 16 : index
      %swap3A_1321 = tpu.vector_load %arg15[%swap3A_1320] {strides = array<i32>} : memref<256xf32, #tpu.memory_space<vmem>>, vector<16xf32>,
      tpu.vector_store %arg15[%swap3A_1320], %broadcast_in_dim3A_35 {strides = array<i32>} : memref<256xf32, #tpu.memory_space<vmem>>, vector<16xf32>,
      %swap3A_1322 = arith.constant 32 : index
      %swap3A_1323 = tpu.vector_load %arg15[%swap3A_1322] {strides = array<i32>} : memref<256xf32, #tpu.memory_space<vmem>>, vector<16xf32>,
      tpu.vector_store %arg15[%swap3A_1322], %broadcast_in_dim3A_35 {strides = array<i32>} : memref<256xf32, #tpu.memory_space<vmem>>, vector<16xf32>,
      %swap3A_1324 = arith.constant 48 : index
      %swap3A_1325 = tpu.vector_load %arg15[%swap3A_1324] {strides = array<i32>} : memref<256xf32, #tpu.memory_space<vmem>>, vector<16xf32>,
      tpu.vector_store %arg15[%swap3A_1324], %broadcast_in_dim3A_35 {strides = array<i32>} : memref<256xf32, #tpu.memory_space<vmem>>, vector<16xf32>,
      %swap3A_1326 = arith.constant 64 : index
      %swap3A_1327 = tpu.vector_load %arg15[%swap3A_1326] {strides = array<i32>} : memref<256xf32, #tpu.memory_space<vmem>>, vector<16xf32>,
      tpu.vector_store %arg15[%swap3A_1326], %broadcast_in_dim3A_35 {strides = array<i32>} : memref<256xf32, #tpu.memory_space<vmem>>, vector<16xf32>,
      %swap3A_1328 = arith.constant 80 : index
      %swap3A_1329 = tpu.vector_load %arg15[%swap3A_1328] {strides = array<i32>} : memref<256xf32, #tpu.memory_space<vmem>>, vector<16xf32>,
      tpu.vector_store %arg15[%swap3A_1328], %broadcast_in_dim3A_35 {strides = array<i32>} : memref<256xf32, #tpu.memory_space<vmem>>, vector<16xf32>,
      %swap3A_1330 = arith.constant 96 : index
      %swap3A_1331 = tpu.vector_load %arg15[%swap3A_1330] {strides = array<i32>} : memref<256xf32, #tpu.memory_space<vmem>>, vector<16xf32>,
      tpu.vector_store %arg15[%swap3A_1330], %broadcast_in_dim3A_35 {strides = array<i32>} : memref<256xf32, #tpu.memory_space<vmem>>, vector<16xf32>,
      %swap3A_1332 = arith.constant 112 : index
      %swap3A_1333 = tpu.vector_load %arg15[%swap3A_1332] {strides = array<i32>} : memref<256xf32, #tpu.memory_space<vmem>>, vector<16xf32>,
      tpu.vector_store %arg15[%swap3A_1332], %broadcast_in_dim3A_35 {strides = array<i32>} : memref<256xf32, #tpu.memory_space<vmem>>, vector<16xf32>,
      %swap3A_1334 = arith.constant 128 : index
      %swap3A_1335 = tpu.vector_load %arg15[%swap3A_1334] {strides = array<i32>} : memref<256xf32, #tpu.memory_space<vmem>>, vector<16xf32>,
      tpu.vector_store %arg15[%swap3A_1334], %broadcast_in_dim3A_35 {strides = array<i32>} : memref<256xf32, #tpu.memory_space<vmem>>, vector<16xf32>,
      %swap3A_1336 = arith.constant 144 : index
      %swap3A_1337 = tpu.vector_load %arg15[%swap3A_1336] {strides = array<i32>} : memref<256xf32, #tpu.memory_space<vmem>>, vector<16xf32>,
      tpu.vector_store %arg15[%swap3A_1336], %broadcast_in_dim3A_35 {strides = array<i32>} : memref<256xf32, #tpu.memory_space<vmem>>, vector<16xf32>,
      %swap3A_1338 = arith.constant 160 : index
      %swap3A_1339 = tpu.vector_load %arg15[%swap3A_1338] {strides = array<i32>} : memref<256xf32, #tpu.memory_space<vmem>>, vector<16xf32>,
      tpu.vector_store %arg15[%swap3A_1338], %broadcast_in_dim3A_35 {strides = array<i32>} : memref<256xf32, #tpu.memory_space<vmem>>, vector<16xf32>,
      %swap3A_1340 = arith.constant 176 : index
      %swap3A_1341 = tpu.vector_load %arg15[%swap3A_1340] {strides = array<i32>} : memref<256xf32, #tpu.memory_space<vmem>>, vector<16xf32>,
      tpu.vector_store %arg15[%swap3A_1340], %broadcast_in_dim3A_35 {strides = array<i32>} : memref<256xf32, #tpu.memory_space<vmem>>, vector<16xf32>,
      %swap3A_1342 = arith.constant 192 : index
      %swap3A_1343 = tpu.vector_load %arg15[%swap3A_1342] {strides = array<i32>} : memref<256xf32, #tpu.memory_space<vmem>>, vector<16xf32>,
      tpu.vector_store %arg15[%swap3A_1342], %broadcast_in_dim3A_35 {strides = array<i32>} : memref<256xf32, #tpu.memory_space<vmem>>, vector<16xf32>,
      %swap3A_1344 = arith.constant 208 : index
      %swap3A_1345 = tpu.vector_load %arg15[%swap3A_1344] {strides = array<i32>} : memref<256xf32, #tpu.memory_space<vmem>>, vector<16xf32>,
      tpu.vector_store %arg15[%swap3A_1344], %broadcast_in_dim3A_35 {strides = array<i32>} : memref<256xf32, #tpu.memory_space<vmem>>, vector<16xf32>,
      %swap3A_1346 = arith.constant 224 : index
      %swap3A_1347 = tpu.vector_load %arg15[%swap3A_1346] {strides = array<i32>} : memref<256xf32, #tpu.memory_space<vmem>>, vector<16xf32>,
      tpu.vector_store %arg15[%swap3A_1346], %broadcast_in_dim3A_35 {strides = array<i32>} : memref<256xf32, #tpu.memory_space<vmem>>, vector<16xf32>,
      %swap3A_1348 = arith.constant 240 : index
      %swap3A_1349 = tpu.vector_load %arg15[%swap3A_1348] {strides = array<i32>} : memref<256xf32, #tpu.memory_space<vmem>>, vector<16xf32>,
      tpu.vector_store %arg15[%swap3A_1348], %broadcast_in_dim3A_35 {strides = array<i32>} : memref<256xf32, #tpu.memory_space<vmem>>, vector<16xf32>,
      %swap3A_1350 = arith.constant 0 : index
      %swap3A_1351 = tpu.vector_load %arg16[%swap3A_1350] {strides = array<i32>} : memref<256xf32, #tpu.memory_space<vmem>>, vector<16xf32>,
      tpu.vector_store %arg16[%swap3A_1350], %broadcast_in_dim3A_35 {strides = array<i32>} : memref<256xf32, #tpu.memory_space<vmem>>, vector<16xf32>,
      %swap3A_1352 = arith.constant 16 : index
      %swap3A_1353 = tpu.vector_load %arg16[%swap3A_1352] {strides = array<i32>} : memref<256xf32, #tpu.memory_space<vmem>>, vector<16xf32>,
      tpu.vector_store %arg16[%swap3A_1352], %broadcast_in_dim3A_35 {strides = array<i32>} : memref<256xf32, #tpu.memory_space<vmem>>, vector<16xf32>,
      %swap3A_1354 = arith.constant 32 : index
      %swap3A_1355 = tpu.vector_load %arg16[%swap3A_1354] {strides = array<i32>} : memref<256xf32, #tpu.memory_space<vmem>>, vector<16xf32>,
      tpu.vector_store %arg16[%swap3A_1354], %broadcast_in_dim3A_35 {strides = array<i32>} : memref<256xf32, #tpu.memory_space<vmem>>, vector<16xf32>,
      %swap3A_1356 = arith.constant 48 : index
      %swap3A_1357 = tpu.vector_load %arg16[%swap3A_1356] {strides = array<i32>} : memref<256xf32, #tpu.memory_space<vmem>>, vector<16xf32>,
      tpu.vector_store %arg16[%swap3A_1356], %broadcast_in_dim3A_35 {strides = array<i32>} : memref<256xf32, #tpu.memory_space<vmem>>, vector<16xf32>,
      %swap3A_1358 = arith.constant 64 : index
      %swap3A_1359 = tpu.vector_load %arg16[%swap3A_1358] {strides = array<i32>} : memref<256xf32, #tpu.memory_space<vmem>>, vector<16xf32>,
      tpu.vector_store %arg16[%swap3A_1358], %broadcast_in_dim3A_35 {strides = array<i32>} : memref<256xf32, #tpu.memory_space<vmem>>, vector<16xf32>,
      %swap3A_1360 = arith.constant 80 : index
      %swap3A_1361 = tpu.vector_load %arg16[%swap3A_1360] {strides = array<i32>} : memref<256xf32, #tpu.memory_space<vmem>>, vector<16xf32>,
      tpu.vector_store %arg16[%swap3A_1360], %broadcast_in_dim3A_35 {strides = array<i32>} : memref<256xf32, #tpu.memory_space<vmem>>, vector<16xf32>,
      %swap3A_1362 = arith.constant 96 : index
      %swap3A_1363 = tpu.vector_load %arg16[%swap3A_1362] {strides = array<i32>} : memref<256xf32, #tpu.memory_space<vmem>>, vector<16xf32>,
      tpu.vector_store %arg16[%swap3A_1362], %broadcast_in_dim3A_35 {strides = array<i32>} : memref<256xf32, #tpu.memory_space<vmem>>, vector<16xf32>,
      %swap3A_1364 = arith.constant 112 : index
      %swap3A_1365 = tpu.vector_load %arg16[%swap3A_1364] {strides = array<i32>} : memref<256xf32, #tpu.memory_space<vmem>>, vector<16xf32>,
      tpu.vector_store %arg16[%swap3A_1364], %broadcast_in_dim3A_35 {strides = array<i32>} : memref<256xf32, #tpu.memory_space<vmem>>, vector<16xf32>,
      %swap3A_1366 = arith.constant 128 : index
      %swap3A_1367 = tpu.vector_load %arg16[%swap3A_1366] {strides = array<i32>} : memref<256xf32, #tpu.memory_space<vmem>>, vector<16xf32>,
      tpu.vector_store %arg16[%swap3A_1366], %broadcast_in_dim3A_35 {strides = array<i32>} : memref<256xf32, #tpu.memory_space<vmem>>, vector<16xf32>,
      %swap3A_1368 = arith.constant 144 : index
      %swap3A_1369 = tpu.vector_load %arg16[%swap3A_1368] {strides = array<i32>} : memref<256xf32, #tpu.memory_space<vmem>>, vector<16xf32>,
      tpu.vector_store %arg16[%swap3A_1368], %broadcast_in_dim3A_35 {strides = array<i32>} : memref<256xf32, #tpu.memory_space<vmem>>, vector<16xf32>,
      %swap3A_1370 = arith.constant 160 : index
      %swap3A_1371 = tpu.vector_load %arg16[%swap3A_1370] {strides = array<i32>} : memref<256xf32, #tpu.memory_space<vmem>>, vector<16xf32>,
      tpu.vector_store %arg16[%swap3A_1370], %broadcast_in_dim3A_35 {strides = array<i32>} : memref<256xf32, #tpu.memory_space<vmem>>, vector<16xf32>,
      %swap3A_1372 = arith.constant 176 : index
      %swap3A_1373 = tpu.vector_load %arg16[%swap3A_1372] {strides = array<i32>} : memref<256xf32, #tpu.memory_space<vmem>>, vector<16xf32>,
      tpu.vector_store %arg16[%swap3A_1372], %broadcast_in_dim3A_35 {strides = array<i32>} : memref<256xf32, #tpu.memory_space<vmem>>, vector<16xf32>,
      %swap3A_1374 = arith.constant 192 : index
      %swap3A_1375 = tpu.vector_load %arg16[%swap3A_1374] {strides = array<i32>} : memref<256xf32, #tpu.memory_space<vmem>>, vector<16xf32>,
      tpu.vector_store %arg16[%swap3A_1374], %broadcast_in_dim3A_35 {strides = array<i32>} : memref<256xf32, #tpu.memory_space<vmem>>, vector<16xf32>,
      %swap3A_1376 = arith.constant 208 : index
      %swap3A_1377 = tpu.vector_load %arg16[%swap3A_1376] {strides = array<i32>} : memref<256xf32, #tpu.memory_space<vmem>>, vector<16xf32>,
      tpu.vector_store %arg16[%swap3A_1376], %broadcast_in_dim3A_35 {strides = array<i32>} : memref<256xf32, #tpu.memory_space<vmem>>, vector<16xf32>,
      %swap3A_1378 = arith.constant 224 : index
      %swap3A_1379 = tpu.vector_load %arg16[%swap3A_1378] {strides = array<i32>} : memref<256xf32, #tpu.memory_space<vmem>>, vector<16xf32>,
      tpu.vector_store %arg16[%swap3A_1378], %broadcast_in_dim3A_35 {strides = array<i32>} : memref<256xf32, #tpu.memory_space<vmem>>, vector<16xf32>,
      %swap3A_1380 = arith.constant 240 : index
      %swap3A_1381 = tpu.vector_load %arg16[%swap3A_1380] {strides = array<i32>} : memref<256xf32, #tpu.memory_space<vmem>>, vector<16xf32>,
      tpu.vector_store %arg16[%swap3A_1380], %broadcast_in_dim3A_35 {strides = array<i32>} : memref<256xf32, #tpu.memory_space<vmem>>, vector<16xf32>,
      %swap3A_1382 = arith.constant 0 : index
      %swap3A_1383 = tpu.vector_load %arg17[%swap3A_1382] {strides = array<i32>} : memref<256xf32, #tpu.memory_space<vmem>>, vector<16xf32>,
      tpu.vector_store %arg17[%swap3A_1382], %broadcast_in_dim3A_35 {strides = array<i32>} : memref<256xf32, #tpu.memory_space<vmem>>, vector<16xf32>,
      %swap3A_1384 = arith.constant 16 : index
      %swap3A_1385 = tpu.vector_load %arg17[%swap3A_1384] {strides = array<i32>} : memref<256xf32, #tpu.memory_space<vmem>>, vector<16xf32>,
      tpu.vector_store %arg17[%swap3A_1384], %broadcast_in_dim3A_35 {strides = array<i32>} : memref<256xf32, #tpu.memory_space<vmem>>, vector<16xf32>,
      %swap3A_1386 = arith.constant 32 : index
      %swap3A_1387 = tpu.vector_load %arg17[%swap3A_1386] {strides = array<i32>} : memref<256xf32, #tpu.memory_space<vmem>>, vector<16xf32>,
      tpu.vector_store %arg17[%swap3A_1386], %broadcast_in_dim3A_35 {strides = array<i32>} : memref<256xf32, #tpu.memory_space<vmem>>, vector<16xf32>,
      %swap3A_1388 = arith.constant 48 : index
      %swap3A_1389 = tpu.vector_load %arg17[%swap3A_1388] {strides = array<i32>} : memref<256xf32, #tpu.memory_space<vmem>>, vector<16xf32>,
      tpu.vector_store %arg17[%swap3A_1388], %broadcast_in_dim3A_35 {strides = array<i32>} : memref<256xf32, #tpu.memory_space<vmem>>, vector<16xf32>,
      %swap3A_1390 = arith.constant 64 : index
      %swap3A_1391 = tpu.vector_load %arg17[%swap3A_1390] {strides = array<i32>} : memref<256xf32, #tpu.memory_space<vmem>>, vector<16xf32>,
      tpu.vector_store %arg17[%swap3A_1390], %broadcast_in_dim3A_35 {strides = array<i32>} : memref<256xf32, #tpu.memory_space<vmem>>, vector<16xf32>,
      %swap3A_1392 = arith.constant 80 : index
      %swap3A_1393 = tpu.vector_load %arg17[%swap3A_1392] {strides = array<i32>} : memref<256xf32, #tpu.memory_space<vmem>>, vector<16xf32>,
      tpu.vector_store %arg17[%swap3A_1392], %broadcast_in_dim3A_35 {strides = array<i32>} : memref<256xf32, #tpu.memory_space<vmem>>, vector<16xf32>,
      %swap3A_1394 = arith.constant 96 : index
      %swap3A_1395 = tpu.vector_load %arg17[%swap3A_1394] {strides = array<i32>} : memref<256xf32, #tpu.memory_space<vmem>>, vector<16xf32>,
      tpu.vector_store %arg17[%swap3A_1394], %broadcast_in_dim3A_35 {strides = array<i32>} : memref<256xf32, #tpu.memory_space<vmem>>, vector<16xf32>,
      %swap3A_1396 = arith.constant 112 : index
      %swap3A_1397 = tpu.vector_load %arg17[%swap3A_1396] {strides = array<i32>} : memref<256xf32, #tpu.memory_space<vmem>>, vector<16xf32>,
      tpu.vector_store %arg17[%swap3A_1396], %broadcast_in_dim3A_35 {strides = array<i32>} : memref<256xf32, #tpu.memory_space<vmem>>, vector<16xf32>,
      %swap3A_1398 = arith.constant 128 : index
      %swap3A_1399 = tpu.vector_load %arg17[%swap3A_1398] {strides = array<i32>} : memref<256xf32, #tpu.memory_space<vmem>>, vector<16xf32>,
      tpu.vector_store %arg17[%swap3A_1398], %broadcast_in_dim3A_35 {strides = array<i32>} : memref<256xf32, #tpu.memory_space<vmem>>, vector<16xf32>,
      %swap3A_1400 = arith.constant 144 : index
      %swap3A_1401 = tpu.vector_load %arg17[%swap3A_1400] {strides = array<i32>} : memref<256xf32, #tpu.memory_space<vmem>>, vector<16xf32>,
      tpu.vector_store %arg17[%swap3A_1400], %broadcast_in_dim3A_35 {strides = array<i32>} : memref<256xf32, #tpu.memory_space<vmem>>, vector<16xf32>,
      %swap3A_1402 = arith.constant 160 : index
      %swap3A_1403 = tpu.vector_load %arg17[%swap3A_1402] {strides = array<i32>} : memref<256xf32, #tpu.memory_space<vmem>>, vector<16xf32>,
      tpu.vector_store %arg17[%swap3A_1402], %broadcast_in_dim3A_35 {strides = array<i32>} : memref<256xf32, #tpu.memory_space<vmem>>, vector<16xf32>,
      %swap3A_1404 = arith.constant 176 : index
      %swap3A_1405 = tpu.vector_load %arg17[%swap3A_1404] {strides = array<i32>} : memref<256xf32, #tpu.memory_space<vmem>>, vector<16xf32>,
      tpu.vector_store %arg17[%swap3A_1404], %broadcast_in_dim3A_35 {strides = array<i32>} : memref<256xf32, #tpu.memory_space<vmem>>, vector<16xf32>,
      %swap3A_1406 = arith.constant 192 : index
      %swap3A_1407 = tpu.vector_load %arg17[%swap3A_1406] {strides = array<i32>} : memref<256xf32, #tpu.memory_space<vmem>>, vector<16xf32>,
      tpu.vector_store %arg17[%swap3A_1406], %broadcast_in_dim3A_35 {strides = array<i32>} : memref<256xf32, #tpu.memory_space<vmem>>, vector<16xf32>,
      %swap3A_1408 = arith.constant 208 : index
      %swap3A_1409 = tpu.vector_load %arg17[%swap3A_1408] {strides = array<i32>} : memref<256xf32, #tpu.memory_space<vmem>>, vector<16xf32>,
      tpu.vector_store %arg17[%swap3A_1408], %broadcast_in_dim3A_35 {strides = array<i32>} : memref<256xf32, #tpu.memory_space<vmem>>, vector<16xf32>,
      %swap3A_1410 = arith.constant 224 : index
      %swap3A_1411 = tpu.vector_load %arg17[%swap3A_1410] {strides = array<i32>} : memref<256xf32, #tpu.memory_space<vmem>>, vector<16xf32>,
      tpu.vector_store %arg17[%swap3A_1410], %broadcast_in_dim3A_35 {strides = array<i32>} : memref<256xf32, #tpu.memory_space<vmem>>, vector<16xf32>,
      %swap3A_1412 = arith.constant 240 : index
      %swap3A_1413 = tpu.vector_load %arg17[%swap3A_1412] {strides = array<i32>} : memref<256xf32, #tpu.memory_space<vmem>>, vector<16xf32>,
      tpu.vector_store %arg17[%swap3A_1412], %broadcast_in_dim3A_35 {strides = array<i32>} : memref<256xf32, #tpu.memory_space<vmem>>, vector<16xf32>,
      %parallel_loop3A_1414 = arith.constant 0 : i32
      %parallel_loop3A_1415 = arith.constant 512 : i32
      %parallel_loop3A_1416 = arith.constant 1 : i32
      scf.for %parallel_loop3A_2005 = %parallel_loop3A_1414 to %parallel_loop3A_1415 step %parallel_loop3A_1416  : i32 {
        %parallel_loop3A_2006 = arith.constant 16 : i32
        %parallel_loop3A_2007 = arith.muli %parallel_loop3A_2005, %parallel_loop3A_2006 : i32
        %parallel_loop3A_2008 = arith.index_cast %parallel_loop3A_2007 : i32 to index
        %parallel_loop3A_2009 = tpu.vector_load %arg7[%parallel_loop3A_2008] {strides = array<i32>} : memref<8192xi32, #tpu.memory_space<vmem>>, vector<16xi32>,
        %parallel_loop3A_2010 = arith.constant 0 : i32
        %parallel_loop3A_2011 = arith.index_cast %parallel_loop3A_2010 : i32 to index
        %parallel_loop3A_2012 = arith.index_cast %parallel_loop3A_2007 : i32 to index
        %parallel_loop3A_2013 = tpu.vector_load %arg10[%parallel_loop3A_2011, %parallel_loop3A_2012] {strides = array<i32>} : memref<4x8192xf32, #tpu.memory_space<vmem>>, vector<16xf32>,
        tpu.vector_store_idx %arg14[%parallel_loop3A_2009], %parallel_loop3A_2013 {add = true} : memref<256xf32, #tpu.memory_space<vmem>>[vector<16xi32>], vector<16xf32>,
        %parallel_loop3A_2014 = arith.constant 1 : i32
        %parallel_loop3A_2015 = arith.index_cast %parallel_loop3A_2014 : i32 to index
        %parallel_loop3A_2016 = arith.index_cast %parallel_loop3A_2007 : i32 to index
        %parallel_loop3A_2017 = tpu.vector_load %arg10[%parallel_loop3A_2015, %parallel_loop3A_2016] {strides = array<i32>} : memref<4x8192xf32, #tpu.memory_space<vmem>>, vector<16xf32>,
        tpu.vector_store_idx %arg15[%parallel_loop3A_2009], %parallel_loop3A_2017 {add = true} : memref<256xf32, #tpu.memory_space<vmem>>[vector<16xi32>], vector<16xf32>,
        %parallel_loop3A_2018 = arith.constant 2 : i32
        %parallel_loop3A_2019 = arith.index_cast %parallel_loop3A_2018 : i32 to index
        %parallel_loop3A_2020 = arith.index_cast %parallel_loop3A_2007 : i32 to index
        %parallel_loop3A_2021 = tpu.vector_load %arg10[%parallel_loop3A_2019, %parallel_loop3A_2020] {strides = array<i32>} : memref<4x8192xf32, #tpu.memory_space<vmem>>, vector<16xf32>,
        tpu.vector_store_idx %arg16[%parallel_loop3A_2009], %parallel_loop3A_2021 {add = true} : memref<256xf32, #tpu.memory_space<vmem>>[vector<16xi32>], vector<16xf32>,
        %parallel_loop3A_2022 = arith.constant 3 : i32
        %parallel_loop3A_2023 = arith.index_cast %parallel_loop3A_2022 : i32 to index
        %parallel_loop3A_2024 = arith.index_cast %parallel_loop3A_2007 : i32 to index
        %parallel_loop3A_2025 = tpu.vector_load %arg10[%parallel_loop3A_2023, %parallel_loop3A_2024] {strides = array<i32>} : memref<4x8192xf32, #tpu.memory_space<vmem>>, vector<16xf32>,
        tpu.vector_store_idx %arg17[%parallel_loop3A_2009], %parallel_loop3A_2025 {add = true} : memref<256xf32, #tpu.memory_space<vmem>>[vector<16xi32>], vector<16xf32>,
      } {sc.loop_unroll_factor = 2 : i64, sc.parallel_access}
      %not3A_1417 = arith.constant true
      %not3A_1418 = arith.xori %eq3A_1285, %not3A_1417 : i1
      %convert_element_type3A_1419 = arith.extui %not3A_1418 : i1 to i32
      %cond3A_1420 = arith.constant 0 : i32
      %cond3A_1421 = arith.cmpi ne, %convert_element_type3A_1419, %cond3A_1420 : i32
      scf.if %cond3A_1421 {
        %dma_wait3A_2005 = arith.constant 0 : i32
        %dma_wait3A_2006 = tpu.memref_slice %arg5[%select_n3A, %add3A_541, %dma_wait3A_2005] : memref<16x256x256xf32, #tpu.memory_space<hbm>> -> memref<1x4x256xf32, #tpu.memory_space<hbm>>
        %dma_wait3A_2007 = tpu.memref_squeeze %dma_wait3A_2006 : memref<1x4x256xf32, #tpu.memory_space<hbm>> -> memref<4x256xf32, #tpu.memory_space<hbm>>
        %dma_wait3A_2008 = arith.constant 0 : i32
        %dma_wait3A_2009 = tpu.memref_slice %arg5[%select_n3A, %add3A_541, %dma_wait3A_2008] : memref<16x256x256xf32, #tpu.memory_space<hbm>> -> memref<1x4x256xf32, #tpu.memory_space<hbm>>
        %dma_wait3A_2010 = tpu.memref_squeeze %dma_wait3A_2009 : memref<1x4x256xf32, #tpu.memory_space<hbm>> -> memref<4x256xf32, #tpu.memory_space<hbm>>
        tpu.wait_dma2 semaphore(%arg23 : memref<!tpu.dma_semaphore, #tpu.memory_space<semaphore_mem>>) src(%arg19 : memref<4x256xf32, #tpu.memory_space<vmem>>) dst(%dma_wait3A_2010 : memref<4x256xf32, #tpu.memory_space<hbm>>)
      } else {
      }
      %get3A_1422 = arith.constant 0 : index
      %get3A_1423 = tpu.vector_load %arg14[%get3A_1422] {strides = array<i32>} : memref<256xf32, #tpu.memory_space<vmem>>, vector<16xf32>,
      %get3A_1424 = arith.constant 0 : index
      %get3A_1425 = tpu.vector_load %arg13[%get3A_1424] {strides = array<i32>} : memref<256xf32, #tpu.memory_space<vmem>>, vector<16xf32>,
      %mul3A_1426 = arith.mulf %get3A_1423, %get3A_1425 : vector<16xf32>
      %swap3A_1427 = arith.constant 0 : i32
      %swap3A_1428 = arith.index_cast %swap3A_1427 : i32 to index
      %swap3A_1429 = arith.constant 0 : index
      %swap3A_1430 = tpu.vector_load %arg19[%swap3A_1428, %swap3A_1429] {strides = array<i32>} : memref<4x256xf32, #tpu.memory_space<vmem>>, vector<16xf32>,
      tpu.vector_store %arg19[%swap3A_1428, %swap3A_1429], %mul3A_1426 {strides = array<i32>} : memref<4x256xf32, #tpu.memory_space<vmem>>, vector<16xf32>,
      %get3A_1431 = arith.constant 16 : index
      %get3A_1432 = tpu.vector_load %arg14[%get3A_1431] {strides = array<i32>} : memref<256xf32, #tpu.memory_space<vmem>>, vector<16xf32>,
      %get3A_1433 = arith.constant 16 : index
      %get3A_1434 = tpu.vector_load %arg13[%get3A_1433] {strides = array<i32>} : memref<256xf32, #tpu.memory_space<vmem>>, vector<16xf32>,
      %mul3A_1435 = arith.mulf %get3A_1432, %get3A_1434 : vector<16xf32>
      %swap3A_1436 = arith.constant 0 : i32
      %swap3A_1437 = arith.index_cast %swap3A_1436 : i32 to index
      %swap3A_1438 = arith.constant 16 : index
      %swap3A_1439 = tpu.vector_load %arg19[%swap3A_1437, %swap3A_1438] {strides = array<i32>} : memref<4x256xf32, #tpu.memory_space<vmem>>, vector<16xf32>,
      tpu.vector_store %arg19[%swap3A_1437, %swap3A_1438], %mul3A_1435 {strides = array<i32>} : memref<4x256xf32, #tpu.memory_space<vmem>>, vector<16xf32>,
      %get3A_1440 = arith.constant 32 : index
      %get3A_1441 = tpu.vector_load %arg14[%get3A_1440] {strides = array<i32>} : memref<256xf32, #tpu.memory_space<vmem>>, vector<16xf32>,
      %get3A_1442 = arith.constant 32 : index
      %get3A_1443 = tpu.vector_load %arg13[%get3A_1442] {strides = array<i32>} : memref<256xf32, #tpu.memory_space<vmem>>, vector<16xf32>,
      %mul3A_1444 = arith.mulf %get3A_1441, %get3A_1443 : vector<16xf32>
      %swap3A_1445 = arith.constant 0 : i32
      %swap3A_1446 = arith.index_cast %swap3A_1445 : i32 to index
      %swap3A_1447 = arith.constant 32 : index
      %swap3A_1448 = tpu.vector_load %arg19[%swap3A_1446, %swap3A_1447] {strides = array<i32>} : memref<4x256xf32, #tpu.memory_space<vmem>>, vector<16xf32>,
      tpu.vector_store %arg19[%swap3A_1446, %swap3A_1447], %mul3A_1444 {strides = array<i32>} : memref<4x256xf32, #tpu.memory_space<vmem>>, vector<16xf32>,
      %get3A_1449 = arith.constant 48 : index
      %get3A_1450 = tpu.vector_load %arg14[%get3A_1449] {strides = array<i32>} : memref<256xf32, #tpu.memory_space<vmem>>, vector<16xf32>,
      %get3A_1451 = arith.constant 48 : index
      %get3A_1452 = tpu.vector_load %arg13[%get3A_1451] {strides = array<i32>} : memref<256xf32, #tpu.memory_space<vmem>>, vector<16xf32>,
      %mul3A_1453 = arith.mulf %get3A_1450, %get3A_1452 : vector<16xf32>
      %swap3A_1454 = arith.constant 0 : i32
      %swap3A_1455 = arith.index_cast %swap3A_1454 : i32 to index
      %swap3A_1456 = arith.constant 48 : index
      %swap3A_1457 = tpu.vector_load %arg19[%swap3A_1455, %swap3A_1456] {strides = array<i32>} : memref<4x256xf32, #tpu.memory_space<vmem>>, vector<16xf32>,
      tpu.vector_store %arg19[%swap3A_1455, %swap3A_1456], %mul3A_1453 {strides = array<i32>} : memref<4x256xf32, #tpu.memory_space<vmem>>, vector<16xf32>,
      %get3A_1458 = arith.constant 64 : index
      %get3A_1459 = tpu.vector_load %arg14[%get3A_1458] {strides = array<i32>} : memref<256xf32, #tpu.memory_space<vmem>>, vector<16xf32>,
      %get3A_1460 = arith.constant 64 : index
      %get3A_1461 = tpu.vector_load %arg13[%get3A_1460] {strides = array<i32>} : memref<256xf32, #tpu.memory_space<vmem>>, vector<16xf32>,
      %mul3A_1462 = arith.mulf %get3A_1459, %get3A_1461 : vector<16xf32>
      %swap3A_1463 = arith.constant 0 : i32
      %swap3A_1464 = arith.index_cast %swap3A_1463 : i32 to index
      %swap3A_1465 = arith.constant 64 : index
      %swap3A_1466 = tpu.vector_load %arg19[%swap3A_1464, %swap3A_1465] {strides = array<i32>} : memref<4x256xf32, #tpu.memory_space<vmem>>, vector<16xf32>,
      tpu.vector_store %arg19[%swap3A_1464, %swap3A_1465], %mul3A_1462 {strides = array<i32>} : memref<4x256xf32, #tpu.memory_space<vmem>>, vector<16xf32>,
      %get3A_1467 = arith.constant 80 : index
      %get3A_1468 = tpu.vector_load %arg14[%get3A_1467] {strides = array<i32>} : memref<256xf32, #tpu.memory_space<vmem>>, vector<16xf32>,
      %get3A_1469 = arith.constant 80 : index
      %get3A_1470 = tpu.vector_load %arg13[%get3A_1469] {strides = array<i32>} : memref<256xf32, #tpu.memory_space<vmem>>, vector<16xf32>,
      %mul3A_1471 = arith.mulf %get3A_1468, %get3A_1470 : vector<16xf32>
      %swap3A_1472 = arith.constant 0 : i32
      %swap3A_1473 = arith.index_cast %swap3A_1472 : i32 to index
      %swap3A_1474 = arith.constant 80 : index
      %swap3A_1475 = tpu.vector_load %arg19[%swap3A_1473, %swap3A_1474] {strides = array<i32>} : memref<4x256xf32, #tpu.memory_space<vmem>>, vector<16xf32>,
      tpu.vector_store %arg19[%swap3A_1473, %swap3A_1474], %mul3A_1471 {strides = array<i32>} : memref<4x256xf32, #tpu.memory_space<vmem>>, vector<16xf32>,
      %get3A_1476 = arith.constant 96 : index
      %get3A_1477 = tpu.vector_load %arg14[%get3A_1476] {strides = array<i32>} : memref<256xf32, #tpu.memory_space<vmem>>, vector<16xf32>,
      %get3A_1478 = arith.constant 96 : index
      %get3A_1479 = tpu.vector_load %arg13[%get3A_1478] {strides = array<i32>} : memref<256xf32, #tpu.memory_space<vmem>>, vector<16xf32>,
      %mul3A_1480 = arith.mulf %get3A_1477, %get3A_1479 : vector<16xf32>
      %swap3A_1481 = arith.constant 0 : i32
      %swap3A_1482 = arith.index_cast %swap3A_1481 : i32 to index
      %swap3A_1483 = arith.constant 96 : index
      %swap3A_1484 = tpu.vector_load %arg19[%swap3A_1482, %swap3A_1483] {strides = array<i32>} : memref<4x256xf32, #tpu.memory_space<vmem>>, vector<16xf32>,
      tpu.vector_store %arg19[%swap3A_1482, %swap3A_1483], %mul3A_1480 {strides = array<i32>} : memref<4x256xf32, #tpu.memory_space<vmem>>, vector<16xf32>,
      %get3A_1485 = arith.constant 112 : index
      %get3A_1486 = tpu.vector_load %arg14[%get3A_1485] {strides = array<i32>} : memref<256xf32, #tpu.memory_space<vmem>>, vector<16xf32>,
      %get3A_1487 = arith.constant 112 : index
      %get3A_1488 = tpu.vector_load %arg13[%get3A_1487] {strides = array<i32>} : memref<256xf32, #tpu.memory_space<vmem>>, vector<16xf32>,
      %mul3A_1489 = arith.mulf %get3A_1486, %get3A_1488 : vector<16xf32>
      %swap3A_1490 = arith.constant 0 : i32
      %swap3A_1491 = arith.index_cast %swap3A_1490 : i32 to index
      %swap3A_1492 = arith.constant 112 : index
      %swap3A_1493 = tpu.vector_load %arg19[%swap3A_1491, %swap3A_1492] {strides = array<i32>} : memref<4x256xf32, #tpu.memory_space<vmem>>, vector<16xf32>,
      tpu.vector_store %arg19[%swap3A_1491, %swap3A_1492], %mul3A_1489 {strides = array<i32>} : memref<4x256xf32, #tpu.memory_space<vmem>>, vector<16xf32>,
      %get3A_1494 = arith.constant 128 : index
      %get3A_1495 = tpu.vector_load %arg14[%get3A_1494] {strides = array<i32>} : memref<256xf32, #tpu.memory_space<vmem>>, vector<16xf32>,
      %get3A_1496 = arith.constant 128 : index
      %get3A_1497 = tpu.vector_load %arg13[%get3A_1496] {strides = array<i32>} : memref<256xf32, #tpu.memory_space<vmem>>, vector<16xf32>,
      %mul3A_1498 = arith.mulf %get3A_1495, %get3A_1497 : vector<16xf32>
      %swap3A_1499 = arith.constant 0 : i32
      %swap3A_1500 = arith.index_cast %swap3A_1499 : i32 to index
      %swap3A_1501 = arith.constant 128 : index
      %swap3A_1502 = tpu.vector_load %arg19[%swap3A_1500, %swap3A_1501] {strides = array<i32>} : memref<4x256xf32, #tpu.memory_space<vmem>>, vector<16xf32>,
      tpu.vector_store %arg19[%swap3A_1500, %swap3A_1501], %mul3A_1498 {strides = array<i32>} : memref<4x256xf32, #tpu.memory_space<vmem>>, vector<16xf32>,
      %get3A_1503 = arith.constant 144 : index
      %get3A_1504 = tpu.vector_load %arg14[%get3A_1503] {strides = array<i32>} : memref<256xf32, #tpu.memory_space<vmem>>, vector<16xf32>,
      %get3A_1505 = arith.constant 144 : index
      %get3A_1506 = tpu.vector_load %arg13[%get3A_1505] {strides = array<i32>} : memref<256xf32, #tpu.memory_space<vmem>>, vector<16xf32>,
      %mul3A_1507 = arith.mulf %get3A_1504, %get3A_1506 : vector<16xf32>
      %swap3A_1508 = arith.constant 0 : i32
      %swap3A_1509 = arith.index_cast %swap3A_1508 : i32 to index
      %swap3A_1510 = arith.constant 144 : index
      %swap3A_1511 = tpu.vector_load %arg19[%swap3A_1509, %swap3A_1510] {strides = array<i32>} : memref<4x256xf32, #tpu.memory_space<vmem>>, vector<16xf32>,
      tpu.vector_store %arg19[%swap3A_1509, %swap3A_1510], %mul3A_1507 {strides = array<i32>} : memref<4x256xf32, #tpu.memory_space<vmem>>, vector<16xf32>,
      %get3A_1512 = arith.constant 160 : index
      %get3A_1513 = tpu.vector_load %arg14[%get3A_1512] {strides = array<i32>} : memref<256xf32, #tpu.memory_space<vmem>>, vector<16xf32>,
      %get3A_1514 = arith.constant 160 : index
      %get3A_1515 = tpu.vector_load %arg13[%get3A_1514] {strides = array<i32>} : memref<256xf32, #tpu.memory_space<vmem>>, vector<16xf32>,
      %mul3A_1516 = arith.mulf %get3A_1513, %get3A_1515 : vector<16xf32>
      %swap3A_1517 = arith.constant 0 : i32
      %swap3A_1518 = arith.index_cast %swap3A_1517 : i32 to index
      %swap3A_1519 = arith.constant 160 : index
      %swap3A_1520 = tpu.vector_load %arg19[%swap3A_1518, %swap3A_1519] {strides = array<i32>} : memref<4x256xf32, #tpu.memory_space<vmem>>, vector<16xf32>,
      tpu.vector_store %arg19[%swap3A_1518, %swap3A_1519], %mul3A_1516 {strides = array<i32>} : memref<4x256xf32, #tpu.memory_space<vmem>>, vector<16xf32>,
      %get3A_1521 = arith.constant 176 : index
      %get3A_1522 = tpu.vector_load %arg14[%get3A_1521] {strides = array<i32>} : memref<256xf32, #tpu.memory_space<vmem>>, vector<16xf32>,
      %get3A_1523 = arith.constant 176 : index
      %get3A_1524 = tpu.vector_load %arg13[%get3A_1523] {strides = array<i32>} : memref<256xf32, #tpu.memory_space<vmem>>, vector<16xf32>,
      %mul3A_1525 = arith.mulf %get3A_1522, %get3A_1524 : vector<16xf32>
      %swap3A_1526 = arith.constant 0 : i32
      %swap3A_1527 = arith.index_cast %swap3A_1526 : i32 to index
      %swap3A_1528 = arith.constant 176 : index
      %swap3A_1529 = tpu.vector_load %arg19[%swap3A_1527, %swap3A_1528] {strides = array<i32>} : memref<4x256xf32, #tpu.memory_space<vmem>>, vector<16xf32>,
      tpu.vector_store %arg19[%swap3A_1527, %swap3A_1528], %mul3A_1525 {strides = array<i32>} : memref<4x256xf32, #tpu.memory_space<vmem>>, vector<16xf32>,
      %get3A_1530 = arith.constant 192 : index
      %get3A_1531 = tpu.vector_load %arg14[%get3A_1530] {strides = array<i32>} : memref<256xf32, #tpu.memory_space<vmem>>, vector<16xf32>,
      %get3A_1532 = arith.constant 192 : index
      %get3A_1533 = tpu.vector_load %arg13[%get3A_1532] {strides = array<i32>} : memref<256xf32, #tpu.memory_space<vmem>>, vector<16xf32>,
      %mul3A_1534 = arith.mulf %get3A_1531, %get3A_1533 : vector<16xf32>
      %swap3A_1535 = arith.constant 0 : i32
      %swap3A_1536 = arith.index_cast %swap3A_1535 : i32 to index
      %swap3A_1537 = arith.constant 192 : index
      %swap3A_1538 = tpu.vector_load %arg19[%swap3A_1536, %swap3A_1537] {strides = array<i32>} : memref<4x256xf32, #tpu.memory_space<vmem>>, vector<16xf32>,
      tpu.vector_store %arg19[%swap3A_1536, %swap3A_1537], %mul3A_1534 {strides = array<i32>} : memref<4x256xf32, #tpu.memory_space<vmem>>, vector<16xf32>,
      %get3A_1539 = arith.constant 208 : index
      %get3A_1540 = tpu.vector_load %arg14[%get3A_1539] {strides = array<i32>} : memref<256xf32, #tpu.memory_space<vmem>>, vector<16xf32>,
      %get3A_1541 = arith.constant 208 : index
      %get3A_1542 = tpu.vector_load %arg13[%get3A_1541] {strides = array<i32>} : memref<256xf32, #tpu.memory_space<vmem>>, vector<16xf32>,
      %mul3A_1543 = arith.mulf %get3A_1540, %get3A_1542 : vector<16xf32>
      %swap3A_1544 = arith.constant 0 : i32
      %swap3A_1545 = arith.index_cast %swap3A_1544 : i32 to index
      %swap3A_1546 = arith.constant 208 : index
      %swap3A_1547 = tpu.vector_load %arg19[%swap3A_1545, %swap3A_1546] {strides = array<i32>} : memref<4x256xf32, #tpu.memory_space<vmem>>, vector<16xf32>,
      tpu.vector_store %arg19[%swap3A_1545, %swap3A_1546], %mul3A_1543 {strides = array<i32>} : memref<4x256xf32, #tpu.memory_space<vmem>>, vector<16xf32>,
      %get3A_1548 = arith.constant 224 : index
      %get3A_1549 = tpu.vector_load %arg14[%get3A_1548] {strides = array<i32>} : memref<256xf32, #tpu.memory_space<vmem>>, vector<16xf32>,
      %get3A_1550 = arith.constant 224 : index
      %get3A_1551 = tpu.vector_load %arg13[%get3A_1550] {strides = array<i32>} : memref<256xf32, #tpu.memory_space<vmem>>, vector<16xf32>,
      %mul3A_1552 = arith.mulf %get3A_1549, %get3A_1551 : vector<16xf32>
      %swap3A_1553 = arith.constant 0 : i32
      %swap3A_1554 = arith.index_cast %swap3A_1553 : i32 to index
      %swap3A_1555 = arith.constant 224 : index
      %swap3A_1556 = tpu.vector_load %arg19[%swap3A_1554, %swap3A_1555] {strides = array<i32>} : memref<4x256xf32, #tpu.memory_space<vmem>>, vector<16xf32>,
      tpu.vector_store %arg19[%swap3A_1554, %swap3A_1555], %mul3A_1552 {strides = array<i32>} : memref<4x256xf32, #tpu.memory_space<vmem>>, vector<16xf32>,
      %get3A_1557 = arith.constant 240 : index
      %get3A_1558 = tpu.vector_load %arg14[%get3A_1557] {strides = array<i32>} : memref<256xf32, #tpu.memory_space<vmem>>, vector<16xf32>,
      %get3A_1559 = arith.constant 240 : index
      %get3A_1560 = tpu.vector_load %arg13[%get3A_1559] {strides = array<i32>} : memref<256xf32, #tpu.memory_space<vmem>>, vector<16xf32>,
      %mul3A_1561 = arith.mulf %get3A_1558, %get3A_1560 : vector<16xf32>
      %swap3A_1562 = arith.constant 0 : i32
      %swap3A_1563 = arith.index_cast %swap3A_1562 : i32 to index
      %swap3A_1564 = arith.constant 240 : index
      %swap3A_1565 = tpu.vector_load %arg19[%swap3A_1563, %swap3A_1564] {strides = array<i32>} : memref<4x256xf32, #tpu.memory_space<vmem>>, vector<16xf32>,
      tpu.vector_store %arg19[%swap3A_1563, %swap3A_1564], %mul3A_1561 {strides = array<i32>} : memref<4x256xf32, #tpu.memory_space<vmem>>, vector<16xf32>,
      %get3A_1566 = arith.constant 0 : index
      %get3A_1567 = tpu.vector_load %arg15[%get3A_1566] {strides = array<i32>} : memref<256xf32, #tpu.memory_space<vmem>>, vector<16xf32>,
      %get3A_1568 = arith.constant 0 : index
      %get3A_1569 = tpu.vector_load %arg13[%get3A_1568] {strides = array<i32>} : memref<256xf32, #tpu.memory_space<vmem>>, vector<16xf32>,
      %mul3A_1570 = arith.mulf %get3A_1567, %get3A_1569 : vector<16xf32>
      %swap3A_1571 = arith.constant 1 : i32
      %swap3A_1572 = arith.index_cast %swap3A_1571 : i32 to index
      %swap3A_1573 = arith.constant 0 : index
      %swap3A_1574 = tpu.vector_load %arg19[%swap3A_1572, %swap3A_1573] {strides = array<i32>} : memref<4x256xf32, #tpu.memory_space<vmem>>, vector<16xf32>,
      tpu.vector_store %arg19[%swap3A_1572, %swap3A_1573], %mul3A_1570 {strides = array<i32>} : memref<4x256xf32, #tpu.memory_space<vmem>>, vector<16xf32>,
      %get3A_1575 = arith.constant 16 : index
      %get3A_1576 = tpu.vector_load %arg15[%get3A_1575] {strides = array<i32>} : memref<256xf32, #tpu.memory_space<vmem>>, vector<16xf32>,
      %get3A_1577 = arith.constant 16 : index
      %get3A_1578 = tpu.vector_load %arg13[%get3A_1577] {strides = array<i32>} : memref<256xf32, #tpu.memory_space<vmem>>, vector<16xf32>,
      %mul3A_1579 = arith.mulf %get3A_1576, %get3A_1578 : vector<16xf32>
      %swap3A_1580 = arith.constant 1 : i32
      %swap3A_1581 = arith.index_cast %swap3A_1580 : i32 to index
      %swap3A_1582 = arith.constant 16 : index
      %swap3A_1583 = tpu.vector_load %arg19[%swap3A_1581, %swap3A_1582] {strides = array<i32>} : memref<4x256xf32, #tpu.memory_space<vmem>>, vector<16xf32>,
      tpu.vector_store %arg19[%swap3A_1581, %swap3A_1582], %mul3A_1579 {strides = array<i32>} : memref<4x256xf32, #tpu.memory_space<vmem>>, vector<16xf32>,
      %get3A_1584 = arith.constant 32 : index
      %get3A_1585 = tpu.vector_load %arg15[%get3A_1584] {strides = array<i32>} : memref<256xf32, #tpu.memory_space<vmem>>, vector<16xf32>,
      %get3A_1586 = arith.constant 32 : index
      %get3A_1587 = tpu.vector_load %arg13[%get3A_1586] {strides = array<i32>} : memref<256xf32, #tpu.memory_space<vmem>>, vector<16xf32>,
      %mul3A_1588 = arith.mulf %get3A_1585, %get3A_1587 : vector<16xf32>
      %swap3A_1589 = arith.constant 1 : i32
      %swap3A_1590 = arith.index_cast %swap3A_1589 : i32 to index
      %swap3A_1591 = arith.constant 32 : index
      %swap3A_1592 = tpu.vector_load %arg19[%swap3A_1590, %swap3A_1591] {strides = array<i32>} : memref<4x256xf32, #tpu.memory_space<vmem>>, vector<16xf32>,
      tpu.vector_store %arg19[%swap3A_1590, %swap3A_1591], %mul3A_1588 {strides = array<i32>} : memref<4x256xf32, #tpu.memory_space<vmem>>, vector<16xf32>,
      %get3A_1593 = arith.constant 48 : index
      %get3A_1594 = tpu.vector_load %arg15[%get3A_1593] {strides = array<i32>} : memref<256xf32, #tpu.memory_space<vmem>>, vector<16xf32>,
      %get3A_1595 = arith.constant 48 : index
      %get3A_1596 = tpu.vector_load %arg13[%get3A_1595] {strides = array<i32>} : memref<256xf32, #tpu.memory_space<vmem>>, vector<16xf32>,
      %mul3A_1597 = arith.mulf %get3A_1594, %get3A_1596 : vector<16xf32>
      %swap3A_1598 = arith.constant 1 : i32
      %swap3A_1599 = arith.index_cast %swap3A_1598 : i32 to index
      %swap3A_1600 = arith.constant 48 : index
      %swap3A_1601 = tpu.vector_load %arg19[%swap3A_1599, %swap3A_1600] {strides = array<i32>} : memref<4x256xf32, #tpu.memory_space<vmem>>, vector<16xf32>,
      tpu.vector_store %arg19[%swap3A_1599, %swap3A_1600], %mul3A_1597 {strides = array<i32>} : memref<4x256xf32, #tpu.memory_space<vmem>>, vector<16xf32>,
      %get3A_1602 = arith.constant 64 : index
      %get3A_1603 = tpu.vector_load %arg15[%get3A_1602] {strides = array<i32>} : memref<256xf32, #tpu.memory_space<vmem>>, vector<16xf32>,
      %get3A_1604 = arith.constant 64 : index
      %get3A_1605 = tpu.vector_load %arg13[%get3A_1604] {strides = array<i32>} : memref<256xf32, #tpu.memory_space<vmem>>, vector<16xf32>,
      %mul3A_1606 = arith.mulf %get3A_1603, %get3A_1605 : vector<16xf32>
      %swap3A_1607 = arith.constant 1 : i32
      %swap3A_1608 = arith.index_cast %swap3A_1607 : i32 to index
      %swap3A_1609 = arith.constant 64 : index
      %swap3A_1610 = tpu.vector_load %arg19[%swap3A_1608, %swap3A_1609] {strides = array<i32>} : memref<4x256xf32, #tpu.memory_space<vmem>>, vector<16xf32>,
      tpu.vector_store %arg19[%swap3A_1608, %swap3A_1609], %mul3A_1606 {strides = array<i32>} : memref<4x256xf32, #tpu.memory_space<vmem>>, vector<16xf32>,
      %get3A_1611 = arith.constant 80 : index
      %get3A_1612 = tpu.vector_load %arg15[%get3A_1611] {strides = array<i32>} : memref<256xf32, #tpu.memory_space<vmem>>, vector<16xf32>,
      %get3A_1613 = arith.constant 80 : index
      %get3A_1614 = tpu.vector_load %arg13[%get3A_1613] {strides = array<i32>} : memref<256xf32, #tpu.memory_space<vmem>>, vector<16xf32>,
      %mul3A_1615 = arith.mulf %get3A_1612, %get3A_1614 : vector<16xf32>
      %swap3A_1616 = arith.constant 1 : i32
      %swap3A_1617 = arith.index_cast %swap3A_1616 : i32 to index
      %swap3A_1618 = arith.constant 80 : index
      %swap3A_1619 = tpu.vector_load %arg19[%swap3A_1617, %swap3A_1618] {strides = array<i32>} : memref<4x256xf32, #tpu.memory_space<vmem>>, vector<16xf32>,
      tpu.vector_store %arg19[%swap3A_1617, %swap3A_1618], %mul3A_1615 {strides = array<i32>} : memref<4x256xf32, #tpu.memory_space<vmem>>, vector<16xf32>,
      %get3A_1620 = arith.constant 96 : index
      %get3A_1621 = tpu.vector_load %arg15[%get3A_1620] {strides = array<i32>} : memref<256xf32, #tpu.memory_space<vmem>>, vector<16xf32>,
      %get3A_1622 = arith.constant 96 : index
      %get3A_1623 = tpu.vector_load %arg13[%get3A_1622] {strides = array<i32>} : memref<256xf32, #tpu.memory_space<vmem>>, vector<16xf32>,
      %mul3A_1624 = arith.mulf %get3A_1621, %get3A_1623 : vector<16xf32>
      %swap3A_1625 = arith.constant 1 : i32
      %swap3A_1626 = arith.index_cast %swap3A_1625 : i32 to index
      %swap3A_1627 = arith.constant 96 : index
      %swap3A_1628 = tpu.vector_load %arg19[%swap3A_1626, %swap3A_1627] {strides = array<i32>} : memref<4x256xf32, #tpu.memory_space<vmem>>, vector<16xf32>,
      tpu.vector_store %arg19[%swap3A_1626, %swap3A_1627], %mul3A_1624 {strides = array<i32>} : memref<4x256xf32, #tpu.memory_space<vmem>>, vector<16xf32>,
      %get3A_1629 = arith.constant 112 : index
      %get3A_1630 = tpu.vector_load %arg15[%get3A_1629] {strides = array<i32>} : memref<256xf32, #tpu.memory_space<vmem>>, vector<16xf32>,
      %get3A_1631 = arith.constant 112 : index
      %get3A_1632 = tpu.vector_load %arg13[%get3A_1631] {strides = array<i32>} : memref<256xf32, #tpu.memory_space<vmem>>, vector<16xf32>,
      %mul3A_1633 = arith.mulf %get3A_1630, %get3A_1632 : vector<16xf32>
      %swap3A_1634 = arith.constant 1 : i32
      %swap3A_1635 = arith.index_cast %swap3A_1634 : i32 to index
      %swap3A_1636 = arith.constant 112 : index
      %swap3A_1637 = tpu.vector_load %arg19[%swap3A_1635, %swap3A_1636] {strides = array<i32>} : memref<4x256xf32, #tpu.memory_space<vmem>>, vector<16xf32>,
      tpu.vector_store %arg19[%swap3A_1635, %swap3A_1636], %mul3A_1633 {strides = array<i32>} : memref<4x256xf32, #tpu.memory_space<vmem>>, vector<16xf32>,
      %get3A_1638 = arith.constant 128 : index
      %get3A_1639 = tpu.vector_load %arg15[%get3A_1638] {strides = array<i32>} : memref<256xf32, #tpu.memory_space<vmem>>, vector<16xf32>,
      %get3A_1640 = arith.constant 128 : index
      %get3A_1641 = tpu.vector_load %arg13[%get3A_1640] {strides = array<i32>} : memref<256xf32, #tpu.memory_space<vmem>>, vector<16xf32>,
      %mul3A_1642 = arith.mulf %get3A_1639, %get3A_1641 : vector<16xf32>
      %swap3A_1643 = arith.constant 1 : i32
      %swap3A_1644 = arith.index_cast %swap3A_1643 : i32 to index
      %swap3A_1645 = arith.constant 128 : index
      %swap3A_1646 = tpu.vector_load %arg19[%swap3A_1644, %swap3A_1645] {strides = array<i32>} : memref<4x256xf32, #tpu.memory_space<vmem>>, vector<16xf32>,
      tpu.vector_store %arg19[%swap3A_1644, %swap3A_1645], %mul3A_1642 {strides = array<i32>} : memref<4x256xf32, #tpu.memory_space<vmem>>, vector<16xf32>,
      %get3A_1647 = arith.constant 144 : index
      %get3A_1648 = tpu.vector_load %arg15[%get3A_1647] {strides = array<i32>} : memref<256xf32, #tpu.memory_space<vmem>>, vector<16xf32>,
      %get3A_1649 = arith.constant 144 : index
      %get3A_1650 = tpu.vector_load %arg13[%get3A_1649] {strides = array<i32>} : memref<256xf32, #tpu.memory_space<vmem>>, vector<16xf32>,
      %mul3A_1651 = arith.mulf %get3A_1648, %get3A_1650 : vector<16xf32>
      %swap3A_1652 = arith.constant 1 : i32
      %swap3A_1653 = arith.index_cast %swap3A_1652 : i32 to index
      %swap3A_1654 = arith.constant 144 : index
      %swap3A_1655 = tpu.vector_load %arg19[%swap3A_1653, %swap3A_1654] {strides = array<i32>} : memref<4x256xf32, #tpu.memory_space<vmem>>, vector<16xf32>,
      tpu.vector_store %arg19[%swap3A_1653, %swap3A_1654], %mul3A_1651 {strides = array<i32>} : memref<4x256xf32, #tpu.memory_space<vmem>>, vector<16xf32>,
      %get3A_1656 = arith.constant 160 : index
      %get3A_1657 = tpu.vector_load %arg15[%get3A_1656] {strides = array<i32>} : memref<256xf32, #tpu.memory_space<vmem>>, vector<16xf32>,
      %get3A_1658 = arith.constant 160 : index
      %get3A_1659 = tpu.vector_load %arg13[%get3A_1658] {strides = array<i32>} : memref<256xf32, #tpu.memory_space<vmem>>, vector<16xf32>,
      %mul3A_1660 = arith.mulf %get3A_1657, %get3A_1659 : vector<16xf32>
      %swap3A_1661 = arith.constant 1 : i32
      %swap3A_1662 = arith.index_cast %swap3A_1661 : i32 to index
      %swap3A_1663 = arith.constant 160 : index
      %swap3A_1664 = tpu.vector_load %arg19[%swap3A_1662, %swap3A_1663] {strides = array<i32>} : memref<4x256xf32, #tpu.memory_space<vmem>>, vector<16xf32>,
      tpu.vector_store %arg19[%swap3A_1662, %swap3A_1663], %mul3A_1660 {strides = array<i32>} : memref<4x256xf32, #tpu.memory_space<vmem>>, vector<16xf32>,
      %get3A_1665 = arith.constant 176 : index
      %get3A_1666 = tpu.vector_load %arg15[%get3A_1665] {strides = array<i32>} : memref<256xf32, #tpu.memory_space<vmem>>, vector<16xf32>,
      %get3A_1667 = arith.constant 176 : index
      %get3A_1668 = tpu.vector_load %arg13[%get3A_1667] {strides = array<i32>} : memref<256xf32, #tpu.memory_space<vmem>>, vector<16xf32>,
      %mul3A_1669 = arith.mulf %get3A_1666, %get3A_1668 : vector<16xf32>
      %swap3A_1670 = arith.constant 1 : i32
      %swap3A_1671 = arith.index_cast %swap3A_1670 : i32 to index
      %swap3A_1672 = arith.constant 176 : index
      %swap3A_1673 = tpu.vector_load %arg19[%swap3A_1671, %swap3A_1672] {strides = array<i32>} : memref<4x256xf32, #tpu.memory_space<vmem>>, vector<16xf32>,
      tpu.vector_store %arg19[%swap3A_1671, %swap3A_1672], %mul3A_1669 {strides = array<i32>} : memref<4x256xf32, #tpu.memory_space<vmem>>, vector<16xf32>,
      %get3A_1674 = arith.constant 192 : index
      %get3A_1675 = tpu.vector_load %arg15[%get3A_1674] {strides = array<i32>} : memref<256xf32, #tpu.memory_space<vmem>>, vector<16xf32>,
      %get3A_1676 = arith.constant 192 : index
      %get3A_1677 = tpu.vector_load %arg13[%get3A_1676] {strides = array<i32>} : memref<256xf32, #tpu.memory_space<vmem>>, vector<16xf32>,
      %mul3A_1678 = arith.mulf %get3A_1675, %get3A_1677 : vector<16xf32>
      %swap3A_1679 = arith.constant 1 : i32
      %swap3A_1680 = arith.index_cast %swap3A_1679 : i32 to index
      %swap3A_1681 = arith.constant 192 : index
      %swap3A_1682 = tpu.vector_load %arg19[%swap3A_1680, %swap3A_1681] {strides = array<i32>} : memref<4x256xf32, #tpu.memory_space<vmem>>, vector<16xf32>,
      tpu.vector_store %arg19[%swap3A_1680, %swap3A_1681], %mul3A_1678 {strides = array<i32>} : memref<4x256xf32, #tpu.memory_space<vmem>>, vector<16xf32>,
      %get3A_1683 = arith.constant 208 : index
      %get3A_1684 = tpu.vector_load %arg15[%get3A_1683] {strides = array<i32>} : memref<256xf32, #tpu.memory_space<vmem>>, vector<16xf32>,
      %get3A_1685 = arith.constant 208 : index
      %get3A_1686 = tpu.vector_load %arg13[%get3A_1685] {strides = array<i32>} : memref<256xf32, #tpu.memory_space<vmem>>, vector<16xf32>,
      %mul3A_1687 = arith.mulf %get3A_1684, %get3A_1686 : vector<16xf32>
      %swap3A_1688 = arith.constant 1 : i32
      %swap3A_1689 = arith.index_cast %swap3A_1688 : i32 to index
      %swap3A_1690 = arith.constant 208 : index
      %swap3A_1691 = tpu.vector_load %arg19[%swap3A_1689, %swap3A_1690] {strides = array<i32>} : memref<4x256xf32, #tpu.memory_space<vmem>>, vector<16xf32>,
      tpu.vector_store %arg19[%swap3A_1689, %swap3A_1690], %mul3A_1687 {strides = array<i32>} : memref<4x256xf32, #tpu.memory_space<vmem>>, vector<16xf32>,
      %get3A_1692 = arith.constant 224 : index
      %get3A_1693 = tpu.vector_load %arg15[%get3A_1692] {strides = array<i32>} : memref<256xf32, #tpu.memory_space<vmem>>, vector<16xf32>,
      %get3A_1694 = arith.constant 224 : index
      %get3A_1695 = tpu.vector_load %arg13[%get3A_1694] {strides = array<i32>} : memref<256xf32, #tpu.memory_space<vmem>>, vector<16xf32>,
      %mul3A_1696 = arith.mulf %get3A_1693, %get3A_1695 : vector<16xf32>
      %swap3A_1697 = arith.constant 1 : i32
      %swap3A_1698 = arith.index_cast %swap3A_1697 : i32 to index
      %swap3A_1699 = arith.constant 224 : index
      %swap3A_1700 = tpu.vector_load %arg19[%swap3A_1698, %swap3A_1699] {strides = array<i32>} : memref<4x256xf32, #tpu.memory_space<vmem>>, vector<16xf32>,
      tpu.vector_store %arg19[%swap3A_1698, %swap3A_1699], %mul3A_1696 {strides = array<i32>} : memref<4x256xf32, #tpu.memory_space<vmem>>, vector<16xf32>,
      %get3A_1701 = arith.constant 240 : index
      %get3A_1702 = tpu.vector_load %arg15[%get3A_1701] {strides = array<i32>} : memref<256xf32, #tpu.memory_space<vmem>>, vector<16xf32>,
      %get3A_1703 = arith.constant 240 : index
      %get3A_1704 = tpu.vector_load %arg13[%get3A_1703] {strides = array<i32>} : memref<256xf32, #tpu.memory_space<vmem>>, vector<16xf32>,
      %mul3A_1705 = arith.mulf %get3A_1702, %get3A_1704 : vector<16xf32>
      %swap3A_1706 = arith.constant 1 : i32
      %swap3A_1707 = arith.index_cast %swap3A_1706 : i32 to index
      %swap3A_1708 = arith.constant 240 : index
      %swap3A_1709 = tpu.vector_load %arg19[%swap3A_1707, %swap3A_1708] {strides = array<i32>} : memref<4x256xf32, #tpu.memory_space<vmem>>, vector<16xf32>,
      tpu.vector_store %arg19[%swap3A_1707, %swap3A_1708], %mul3A_1705 {strides = array<i32>} : memref<4x256xf32, #tpu.memory_space<vmem>>, vector<16xf32>,
      %get3A_1710 = arith.constant 0 : index
      %get3A_1711 = tpu.vector_load %arg16[%get3A_1710] {strides = array<i32>} : memref<256xf32, #tpu.memory_space<vmem>>, vector<16xf32>,
      %get3A_1712 = arith.constant 0 : index
      %get3A_1713 = tpu.vector_load %arg13[%get3A_1712] {strides = array<i32>} : memref<256xf32, #tpu.memory_space<vmem>>, vector<16xf32>,
      %mul3A_1714 = arith.mulf %get3A_1711, %get3A_1713 : vector<16xf32>
      %swap3A_1715 = arith.constant 2 : i32
      %swap3A_1716 = arith.index_cast %swap3A_1715 : i32 to index
      %swap3A_1717 = arith.constant 0 : index
      %swap3A_1718 = tpu.vector_load %arg19[%swap3A_1716, %swap3A_1717] {strides = array<i32>} : memref<4x256xf32, #tpu.memory_space<vmem>>, vector<16xf32>,
      tpu.vector_store %arg19[%swap3A_1716, %swap3A_1717], %mul3A_1714 {strides = array<i32>} : memref<4x256xf32, #tpu.memory_space<vmem>>, vector<16xf32>,
      %get3A_1719 = arith.constant 16 : index
      %get3A_1720 = tpu.vector_load %arg16[%get3A_1719] {strides = array<i32>} : memref<256xf32, #tpu.memory_space<vmem>>, vector<16xf32>,
      %get3A_1721 = arith.constant 16 : index
      %get3A_1722 = tpu.vector_load %arg13[%get3A_1721] {strides = array<i32>} : memref<256xf32, #tpu.memory_space<vmem>>, vector<16xf32>,
      %mul3A_1723 = arith.mulf %get3A_1720, %get3A_1722 : vector<16xf32>
      %swap3A_1724 = arith.constant 2 : i32
      %swap3A_1725 = arith.index_cast %swap3A_1724 : i32 to index
      %swap3A_1726 = arith.constant 16 : index
      %swap3A_1727 = tpu.vector_load %arg19[%swap3A_1725, %swap3A_1726] {strides = array<i32>} : memref<4x256xf32, #tpu.memory_space<vmem>>, vector<16xf32>,
      tpu.vector_store %arg19[%swap3A_1725, %swap3A_1726], %mul3A_1723 {strides = array<i32>} : memref<4x256xf32, #tpu.memory_space<vmem>>, vector<16xf32>,
      %get3A_1728 = arith.constant 32 : index
      %get3A_1729 = tpu.vector_load %arg16[%get3A_1728] {strides = array<i32>} : memref<256xf32, #tpu.memory_space<vmem>>, vector<16xf32>,
      %get3A_1730 = arith.constant 32 : index
      %get3A_1731 = tpu.vector_load %arg13[%get3A_1730] {strides = array<i32>} : memref<256xf32, #tpu.memory_space<vmem>>, vector<16xf32>,
      %mul3A_1732 = arith.mulf %get3A_1729, %get3A_1731 : vector<16xf32>
      %swap3A_1733 = arith.constant 2 : i32
      %swap3A_1734 = arith.index_cast %swap3A_1733 : i32 to index
      %swap3A_1735 = arith.constant 32 : index
      %swap3A_1736 = tpu.vector_load %arg19[%swap3A_1734, %swap3A_1735] {strides = array<i32>} : memref<4x256xf32, #tpu.memory_space<vmem>>, vector<16xf32>,
      tpu.vector_store %arg19[%swap3A_1734, %swap3A_1735], %mul3A_1732 {strides = array<i32>} : memref<4x256xf32, #tpu.memory_space<vmem>>, vector<16xf32>,
      %get3A_1737 = arith.constant 48 : index
      %get3A_1738 = tpu.vector_load %arg16[%get3A_1737] {strides = array<i32>} : memref<256xf32, #tpu.memory_space<vmem>>, vector<16xf32>,
      %get3A_1739 = arith.constant 48 : index
      %get3A_1740 = tpu.vector_load %arg13[%get3A_1739] {strides = array<i32>} : memref<256xf32, #tpu.memory_space<vmem>>, vector<16xf32>,
      %mul3A_1741 = arith.mulf %get3A_1738, %get3A_1740 : vector<16xf32>
      %swap3A_1742 = arith.constant 2 : i32
      %swap3A_1743 = arith.index_cast %swap3A_1742 : i32 to index
      %swap3A_1744 = arith.constant 48 : index
      %swap3A_1745 = tpu.vector_load %arg19[%swap3A_1743, %swap3A_1744] {strides = array<i32>} : memref<4x256xf32, #tpu.memory_space<vmem>>, vector<16xf32>,
      tpu.vector_store %arg19[%swap3A_1743, %swap3A_1744], %mul3A_1741 {strides = array<i32>} : memref<4x256xf32, #tpu.memory_space<vmem>>, vector<16xf32>,
      %get3A_1746 = arith.constant 64 : index
      %get3A_1747 = tpu.vector_load %arg16[%get3A_1746] {strides = array<i32>} : memref<256xf32, #tpu.memory_space<vmem>>, vector<16xf32>,
      %get3A_1748 = arith.constant 64 : index
      %get3A_1749 = tpu.vector_load %arg13[%get3A_1748] {strides = array<i32>} : memref<256xf32, #tpu.memory_space<vmem>>, vector<16xf32>,
      %mul3A_1750 = arith.mulf %get3A_1747, %get3A_1749 : vector<16xf32>
      %swap3A_1751 = arith.constant 2 : i32
      %swap3A_1752 = arith.index_cast %swap3A_1751 : i32 to index
      %swap3A_1753 = arith.constant 64 : index
      %swap3A_1754 = tpu.vector_load %arg19[%swap3A_1752, %swap3A_1753] {strides = array<i32>} : memref<4x256xf32, #tpu.memory_space<vmem>>, vector<16xf32>,
      tpu.vector_store %arg19[%swap3A_1752, %swap3A_1753], %mul3A_1750 {strides = array<i32>} : memref<4x256xf32, #tpu.memory_space<vmem>>, vector<16xf32>,
      %get3A_1755 = arith.constant 80 : index
      %get3A_1756 = tpu.vector_load %arg16[%get3A_1755] {strides = array<i32>} : memref<256xf32, #tpu.memory_space<vmem>>, vector<16xf32>,
      %get3A_1757 = arith.constant 80 : index
      %get3A_1758 = tpu.vector_load %arg13[%get3A_1757] {strides = array<i32>} : memref<256xf32, #tpu.memory_space<vmem>>, vector<16xf32>,
      %mul3A_1759 = arith.mulf %get3A_1756, %get3A_1758 : vector<16xf32>
      %swap3A_1760 = arith.constant 2 : i32
      %swap3A_1761 = arith.index_cast %swap3A_1760 : i32 to index
      %swap3A_1762 = arith.constant 80 : index
      %swap3A_1763 = tpu.vector_load %arg19[%swap3A_1761, %swap3A_1762] {strides = array<i32>} : memref<4x256xf32, #tpu.memory_space<vmem>>, vector<16xf32>,
      tpu.vector_store %arg19[%swap3A_1761, %swap3A_1762], %mul3A_1759 {strides = array<i32>} : memref<4x256xf32, #tpu.memory_space<vmem>>, vector<16xf32>,
      %get3A_1764 = arith.constant 96 : index
      %get3A_1765 = tpu.vector_load %arg16[%get3A_1764] {strides = array<i32>} : memref<256xf32, #tpu.memory_space<vmem>>, vector<16xf32>,
      %get3A_1766 = arith.constant 96 : index
      %get3A_1767 = tpu.vector_load %arg13[%get3A_1766] {strides = array<i32>} : memref<256xf32, #tpu.memory_space<vmem>>, vector<16xf32>,
      %mul3A_1768 = arith.mulf %get3A_1765, %get3A_1767 : vector<16xf32>
      %swap3A_1769 = arith.constant 2 : i32
      %swap3A_1770 = arith.index_cast %swap3A_1769 : i32 to index
      %swap3A_1771 = arith.constant 96 : index
      %swap3A_1772 = tpu.vector_load %arg19[%swap3A_1770, %swap3A_1771] {strides = array<i32>} : memref<4x256xf32, #tpu.memory_space<vmem>>, vector<16xf32>,
      tpu.vector_store %arg19[%swap3A_1770, %swap3A_1771], %mul3A_1768 {strides = array<i32>} : memref<4x256xf32, #tpu.memory_space<vmem>>, vector<16xf32>,
      %get3A_1773 = arith.constant 112 : index
      %get3A_1774 = tpu.vector_load %arg16[%get3A_1773] {strides = array<i32>} : memref<256xf32, #tpu.memory_space<vmem>>, vector<16xf32>,
      %get3A_1775 = arith.constant 112 : index
      %get3A_1776 = tpu.vector_load %arg13[%get3A_1775] {strides = array<i32>} : memref<256xf32, #tpu.memory_space<vmem>>, vector<16xf32>,
      %mul3A_1777 = arith.mulf %get3A_1774, %get3A_1776 : vector<16xf32>
      %swap3A_1778 = arith.constant 2 : i32
      %swap3A_1779 = arith.index_cast %swap3A_1778 : i32 to index
      %swap3A_1780 = arith.constant 112 : index
      %swap3A_1781 = tpu.vector_load %arg19[%swap3A_1779, %swap3A_1780] {strides = array<i32>} : memref<4x256xf32, #tpu.memory_space<vmem>>, vector<16xf32>,
      tpu.vector_store %arg19[%swap3A_1779, %swap3A_1780], %mul3A_1777 {strides = array<i32>} : memref<4x256xf32, #tpu.memory_space<vmem>>, vector<16xf32>,
      %get3A_1782 = arith.constant 128 : index
      %get3A_1783 = tpu.vector_load %arg16[%get3A_1782] {strides = array<i32>} : memref<256xf32, #tpu.memory_space<vmem>>, vector<16xf32>,
      %get3A_1784 = arith.constant 128 : index
      %get3A_1785 = tpu.vector_load %arg13[%get3A_1784] {strides = array<i32>} : memref<256xf32, #tpu.memory_space<vmem>>, vector<16xf32>,
      %mul3A_1786 = arith.mulf %get3A_1783, %get3A_1785 : vector<16xf32>
      %swap3A_1787 = arith.constant 2 : i32
      %swap3A_1788 = arith.index_cast %swap3A_1787 : i32 to index
      %swap3A_1789 = arith.constant 128 : index
      %swap3A_1790 = tpu.vector_load %arg19[%swap3A_1788, %swap3A_1789] {strides = array<i32>} : memref<4x256xf32, #tpu.memory_space<vmem>>, vector<16xf32>,
      tpu.vector_store %arg19[%swap3A_1788, %swap3A_1789], %mul3A_1786 {strides = array<i32>} : memref<4x256xf32, #tpu.memory_space<vmem>>, vector<16xf32>,
      %get3A_1791 = arith.constant 144 : index
      %get3A_1792 = tpu.vector_load %arg16[%get3A_1791] {strides = array<i32>} : memref<256xf32, #tpu.memory_space<vmem>>, vector<16xf32>,
      %get3A_1793 = arith.constant 144 : index
      %get3A_1794 = tpu.vector_load %arg13[%get3A_1793] {strides = array<i32>} : memref<256xf32, #tpu.memory_space<vmem>>, vector<16xf32>,
      %mul3A_1795 = arith.mulf %get3A_1792, %get3A_1794 : vector<16xf32>
      %swap3A_1796 = arith.constant 2 : i32
      %swap3A_1797 = arith.index_cast %swap3A_1796 : i32 to index
      %swap3A_1798 = arith.constant 144 : index
      %swap3A_1799 = tpu.vector_load %arg19[%swap3A_1797, %swap3A_1798] {strides = array<i32>} : memref<4x256xf32, #tpu.memory_space<vmem>>, vector<16xf32>,
      tpu.vector_store %arg19[%swap3A_1797, %swap3A_1798], %mul3A_1795 {strides = array<i32>} : memref<4x256xf32, #tpu.memory_space<vmem>>, vector<16xf32>,
      %get3A_1800 = arith.constant 160 : index
      %get3A_1801 = tpu.vector_load %arg16[%get3A_1800] {strides = array<i32>} : memref<256xf32, #tpu.memory_space<vmem>>, vector<16xf32>,
      %get3A_1802 = arith.constant 160 : index
      %get3A_1803 = tpu.vector_load %arg13[%get3A_1802] {strides = array<i32>} : memref<256xf32, #tpu.memory_space<vmem>>, vector<16xf32>,
      %mul3A_1804 = arith.mulf %get3A_1801, %get3A_1803 : vector<16xf32>
      %swap3A_1805 = arith.constant 2 : i32
      %swap3A_1806 = arith.index_cast %swap3A_1805 : i32 to index
      %swap3A_1807 = arith.constant 160 : index
      %swap3A_1808 = tpu.vector_load %arg19[%swap3A_1806, %swap3A_1807] {strides = array<i32>} : memref<4x256xf32, #tpu.memory_space<vmem>>, vector<16xf32>,
      tpu.vector_store %arg19[%swap3A_1806, %swap3A_1807], %mul3A_1804 {strides = array<i32>} : memref<4x256xf32, #tpu.memory_space<vmem>>, vector<16xf32>,
      %get3A_1809 = arith.constant 176 : index
      %get3A_1810 = tpu.vector_load %arg16[%get3A_1809] {strides = array<i32>} : memref<256xf32, #tpu.memory_space<vmem>>, vector<16xf32>,
      %get3A_1811 = arith.constant 176 : index
      %get3A_1812 = tpu.vector_load %arg13[%get3A_1811] {strides = array<i32>} : memref<256xf32, #tpu.memory_space<vmem>>, vector<16xf32>,
      %mul3A_1813 = arith.mulf %get3A_1810, %get3A_1812 : vector<16xf32>
      %swap3A_1814 = arith.constant 2 : i32
      %swap3A_1815 = arith.index_cast %swap3A_1814 : i32 to index
      %swap3A_1816 = arith.constant 176 : index
      %swap3A_1817 = tpu.vector_load %arg19[%swap3A_1815, %swap3A_1816] {strides = array<i32>} : memref<4x256xf32, #tpu.memory_space<vmem>>, vector<16xf32>,
      tpu.vector_store %arg19[%swap3A_1815, %swap3A_1816], %mul3A_1813 {strides = array<i32>} : memref<4x256xf32, #tpu.memory_space<vmem>>, vector<16xf32>,
      %get3A_1818 = arith.constant 192 : index
      %get3A_1819 = tpu.vector_load %arg16[%get3A_1818] {strides = array<i32>} : memref<256xf32, #tpu.memory_space<vmem>>, vector<16xf32>,
      %get3A_1820 = arith.constant 192 : index
      %get3A_1821 = tpu.vector_load %arg13[%get3A_1820] {strides = array<i32>} : memref<256xf32, #tpu.memory_space<vmem>>, vector<16xf32>,
      %mul3A_1822 = arith.mulf %get3A_1819, %get3A_1821 : vector<16xf32>
      %swap3A_1823 = arith.constant 2 : i32
      %swap3A_1824 = arith.index_cast %swap3A_1823 : i32 to index
      %swap3A_1825 = arith.constant 192 : index
      %swap3A_1826 = tpu.vector_load %arg19[%swap3A_1824, %swap3A_1825] {strides = array<i32>} : memref<4x256xf32, #tpu.memory_space<vmem>>, vector<16xf32>,
      tpu.vector_store %arg19[%swap3A_1824, %swap3A_1825], %mul3A_1822 {strides = array<i32>} : memref<4x256xf32, #tpu.memory_space<vmem>>, vector<16xf32>,
      %get3A_1827 = arith.constant 208 : index
      %get3A_1828 = tpu.vector_load %arg16[%get3A_1827] {strides = array<i32>} : memref<256xf32, #tpu.memory_space<vmem>>, vector<16xf32>,
      %get3A_1829 = arith.constant 208 : index
      %get3A_1830 = tpu.vector_load %arg13[%get3A_1829] {strides = array<i32>} : memref<256xf32, #tpu.memory_space<vmem>>, vector<16xf32>,
      %mul3A_1831 = arith.mulf %get3A_1828, %get3A_1830 : vector<16xf32>
      %swap3A_1832 = arith.constant 2 : i32
      %swap3A_1833 = arith.index_cast %swap3A_1832 : i32 to index
      %swap3A_1834 = arith.constant 208 : index
      %swap3A_1835 = tpu.vector_load %arg19[%swap3A_1833, %swap3A_1834] {strides = array<i32>} : memref<4x256xf32, #tpu.memory_space<vmem>>, vector<16xf32>,
      tpu.vector_store %arg19[%swap3A_1833, %swap3A_1834], %mul3A_1831 {strides = array<i32>} : memref<4x256xf32, #tpu.memory_space<vmem>>, vector<16xf32>,
      %get3A_1836 = arith.constant 224 : index
      %get3A_1837 = tpu.vector_load %arg16[%get3A_1836] {strides = array<i32>} : memref<256xf32, #tpu.memory_space<vmem>>, vector<16xf32>,
      %get3A_1838 = arith.constant 224 : index
      %get3A_1839 = tpu.vector_load %arg13[%get3A_1838] {strides = array<i32>} : memref<256xf32, #tpu.memory_space<vmem>>, vector<16xf32>,
      %mul3A_1840 = arith.mulf %get3A_1837, %get3A_1839 : vector<16xf32>
      %swap3A_1841 = arith.constant 2 : i32
      %swap3A_1842 = arith.index_cast %swap3A_1841 : i32 to index
      %swap3A_1843 = arith.constant 224 : index
      %swap3A_1844 = tpu.vector_load %arg19[%swap3A_1842, %swap3A_1843] {strides = array<i32>} : memref<4x256xf32, #tpu.memory_space<vmem>>, vector<16xf32>,
      tpu.vector_store %arg19[%swap3A_1842, %swap3A_1843], %mul3A_1840 {strides = array<i32>} : memref<4x256xf32, #tpu.memory_space<vmem>>, vector<16xf32>,
      %get3A_1845 = arith.constant 240 : index
      %get3A_1846 = tpu.vector_load %arg16[%get3A_1845] {strides = array<i32>} : memref<256xf32, #tpu.memory_space<vmem>>, vector<16xf32>,
      %get3A_1847 = arith.constant 240 : index
      %get3A_1848 = tpu.vector_load %arg13[%get3A_1847] {strides = array<i32>} : memref<256xf32, #tpu.memory_space<vmem>>, vector<16xf32>,
      %mul3A_1849 = arith.mulf %get3A_1846, %get3A_1848 : vector<16xf32>
      %swap3A_1850 = arith.constant 2 : i32
      %swap3A_1851 = arith.index_cast %swap3A_1850 : i32 to index
      %swap3A_1852 = arith.constant 240 : index
      %swap3A_1853 = tpu.vector_load %arg19[%swap3A_1851, %swap3A_1852] {strides = array<i32>} : memref<4x256xf32, #tpu.memory_space<vmem>>, vector<16xf32>,
      tpu.vector_store %arg19[%swap3A_1851, %swap3A_1852], %mul3A_1849 {strides = array<i32>} : memref<4x256xf32, #tpu.memory_space<vmem>>, vector<16xf32>,
      %get3A_1854 = arith.constant 0 : index
      %get3A_1855 = tpu.vector_load %arg17[%get3A_1854] {strides = array<i32>} : memref<256xf32, #tpu.memory_space<vmem>>, vector<16xf32>,
      %get3A_1856 = arith.constant 0 : index
      %get3A_1857 = tpu.vector_load %arg13[%get3A_1856] {strides = array<i32>} : memref<256xf32, #tpu.memory_space<vmem>>, vector<16xf32>,
      %mul3A_1858 = arith.mulf %get3A_1855, %get3A_1857 : vector<16xf32>
      %swap3A_1859 = arith.constant 3 : i32
      %swap3A_1860 = arith.index_cast %swap3A_1859 : i32 to index
      %swap3A_1861 = arith.constant 0 : index
      %swap3A_1862 = tpu.vector_load %arg19[%swap3A_1860, %swap3A_1861] {strides = array<i32>} : memref<4x256xf32, #tpu.memory_space<vmem>>, vector<16xf32>,
      tpu.vector_store %arg19[%swap3A_1860, %swap3A_1861], %mul3A_1858 {strides = array<i32>} : memref<4x256xf32, #tpu.memory_space<vmem>>, vector<16xf32>,
      %get3A_1863 = arith.constant 16 : index
      %get3A_1864 = tpu.vector_load %arg17[%get3A_1863] {strides = array<i32>} : memref<256xf32, #tpu.memory_space<vmem>>, vector<16xf32>,
      %get3A_1865 = arith.constant 16 : index
      %get3A_1866 = tpu.vector_load %arg13[%get3A_1865] {strides = array<i32>} : memref<256xf32, #tpu.memory_space<vmem>>, vector<16xf32>,
      %mul3A_1867 = arith.mulf %get3A_1864, %get3A_1866 : vector<16xf32>
      %swap3A_1868 = arith.constant 3 : i32
      %swap3A_1869 = arith.index_cast %swap3A_1868 : i32 to index
      %swap3A_1870 = arith.constant 16 : index
      %swap3A_1871 = tpu.vector_load %arg19[%swap3A_1869, %swap3A_1870] {strides = array<i32>} : memref<4x256xf32, #tpu.memory_space<vmem>>, vector<16xf32>,
      tpu.vector_store %arg19[%swap3A_1869, %swap3A_1870], %mul3A_1867 {strides = array<i32>} : memref<4x256xf32, #tpu.memory_space<vmem>>, vector<16xf32>,
      %get3A_1872 = arith.constant 32 : index
      %get3A_1873 = tpu.vector_load %arg17[%get3A_1872] {strides = array<i32>} : memref<256xf32, #tpu.memory_space<vmem>>, vector<16xf32>,
      %get3A_1874 = arith.constant 32 : index
      %get3A_1875 = tpu.vector_load %arg13[%get3A_1874] {strides = array<i32>} : memref<256xf32, #tpu.memory_space<vmem>>, vector<16xf32>,
      %mul3A_1876 = arith.mulf %get3A_1873, %get3A_1875 : vector<16xf32>
      %swap3A_1877 = arith.constant 3 : i32
      %swap3A_1878 = arith.index_cast %swap3A_1877 : i32 to index
      %swap3A_1879 = arith.constant 32 : index
      %swap3A_1880 = tpu.vector_load %arg19[%swap3A_1878, %swap3A_1879] {strides = array<i32>} : memref<4x256xf32, #tpu.memory_space<vmem>>, vector<16xf32>,
      tpu.vector_store %arg19[%swap3A_1878, %swap3A_1879], %mul3A_1876 {strides = array<i32>} : memref<4x256xf32, #tpu.memory_space<vmem>>, vector<16xf32>,
      %get3A_1881 = arith.constant 48 : index
      %get3A_1882 = tpu.vector_load %arg17[%get3A_1881] {strides = array<i32>} : memref<256xf32, #tpu.memory_space<vmem>>, vector<16xf32>,
      %get3A_1883 = arith.constant 48 : index
      %get3A_1884 = tpu.vector_load %arg13[%get3A_1883] {strides = array<i32>} : memref<256xf32, #tpu.memory_space<vmem>>, vector<16xf32>,
      %mul3A_1885 = arith.mulf %get3A_1882, %get3A_1884 : vector<16xf32>
      %swap3A_1886 = arith.constant 3 : i32
      %swap3A_1887 = arith.index_cast %swap3A_1886 : i32 to index
      %swap3A_1888 = arith.constant 48 : index
      %swap3A_1889 = tpu.vector_load %arg19[%swap3A_1887, %swap3A_1888] {strides = array<i32>} : memref<4x256xf32, #tpu.memory_space<vmem>>, vector<16xf32>,
      tpu.vector_store %arg19[%swap3A_1887, %swap3A_1888], %mul3A_1885 {strides = array<i32>} : memref<4x256xf32, #tpu.memory_space<vmem>>, vector<16xf32>,
      %get3A_1890 = arith.constant 64 : index
      %get3A_1891 = tpu.vector_load %arg17[%get3A_1890] {strides = array<i32>} : memref<256xf32, #tpu.memory_space<vmem>>, vector<16xf32>,
      %get3A_1892 = arith.constant 64 : index
      %get3A_1893 = tpu.vector_load %arg13[%get3A_1892] {strides = array<i32>} : memref<256xf32, #tpu.memory_space<vmem>>, vector<16xf32>,
      %mul3A_1894 = arith.mulf %get3A_1891, %get3A_1893 : vector<16xf32>
      %swap3A_1895 = arith.constant 3 : i32
      %swap3A_1896 = arith.index_cast %swap3A_1895 : i32 to index
      %swap3A_1897 = arith.constant 64 : index
      %swap3A_1898 = tpu.vector_load %arg19[%swap3A_1896, %swap3A_1897] {strides = array<i32>} : memref<4x256xf32, #tpu.memory_space<vmem>>, vector<16xf32>,
      tpu.vector_store %arg19[%swap3A_1896, %swap3A_1897], %mul3A_1894 {strides = array<i32>} : memref<4x256xf32, #tpu.memory_space<vmem>>, vector<16xf32>,
      %get3A_1899 = arith.constant 80 : index
      %get3A_1900 = tpu.vector_load %arg17[%get3A_1899] {strides = array<i32>} : memref<256xf32, #tpu.memory_space<vmem>>, vector<16xf32>,
      %get3A_1901 = arith.constant 80 : index
      %get3A_1902 = tpu.vector_load %arg13[%get3A_1901] {strides = array<i32>} : memref<256xf32, #tpu.memory_space<vmem>>, vector<16xf32>,
      %mul3A_1903 = arith.mulf %get3A_1900, %get3A_1902 : vector<16xf32>
      %swap3A_1904 = arith.constant 3 : i32
      %swap3A_1905 = arith.index_cast %swap3A_1904 : i32 to index
      %swap3A_1906 = arith.constant 80 : index
      %swap3A_1907 = tpu.vector_load %arg19[%swap3A_1905, %swap3A_1906] {strides = array<i32>} : memref<4x256xf32, #tpu.memory_space<vmem>>, vector<16xf32>,
      tpu.vector_store %arg19[%swap3A_1905, %swap3A_1906], %mul3A_1903 {strides = array<i32>} : memref<4x256xf32, #tpu.memory_space<vmem>>, vector<16xf32>,
      %get3A_1908 = arith.constant 96 : index
      %get3A_1909 = tpu.vector_load %arg17[%get3A_1908] {strides = array<i32>} : memref<256xf32, #tpu.memory_space<vmem>>, vector<16xf32>,
      %get3A_1910 = arith.constant 96 : index
      %get3A_1911 = tpu.vector_load %arg13[%get3A_1910] {strides = array<i32>} : memref<256xf32, #tpu.memory_space<vmem>>, vector<16xf32>,
      %mul3A_1912 = arith.mulf %get3A_1909, %get3A_1911 : vector<16xf32>
      %swap3A_1913 = arith.constant 3 : i32
      %swap3A_1914 = arith.index_cast %swap3A_1913 : i32 to index
      %swap3A_1915 = arith.constant 96 : index
      %swap3A_1916 = tpu.vector_load %arg19[%swap3A_1914, %swap3A_1915] {strides = array<i32>} : memref<4x256xf32, #tpu.memory_space<vmem>>, vector<16xf32>,
      tpu.vector_store %arg19[%swap3A_1914, %swap3A_1915], %mul3A_1912 {strides = array<i32>} : memref<4x256xf32, #tpu.memory_space<vmem>>, vector<16xf32>,
      %get3A_1917 = arith.constant 112 : index
      %get3A_1918 = tpu.vector_load %arg17[%get3A_1917] {strides = array<i32>} : memref<256xf32, #tpu.memory_space<vmem>>, vector<16xf32>,
      %get3A_1919 = arith.constant 112 : index
      %get3A_1920 = tpu.vector_load %arg13[%get3A_1919] {strides = array<i32>} : memref<256xf32, #tpu.memory_space<vmem>>, vector<16xf32>,
      %mul3A_1921 = arith.mulf %get3A_1918, %get3A_1920 : vector<16xf32>
      %swap3A_1922 = arith.constant 3 : i32
      %swap3A_1923 = arith.index_cast %swap3A_1922 : i32 to index
      %swap3A_1924 = arith.constant 112 : index
      %swap3A_1925 = tpu.vector_load %arg19[%swap3A_1923, %swap3A_1924] {strides = array<i32>} : memref<4x256xf32, #tpu.memory_space<vmem>>, vector<16xf32>,
      tpu.vector_store %arg19[%swap3A_1923, %swap3A_1924], %mul3A_1921 {strides = array<i32>} : memref<4x256xf32, #tpu.memory_space<vmem>>, vector<16xf32>,
      %get3A_1926 = arith.constant 128 : index
      %get3A_1927 = tpu.vector_load %arg17[%get3A_1926] {strides = array<i32>} : memref<256xf32, #tpu.memory_space<vmem>>, vector<16xf32>,
      %get3A_1928 = arith.constant 128 : index
      %get3A_1929 = tpu.vector_load %arg13[%get3A_1928] {strides = array<i32>} : memref<256xf32, #tpu.memory_space<vmem>>, vector<16xf32>,
      %mul3A_1930 = arith.mulf %get3A_1927, %get3A_1929 : vector<16xf32>
      %swap3A_1931 = arith.constant 3 : i32
      %swap3A_1932 = arith.index_cast %swap3A_1931 : i32 to index
      %swap3A_1933 = arith.constant 128 : index
      %swap3A_1934 = tpu.vector_load %arg19[%swap3A_1932, %swap3A_1933] {strides = array<i32>} : memref<4x256xf32, #tpu.memory_space<vmem>>, vector<16xf32>,
      tpu.vector_store %arg19[%swap3A_1932, %swap3A_1933], %mul3A_1930 {strides = array<i32>} : memref<4x256xf32, #tpu.memory_space<vmem>>, vector<16xf32>,
      %get3A_1935 = arith.constant 144 : index
      %get3A_1936 = tpu.vector_load %arg17[%get3A_1935] {strides = array<i32>} : memref<256xf32, #tpu.memory_space<vmem>>, vector<16xf32>,
      %get3A_1937 = arith.constant 144 : index
      %get3A_1938 = tpu.vector_load %arg13[%get3A_1937] {strides = array<i32>} : memref<256xf32, #tpu.memory_space<vmem>>, vector<16xf32>,
      %mul3A_1939 = arith.mulf %get3A_1936, %get3A_1938 : vector<16xf32>
      %swap3A_1940 = arith.constant 3 : i32
      %swap3A_1941 = arith.index_cast %swap3A_1940 : i32 to index
      %swap3A_1942 = arith.constant 144 : index
      %swap3A_1943 = tpu.vector_load %arg19[%swap3A_1941, %swap3A_1942] {strides = array<i32>} : memref<4x256xf32, #tpu.memory_space<vmem>>, vector<16xf32>,
      tpu.vector_store %arg19[%swap3A_1941, %swap3A_1942], %mul3A_1939 {strides = array<i32>} : memref<4x256xf32, #tpu.memory_space<vmem>>, vector<16xf32>,
      %get3A_1944 = arith.constant 160 : index
      %get3A_1945 = tpu.vector_load %arg17[%get3A_1944] {strides = array<i32>} : memref<256xf32, #tpu.memory_space<vmem>>, vector<16xf32>,
      %get3A_1946 = arith.constant 160 : index
      %get3A_1947 = tpu.vector_load %arg13[%get3A_1946] {strides = array<i32>} : memref<256xf32, #tpu.memory_space<vmem>>, vector<16xf32>,
      %mul3A_1948 = arith.mulf %get3A_1945, %get3A_1947 : vector<16xf32>
      %swap3A_1949 = arith.constant 3 : i32
      %swap3A_1950 = arith.index_cast %swap3A_1949 : i32 to index
      %swap3A_1951 = arith.constant 160 : index
      %swap3A_1952 = tpu.vector_load %arg19[%swap3A_1950, %swap3A_1951] {strides = array<i32>} : memref<4x256xf32, #tpu.memory_space<vmem>>, vector<16xf32>,
      tpu.vector_store %arg19[%swap3A_1950, %swap3A_1951], %mul3A_1948 {strides = array<i32>} : memref<4x256xf32, #tpu.memory_space<vmem>>, vector<16xf32>,
      %get3A_1953 = arith.constant 176 : index
      %get3A_1954 = tpu.vector_load %arg17[%get3A_1953] {strides = array<i32>} : memref<256xf32, #tpu.memory_space<vmem>>, vector<16xf32>,
      %get3A_1955 = arith.constant 176 : index
      %get3A_1956 = tpu.vector_load %arg13[%get3A_1955] {strides = array<i32>} : memref<256xf32, #tpu.memory_space<vmem>>, vector<16xf32>,
      %mul3A_1957 = arith.mulf %get3A_1954, %get3A_1956 : vector<16xf32>
      %swap3A_1958 = arith.constant 3 : i32
      %swap3A_1959 = arith.index_cast %swap3A_1958 : i32 to index
      %swap3A_1960 = arith.constant 176 : index
      %swap3A_1961 = tpu.vector_load %arg19[%swap3A_1959, %swap3A_1960] {strides = array<i32>} : memref<4x256xf32, #tpu.memory_space<vmem>>, vector<16xf32>,
      tpu.vector_store %arg19[%swap3A_1959, %swap3A_1960], %mul3A_1957 {strides = array<i32>} : memref<4x256xf32, #tpu.memory_space<vmem>>, vector<16xf32>,
      %get3A_1962 = arith.constant 192 : index
      %get3A_1963 = tpu.vector_load %arg17[%get3A_1962] {strides = array<i32>} : memref<256xf32, #tpu.memory_space<vmem>>, vector<16xf32>,
      %get3A_1964 = arith.constant 192 : index
      %get3A_1965 = tpu.vector_load %arg13[%get3A_1964] {strides = array<i32>} : memref<256xf32, #tpu.memory_space<vmem>>, vector<16xf32>,
      %mul3A_1966 = arith.mulf %get3A_1963, %get3A_1965 : vector<16xf32>
      %swap3A_1967 = arith.constant 3 : i32
      %swap3A_1968 = arith.index_cast %swap3A_1967 : i32 to index
      %swap3A_1969 = arith.constant 192 : index
      %swap3A_1970 = tpu.vector_load %arg19[%swap3A_1968, %swap3A_1969] {strides = array<i32>} : memref<4x256xf32, #tpu.memory_space<vmem>>, vector<16xf32>,
      tpu.vector_store %arg19[%swap3A_1968, %swap3A_1969], %mul3A_1966 {strides = array<i32>} : memref<4x256xf32, #tpu.memory_space<vmem>>, vector<16xf32>,
      %get3A_1971 = arith.constant 208 : index
      %get3A_1972 = tpu.vector_load %arg17[%get3A_1971] {strides = array<i32>} : memref<256xf32, #tpu.memory_space<vmem>>, vector<16xf32>,
      %get3A_1973 = arith.constant 208 : index
      %get3A_1974 = tpu.vector_load %arg13[%get3A_1973] {strides = array<i32>} : memref<256xf32, #tpu.memory_space<vmem>>, vector<16xf32>,
      %mul3A_1975 = arith.mulf %get3A_1972, %get3A_1974 : vector<16xf32>
      %swap3A_1976 = arith.constant 3 : i32
      %swap3A_1977 = arith.index_cast %swap3A_1976 : i32 to index
      %swap3A_1978 = arith.constant 208 : index
      %swap3A_1979 = tpu.vector_load %arg19[%swap3A_1977, %swap3A_1978] {strides = array<i32>} : memref<4x256xf32, #tpu.memory_space<vmem>>, vector<16xf32>,
      tpu.vector_store %arg19[%swap3A_1977, %swap3A_1978], %mul3A_1975 {strides = array<i32>} : memref<4x256xf32, #tpu.memory_space<vmem>>, vector<16xf32>,
      %get3A_1980 = arith.constant 224 : index
      %get3A_1981 = tpu.vector_load %arg17[%get3A_1980] {strides = array<i32>} : memref<256xf32, #tpu.memory_space<vmem>>, vector<16xf32>,
      %get3A_1982 = arith.constant 224 : index
      %get3A_1983 = tpu.vector_load %arg13[%get3A_1982] {strides = array<i32>} : memref<256xf32, #tpu.memory_space<vmem>>, vector<16xf32>,
      %mul3A_1984 = arith.mulf %get3A_1981, %get3A_1983 : vector<16xf32>
      %swap3A_1985 = arith.constant 3 : i32
      %swap3A_1986 = arith.index_cast %swap3A_1985 : i32 to index
      %swap3A_1987 = arith.constant 224 : index
      %swap3A_1988 = tpu.vector_load %arg19[%swap3A_1986, %swap3A_1987] {strides = array<i32>} : memref<4x256xf32, #tpu.memory_space<vmem>>, vector<16xf32>,
      tpu.vector_store %arg19[%swap3A_1986, %swap3A_1987], %mul3A_1984 {strides = array<i32>} : memref<4x256xf32, #tpu.memory_space<vmem>>, vector<16xf32>,
      %get3A_1989 = arith.constant 240 : index
      %get3A_1990 = tpu.vector_load %arg17[%get3A_1989] {strides = array<i32>} : memref<256xf32, #tpu.memory_space<vmem>>, vector<16xf32>,
      %get3A_1991 = arith.constant 240 : index
      %get3A_1992 = tpu.vector_load %arg13[%get3A_1991] {strides = array<i32>} : memref<256xf32, #tpu.memory_space<vmem>>, vector<16xf32>,
      %mul3A_1993 = arith.mulf %get3A_1990, %get3A_1992 : vector<16xf32>
      %swap3A_1994 = arith.constant 3 : i32
      %swap3A_1995 = arith.index_cast %swap3A_1994 : i32 to index
      %swap3A_1996 = arith.constant 240 : index
      %swap3A_1997 = tpu.vector_load %arg19[%swap3A_1995, %swap3A_1996] {strides = array<i32>} : memref<4x256xf32, #tpu.memory_space<vmem>>, vector<16xf32>,
      tpu.vector_store %arg19[%swap3A_1995, %swap3A_1996], %mul3A_1993 {strides = array<i32>} : memref<4x256xf32, #tpu.memory_space<vmem>>, vector<16xf32>,
      %dma_start3A_1998 = arith.constant 0 : i32
      %dma_start3A_1999 = tpu.memref_slice %arg5[%select_n3A, %add3A_541, %dma_start3A_1998] : memref<16x256x256xf32, #tpu.memory_space<hbm>> -> memref<1x4x256xf32, #tpu.memory_space<hbm>>
      %dma_start3A_2000 = tpu.memref_squeeze %dma_start3A_1999 : memref<1x4x256xf32, #tpu.memory_space<hbm>> -> memref<4x256xf32, #tpu.memory_space<hbm>>
      %dma_start3A_2001 = arith.constant 0 : i32
      %dma_start3A_2002 = tpu.memref_slice %arg5[%select_n3A, %add3A_541, %dma_start3A_2001] : memref<16x256x256xf32, #tpu.memory_space<hbm>> -> memref<1x4x256xf32, #tpu.memory_space<hbm>>
      %dma_start3A_2003 = tpu.memref_squeeze %dma_start3A_2002 : memref<1x4x256xf32, #tpu.memory_space<hbm>> -> memref<4x256xf32, #tpu.memory_space<hbm>>
      tpu.enqueue_dma source(%arg19 : memref<4x256xf32, #tpu.memory_space<vmem>>) target(%dma_start3A_2003 : memref<4x256xf32, #tpu.memory_space<hbm>>) target_semaphore(%arg23 : memref<!tpu.dma_semaphore, #tpu.memory_space<semaphore_mem>>)
      %scan3A_2004 = arith.constant 0 : i32
      scf.yield %scan3A_2004 : i32
    }
    %scan3A_518 = arith.constant 16 : i32
    %add3A_519 = arith.constant 128 : i32
    %add3A_520 = arith.addi %mul3A_32, %add3A_519 : i32
    %sub3A_521 = arith.constant 4 : i32
    %sub3A_522 = arith.subi %add3A_520, %sub3A_521 : i32
    %dma_wait3A_523 = arith.constant 0 : i32
    %dma_wait3A_524 = tpu.memref_slice %arg5[%select_n3A, %sub3A_522, %dma_wait3A_523] : memref<16x256x256xf32, #tpu.memory_space<hbm>> -> memref<1x4x256xf32, #tpu.memory_space<hbm>>
    %dma_wait3A_525 = tpu.memref_squeeze %dma_wait3A_524 : memref<1x4x256xf32, #tpu.memory_space<hbm>> -> memref<4x256xf32, #tpu.memory_space<hbm>>
    %dma_wait3A_526 = arith.constant 0 : i32
    %dma_wait3A_527 = tpu.memref_slice %arg5[%select_n3A, %sub3A_522, %dma_wait3A_526] : memref<16x256x256xf32, #tpu.memory_space<hbm>> -> memref<1x4x256xf32, #tpu.memory_space<hbm>>
    %dma_wait3A_528 = tpu.memref_squeeze %dma_wait3A_527 : memref<1x4x256xf32, #tpu.memory_space<hbm>> -> memref<4x256xf32, #tpu.memory_space<hbm>>
    tpu.wait_dma2 semaphore(%arg22 : memref<!tpu.dma_semaphore, #tpu.memory_space<semaphore_mem>>) src(%arg18 : memref<4x256xf32, #tpu.memory_space<vmem>>) dst(%dma_wait3A_528 : memref<4x256xf32, #tpu.memory_space<hbm>>)
    %dma_wait3A_529 = arith.constant 0 : i32
    %dma_wait3A_530 = tpu.memref_slice %arg5[%select_n3A, %sub3A_522, %dma_wait3A_529] : memref<16x256x256xf32, #tpu.memory_space<hbm>> -> memref<1x4x256xf32, #tpu.memory_space<hbm>>
    %dma_wait3A_531 = tpu.memref_squeeze %dma_wait3A_530 : memref<1x4x256xf32, #tpu.memory_space<hbm>> -> memref<4x256xf32, #tpu.memory_space<hbm>>
    %dma_wait3A_532 = arith.constant 0 : i32
    %dma_wait3A_533 = tpu.memref_slice %arg5[%select_n3A, %sub3A_522, %dma_wait3A_532] : memref<16x256x256xf32, #tpu.memory_space<hbm>> -> memref<1x4x256xf32, #tpu.memory_space<hbm>>
    %dma_wait3A_534 = tpu.memref_squeeze %dma_wait3A_533 : memref<1x4x256xf32, #tpu.memory_space<hbm>> -> memref<4x256xf32, #tpu.memory_space<hbm>>
    tpu.wait_dma2 semaphore(%arg23 : memref<!tpu.dma_semaphore, #tpu.memory_space<semaphore_mem>>) src(%arg19 : memref<4x256xf32, #tpu.memory_space<vmem>>) dst(%dma_wait3A_534 : memref<4x256xf32, #tpu.memory_space<hbm>>)
    return
  }
}

</mosaic_0001>

<sc_bundles>
// kernel: kernel.3.cloned.1.call-start
scs
__scs_entry_jumppad:
0x0: {  	(pc) =	sbr.rel $0x88, $3  }
0x1: {  	(tag) =	ssettag $0x0;
	lr =	simm.s32 $0x1  }
0x2: {  	[smem:$0x3F9E] =	sst lr;
	_ =	strace $0xD0000000  }
0x3: {  	_ = 	snop  }
0x4: {  	_ = 	snop  }
0x5: {  	_ = 	snop  }
0x6: {  	_ = 	snop  }
0x7: {  	_ = 	snop  }
__scs_overlays_trampoline_lowered:
0x8: {  	[smem:$0x3FAD] =	sst s0  }
0x9: {  	[smem:$0x3FAE] =	sst s1  }
0xa: {  	[smem:$0x3FAF] =	sst s2  }
0xb: {  	[smem:$0x3FB0] =	sst s3  }
0xc: {  	[smem:$0x3FB1] =	sst s4  }
0xd: {  	[smem:$0x3FB2] =	sst s5  }
0xe: {  	[smem:$0x3FB3] =	sst s6  }
0xf: {  	[smem:$0x3FB4] =	sst s7  }
0x10: {  	[smem:$0x3FB5] =	sst s8  }
0x11: {  	[smem:$0x3FB6] =	sst s9;
	s0 =	simm.s32 @!p0 $0x0  }
0x12: {  	s1 =	sld [smem:$0x3F9C];
	s0 =	simm.s32 @p0 $0x1  }
0x13: {  	[smem:$0x3FB7] =	sst s0;
	s0 =	simm.s32 @!p1 $0x0  }
0x14: {  	s2 =	sld [smem:$0x3F9B];
	s0 =	simm.s32 @p1 $0x1  }
0x15: {  	[smem:$0x3FB8] =	sst s0;
	s0 =	simm.s32 @!p2 $0x0  }
0x16: {  	s3 =	sld [smem:$0x3FDB];
	s0 =	simm.s32 @p2 $0x1  }
0x17: {  	s4 =	simm.s32 $0x1BF5;
	[smem:$0x3FBA] =	sst s0  }
0x18: {  	s0 =	sld [smem:$0x3F9D];
	_ =	swait.ge [sflag:s4], $0x0  }
0x19: {  	s7 =	sld [smem:$0x3F9E]  }
0x1a: {  	s8 =	sadd.s32 $0xFFFFE003, lr  }
0x1b: {  	s9 =	sadd.s32 $0xFFFFFEF7, lr;
	s5 =	simm.s32 $0xFFFFFFFF;
	p2 =	slt.u32 s8, $0xFFFFF086  }
0x1c: {  	p1 =	slt.u32 s9, $0xF7A;
	s5 =	simm.s32 @!p2 $0x0  }
0x1d: {  	s5 =	simm.s32 @p1 $0x1;
	p0 =	seq.s32 s7, s2  }
0x1e: {  	s7 =	smul.u32 @!p0 $0xF7A, s2;
	p2 =	seq.s32 @!p0 s5, $0x0  }
0x1f: {  	s9 =	smul.u32 $0xF7A, s1;
	s8 =	simm.s32 @!p0 $0x1BF5;
	p2 =	por !p2, p0  }
0x20: {  	[sflag:s8] =	ssyncset.s32 @!p0 $0xFFFFF086;
	s6 =	sadd.s32 @!p0 s3, s7;
	s7 =	simm.s32 @!p0 $0x108  }
0x21: {  	s3 =	sadd.s32 s3, s9;
	s6 =	sadd.s32 @!p0 $0x88, s6;
	s7 =	simm.s32 @p2 $0x1082  }
0x22: {  	[simem:s7], [sflag:s8] =	dma.local @!p0 [hbm:s6], $0xF7A  }
0x23: {  	s9 =	sor.u32 $0xD0000000, s2;
	s6 =	simm.s32 $0x108;
	_ =	swait.ge @!p0 [sflag:s8], $0x0  }
0x24: {  	s3 =	sadd.s32 $0x88, s3;
	s6 =	simm.s32 @!p1 $0x1082;
	[sflag:s4] =	ssyncset.s32 $0xFFFFF086  }
0x25: {  	[simem:s6], [sflag:s4] =	dma.local [hbm:s3], $0xF7A  }
0x26: {  	[smem:$0x3F9E] =	sst s1;
	(tag) =	ssettag s2;
	_ =	strace s9  }
0x27: {  	s1 =	sld [smem:$0x3FAE]  }
0x28: {  	s2 =	sld [smem:$0x3FAF]  }
0x29: {  	s4 =	sld [smem:$0x3FB1]  }
0x2a: {  	p0 =	seq.s32 s5, $0x0;
	s5 =	sld [smem:$0x3FB2]  }
0x2b: {  	s6 =	sld [smem:$0x3FB3]  }
0x2c: {  	s7 =	sld [smem:$0x3FB4]  }
0x2d: {  	s3 =	simm.s32 $0x108;
	s8 =	sld [smem:$0x3FB5]  }
0x2e: {  	s3 =	simm.s32 @!p0 $0x1082;
	s9 =	sld [smem:$0x3FB6]  }
0x2f: {  	lr =	sadd.s32 s0, s3;
	s0 =	sld [smem:$0x3FAD]  }
0x30: {  	s3 =	sld [smem:$0x3FB0]  }
0x31: {  	[smem:$0x3FB9] =	sst s10  }
0x32: {  	s10 =	sld [smem:$0x3FB7];
	_ =	sdelay $0x3  }
0x33: {  	p0 =	seq.s32 s10, $0x1;
	s10 =	sld [smem:$0x3FB9];
	_ =	sdelay $0x3  }
0x34: {  	[smem:$0x3FB9] =	sst s10  }
0x35: {  	s10 =	sld [smem:$0x3FB8];
	_ =	sdelay $0x3  }
0x36: {  	p1 =	seq.s32 s10, $0x1;
	s10 =	sld [smem:$0x3FB9];
	_ =	sdelay $0x3  }
0x37: {  	[smem:$0x3FB9] =	sst s10  }
0x38: {  	s10 =	sld [smem:$0x3FBA]  }
0x39: {  	_ = 	snop;
	(pc) =	sbr.ind lr, $3  }
0x3a: {  	_ = 	snop  }
0x3b: {  	_ = 	snop  }
0x3c: {  	p2 =	seq.s32 s10, $0x1;
	s10 =	sld [smem:$0x3FB9]  }
0x3d: {  	_ =	shalt  }
0x3e: {  	_ =	shalt  }
0x3f: {  	_ =	shalt  }
0x40: {  	_ =	shalt  }
0x41: {  	_ =	shalt  }
0x42: {  	_ =	shalt  }
0x43: {  	_ =	shalt  }
0x44: {  	_ =	shalt  }
0x45: {  	_ =	shalt  }
0x46: {  	_ =	shalt  }
0x47: {  	_ =	shalt  }
0x48: {  	_ =	shalt  }
0x49: {  	_ =	shalt  }
0x4a: {  	_ =	shalt  }
0x4b: {  	_ =	shalt  }
0x4c: {  	_ =	shalt  }
0x4d: {  	_ =	shalt  }
0x4e: {  	_ =	shalt  }
0x4f: {  	_ =	shalt  }
0x50: {  	_ =	shalt  }
0x51: {  	_ =	shalt  }
0x52: {  	_ =	shalt  }
0x53: {  	_ =	shalt  }
0x54: {  	_ =	shalt  }
0x55: {  	_ =	shalt  }
0x56: {  	_ =	shalt  }
0x57: {  	_ =	shalt  }
0x58: {  	_ =	shalt  }
0x59: {  	_ =	shalt  }
0x5a: {  	_ =	shalt  }
0x5b: {  	_ =	shalt  }
0x5c: {  	_ =	shalt  }
0x5d: {  	_ =	shalt  }
0x5e: {  	_ =	shalt  }
0x5f: {  	_ =	shalt  }
0x60: {  	_ =	shalt  }
0x61: {  	_ =	shalt  }
0x62: {  	_ =	shalt  }
0x63: {  	_ =	shalt  }
0x64: {  	_ =	shalt  }
0x65: {  	_ =	shalt  }
0x66: {  	_ =	shalt  }
0x67: {  	_ =	shalt  }
0x68: {  	_ =	shalt  }
0x69: {  	_ =	shalt  }
0x6a: {  	_ =	shalt  }
0x6b: {  	_ =	shalt  }
0x6c: {  	_ =	shalt  }
0x6d: {  	_ =	shalt  }
0x6e: {  	_ =	shalt  }
0x6f: {  	_ =	shalt  }
0x70: {  	_ =	shalt  }
0x71: {  	_ =	shalt  }
0x72: {  	_ =	shalt  }
0x73: {  	_ =	shalt  }
0x74: {  	_ =	shalt  }
0x75: {  	_ =	shalt  }
0x76: {  	_ =	shalt  }
0x77: {  	_ =	shalt  }
0x78: {  	_ =	shalt  }
0x79: {  	_ =	shalt  }
0x7a: {  	_ =	shalt  }
0x7b: {  	_ =	shalt  }
0x7c: {  	_ =	shalt  }
0x7d: {  	_ =	shalt  }
0x7e: {  	_ =	shalt  }
0x7f: {  	_ =	shalt  }
0x80: {  	_ =	shalt  }
0x81: {  	_ =	shalt  }
0x82: {  	_ =	shalt  }
0x83: {  	_ =	shalt  }
0x84: {  	_ =	shalt  }
0x85: {  	_ =	shalt  }
0x86: {  	_ =	shalt  }
0x87: {  	_ =	shalt  }
.Lfunc_end0:
.L_simem_size_0:
called_computation_lowered:
.L_overlay_start_0:
0x88: {  	s2 =	sld [smem:$0x3FD9]  }
0x89: {  	s3 =	sld [smem:$0x3FFE];
	_ =	sdelay $0x1  }
0x8a: {  	s1 =	srdreg.scid  }
0x8b: {  	s0 =	sand.u32 $0x1, s1  }
0x8c: {  	s15 =	sshll.u32 s0, $0xA;
	s2 =	sadd.s32 s3, s2  }
0x8d: {  	s2 =	sadd.s32 s2, s15  }
0x8e: {  	[smem:$0x3FC5] =	sst s2  }
0x8f: {  	_ = 	snop  }
0x90: {  	s2 =	sld [smem:$0x3FD0]  }
0x91: {  	s16 =	sld [smem:$0x3FC9]  }
0x92: {  	s4 =	sld [smem:$0x3FC8]  }
0x93: {  	s6 =	simm.s32 $0xA;
	s7 =	simm.s32 $0x10;
	s5 =	sld [smem:$0x3FC7]  }
0x94: {  	[smem:s7], [sflag:s6] =	dma.local [hbm:s2], $0x1  }
0x95: {  	_ =	swait.eq [sflag:s6], $0x1  }
0x96: {  	[sflag:s6] =	ssyncset.done $0x0  }
0x97: {  	s17 =	sld [smem:$0x10];
	[sflag:s6] =	ssyncadd.s32 $0xFFFFFFFF  }
0x98: {  	s18 =	sld [smem:$0x11];
	(tm) =	ssettm $0x1  }
0x99: {  	s19 =	sld [smem:$0x3FFB];
	_ =	sdelay $0x3  }
0x9a: {  	_ =	strace s19  }
0x9b: {  	s7 =	sld [smem:$0x3FFC];
	_ =	sdelay $0x3  }
0x9c: {  	_ =	strace s7  }
0x9d: {  	s7 =	sld [smem:$0x3FFD];
	_ =	sdelay $0x3  }
0x9e: {  	_ =	strace s7  }
0x9f: {  	_ =	strace $0x8FFFFFFF  }
0xa0: {  	s20 =	sld [smem:$0x3FDB];
	_ =	sdelay $0x1  }
0xa1: {  	s8 =	simm.s32 $_scs_section_size  }
0xa2: {  	s9 =	simm.s32 $_size__tile_overlayer_lowered;
	s10 =	simm.s32 $_tile_overlayer_lowered  }
0xa3: {  	s23 =	simm.s32 $0x1BFF;
	s22 =	sshll.u32 s10, $0x1;
	s7 =	sadd.s32 s8, s20  }
0xa4: {  	s11 =	simm.s32 $0x0;
	s21 =	sshll.u32 s9, $0x1;
	s9 =	sadd.s32 s22, s7  }
0xa5: {  	[timem:s11], [sflag:s23] =	dma.local [hbm:s9], s21  }
0xa6: {  	_ =	swait.ge [sflag:s23], s21  }
0xa7: {  	s8 =	ssub.s32 $0x0, s21;
	[sflag:s23] =	ssyncset.done $0x0  }
0xa8: {  	[sflag:s23] =	ssyncadd.s32 s8;
	_ =	sdelay $0x1  }
0xa9: {  	s24 =	simm.s32 $0x1B8B  }
0xaa: {  	_ =	swait.ge [sflag:s24], $0x1  }
0xab: {  	[sflag:s24] =	ssyncset.done $0x0  }
0xac: {  	s25 =	simm.s32 $0x1B8E;
	[sflag:s24] =	ssyncadd.s32 $0xFFFFFFFF  }
0xad: {  	s26 =	simm.s32 $execute0_lowered;
	[smem:$0x3FD2] =	sst s25  }
0xae: {  	s8 =	sshll.u32 s26, $0x1;
	_ =	strace $0x80000046;
	[dreg:$0x1] =	wrdreg $0xFFFFFFFF  }
0xaf: {  	s28 =	simm.s32 $_size_execute0_lowered;
	s7 =	sadd.s32 s7, s8;
	[dreg:$0x0] =	wrdreg $0x0  }
0xb0: {  	s8 =	sshll.u32 s28, $0x1;
	[dreg:$0x2] =	wrdreg s7  }
0xb1: {  	[dreg:$0x3] =	wrdreg s8  }
0xb2: {  	[dreg:$0x4] =	wrdreg $0xC0  }
0xb3: {  	_ =	task [dreg:s11], $0x5FFFF  }
0xb4: {  	[dreg:$0x1] =	wrdreg $0xFFFFFFFF  }
0xb5: {  	[dreg:$0x0] =	wrdreg $0x60  }
0xb6: {  	[dreg:$0x2] =	wrdreg s16  }
0xb7: {  	[dreg:$0x3] =	wrdreg s4  }
0xb8: {  	[dreg:$0x4] =	wrdreg s5  }
0xb9: {  	[dreg:$0x5] =	wrdreg s17  }
0xba: {  	[dreg:$0x6] =	wrdreg s18  }
0xbb: {  	[dreg:$0x7] =	wrdreg $0x9  }
0xbc: {  	_ =	task.clear_ibuf [dreg:s11], $0x8FFFF;
	_ =	strace $0x90000046  }
0xbd: {  	s29 =	simm.s32 $0x9;
	_ =	strace $0x80000048  }
0xbe: {  	_ =	swait.ge [sflag:s29], $0x1  }
0xbf: {  	[sflag:s29] =	ssyncadd.s32 $0xFFFFFFFF  }
0xc0: {  	_ =	strace $0x90000048  }
0xc1: {  	_ =	sfence  }
0xc2: {  	s30 =	sld [smem:$0x0];
	_ =	sdelay $0x2  }
0xc3: {  	s31 =	sshll.u32 s1, $0xD;
	s1 =	sshrl.u32 s1, $0x2  }
0xc4: {  	s3 =	sand.u32 $0x4000, s31;
	s1 =	sadd.s32 s1, s30  }
0xc5: {  	s0 =	sor.u32 s3, s0;
	s1 =	sshll.u32 s1, $0x11  }
0xc6: {  	s0 =	sor.u32 s1, s0  }
0xc7: {  	s0 =	sadd.s32 $0x8F2B, s0  }
0xc8: {  	[sflag:s0] =	ssyncadd.remote.s32 $0x1  }
0xc9: {  	_ =	sfence.sel $0xFFFF  }
0xca: {  	[dreg:$0x0] =	wrdreg $0xFFFFFFFF;
	(pc) =	sbr.abs _section_cstart, $3  }
0xcb: {  	[dreg:$0x1] =	wrdreg $0xFFFFFFFF  }
0xcc: {  	_ =	task.clear_ibuf [dreg:s11], $0x2FFFF;
	_ =	strace $0x9FFFFFFF  }
0xcd: {  	(tm) =	ssettm $0x7FFFFFFF  }
tec
execute0_lowered:
.L_overlay_start_1:
0x0: {  	(tag) =	ssettag $0x1  }
0x1: {  	s14 =	rddreg [dreg:$0x0]  }
0x2: {  	s1 =	rddreg [dreg:$0x1]  }
0x3: {  	s4 =	rddreg [dreg:$0x2]  }
0x4: {  	s0 =	srdreg.scid;
	s15 =	rddreg [dreg:$0x3]  }
0x5: {  	s3 =	stileid.u32;
	s16 =	rddreg [dreg:$0x4]  }
0x6: {  	s5 =	simm.s32 $0x1;
	s6 =	simm.s32 $0x0;
	s28 =	simm.s32 $0x14400  }
0x7: {  	s29 =	simm.s32 $0x14500;
	s30 =	simm.s32 $0x14600;
	s0 =	sand.u32 $0x1, s0  }
0x8: {  	[smem:$0x7FF] =	sst s6;
	s15 =	sadd.s32 $0x40, s15;
	s2 =	sor.u32 s0, s3  }
0x9: {  	p1 =	seq.s32 s0, $0x1;
	s17 =	ssub.s32 $0x2, s0;
	_ =	strace $0x80000047  }
0xa: {  	s21 =	sshll.u32 s0, $0x7;
	s13 =	sshll.u32 s0, $0x14;
	p0 =	seq.s32 s2, $0x0  }
0xb: {  	s7 =	sshrl.u32 s17, $0x1;
	[dreg:$0x6] =	wrdreg s21;
	p0 =	por !p0, !p1  }
0xc: {  	s2 =	simm.s32 $0x2;
	s11 =	ssub.s32 s17, s7;
	p0 =	por !p0, !p0  }
0xd: {  	s17 =	simm.s32 $0x0;
	s31 =	smax.u32 s11, $0x1;
	s5 =	simm.s32 @!p0 $0x0  }
0xe: {  	[dreg:$0xb] =	wrdreg s31;
	p0 =	sne.s32 s0, $0x0;
	s8 =	ssub.s32 s3, s5  }
0xf: {  	s5 =	simm.s32 $0x1;
	s3 =	simm.s32 $0x0;
	s18 =	sshll.u32 s8, $0x7  }
0x10: {  	s9 =	sshrl.u32 s8, $0x3;
	s7 =	sshll.u32 s8, $0x15;
	s10 =	sand.u32 $0x380, s18  }
0x11: {  	s19 =	sshll.u32 s9, $0x10;
	s9 =	sshll.u32 s9, $0xB;
	s23 =	sor.u32 s13, s7  }
0x12: {  	s13 =	sshll.u32 s8, $0x10;
	s18 =	simm.s32 $0x400;
	s20 =	sor.u32 s10, s19  }
0x13: {  	s9 =	sor.u32 s10, s9;
	s24 =	sshrl.u32 s23, $0x3;
	s12 =	sshrl.u32 s20, $0x3  }
0x14: {  	s23 =	simm.s32 $0x14000;
	s25 =	sshrl.u32 s9, $0x3;
	s22 =	sadd.s32 s4, s12  }
0x15: {  	s20 =	simm.s32 $0x200;
	s1 =	sadd.s32 s1, s12;
	[dreg:$0x7] =	wrdreg s22  }
0x16: {  	s26 =	sadd.s32 s16, s25;
	s12 =	sadd.s32 $0x40, s14;
	[dreg:$0x8] =	wrdreg s1  }
0x17: {  	s1 =	sadd.s32 s14, s24;
	[dreg:$0xa] =	wrdreg s26;
	s14 =	sor.u32 $0x10000, s7  }
0x18: {  	v0 =	vimm.f32 $0.0e+00;
	v1 =	vimm.f32 $1.000000000e+00;
	s24 =	simm.s32 $0x14100;
	s26 =	simm.s32 $0x14300;
	[dreg:$0x9] =	wrdreg s1  }
.LBB2_1:
0x19: {  	[dreg:$0xc] =	wrdreg s3  }
0x1a: {  	s0 =	simm.s32 $0x0;
	s1 =	rddreg [dreg:$0x7];
	s10 =	simm.s32 $0x80  }
0x1b: {  	[tilespmem:s0], [sflag:$0x5] =	stream.strided.gather [hbm4b:s1+s10], $0x2000, s18, s10, $0x38;
	[tilespmem:$0x14F00] =	vst v63  }
0x1c: {  	s11 =	rddreg [dreg:$0x8];
	s16 =	simm.s32 $0x2000  }
0x1d: {  	[tilespmem:s16], [sflag:$0x5] =	stream.strided.gather [hbm4b:s11+s10], $0x2000, s18, s10, $0x38;
	[tilespmem:$0x14F00] =	vst v63  }
0x1e: {  	s19 =	rddreg [dreg:$0x9];
	s21 =	simm.s32 $0x4000;
	s22 =	simm.s32 $0x5  }
0x1f: {  	[tilespmem:s21], [sflag:$0x1] =	stream.strided.gather [hbm4b:s19+s20], $0x8000, s18, s20, $0x38;
	[tilespmem:$0x14F00] =	vst v63  }
0x20: {  	_ =	swait.ge [sflag:s22], $0x2000  }
0x21: {  	[sflag:s22] =	ssyncset.done $0x0  }
0x22: {  	[sflag:s22] =	ssyncadd.s32 $0xFFFFE000  }
0x23: {  	_ =	swait.ge [sflag:s22], $0x2000  }
0x24: {  	[sflag:s22] =	ssyncset.done $0x0  }
0x25: {  	[sflag:s22] =	ssyncadd.s32 $0xFFFFE000  }
0x26: {  	[tilespmem:$0x14000] =	vst v0  }
0x27: {  	[tilespmem:$0x14100] =	vst v0  }
0x28: {  	[tilespmem:$0x14010] =	vst v0  }
0x29: {  	[tilespmem:$0x14110] =	vst v0  }
0x2a: {  	[tilespmem:$0x14020] =	vst v0  }
0x2b: {  	[tilespmem:$0x14120] =	vst v0  }
0x2c: {  	[tilespmem:$0x14030] =	vst v0  }
0x2d: {  	[tilespmem:$0x14130] =	vst v0  }
0x2e: {  	[tilespmem:$0x14040] =	vst v0  }
0x2f: {  	[tilespmem:$0x14140] =	vst v0  }
0x30: {  	[tilespmem:$0x14050] =	vst v0  }
0x31: {  	[tilespmem:$0x14150] =	vst v0  }
0x32: {  	[tilespmem:$0x14060] =	vst v0  }
0x33: {  	[tilespmem:$0x14160] =	vst v0  }
0x34: {  	[tilespmem:$0x14070] =	vst v0  }
0x35: {  	[tilespmem:$0x14170] =	vst v0  }
0x36: {  	[tilespmem:$0x14080] =	vst v0  }
0x37: {  	[tilespmem:$0x14180] =	vst v0  }
0x38: {  	[tilespmem:$0x14090] =	vst v0  }
0x39: {  	[tilespmem:$0x14190] =	vst v0  }
0x3a: {  	[tilespmem:$0x140A0] =	vst v0  }
0x3b: {  	[tilespmem:$0x141A0] =	vst v0  }
0x3c: {  	[tilespmem:$0x140B0] =	vst v0  }
0x3d: {  	[tilespmem:$0x141B0] =	vst v0  }
0x3e: {  	[tilespmem:$0x140C0] =	vst v0  }
0x3f: {  	[tilespmem:$0x141C0] =	vst v0  }
0x40: {  	[tilespmem:$0x140D0] =	vst v0  }
0x41: {  	[tilespmem:$0x141D0] =	vst v0  }
0x42: {  	[tilespmem:$0x140E0] =	vst v0  }
0x43: {  	[tilespmem:$0x141E0] =	vst v0  }
0x44: {  	[tilespmem:$0x140F0] =	vst v0  }
0x45: {  	s25 =	simm.s32 $0x10;
	[tilespmem:$0x141F0] =	vst v0  }
0x46: {  	v2 =	vld [tilespmem:s25+$0x0]  }
0x47: {  	v3 =	vld [tilespmem:s25+$0xFFFFFFF0];
	_ =	sdelay $0x3  }
0x48: {  	s31 =	simm.s32 $0x30  }
0x49: {  	v5 =	vld [tilespmem:s31+$0x0]  }
0x4a: {  	v4 =	vld [tilespmem:s31+$0xFFFFFFF0]  }
0x4b: {  	[tilespmem:v2+s23+$0x0] =	vst.idx.add.f32.msk $0xffff, v1  }
0x4c: {  	s1 =	simm.s32 $0x2010;
	[tilespmem:v3+s23+$0x0] =	vst.idx.add.f32.msk $0xffff, v1  }
0x4d: {  	v6 =	vld [tilespmem:s1+$0x0]  }
0x4e: {  	s4 =	simm.s32 $0x2;
	s8 =	simm.s32 $0x50;
	v7 =	vld [tilespmem:s1+$0xFFFFFFF0]  }
.LBB2_2:
0x4f: {  	v8 =	vld [tilespmem:s8+$0x0];
	s4 =	sadd.s32 $0x2, s4;
	s1 =	sadd.s32 $0x20, s1  }
0x50: {  	v9 =	vld [tilespmem:s8+$0xFFFFFFF0];
	p1 =	slt.u32 s4, $0x1FE  }
0x51: {  	[tilespmem:v5+s23+$0x0] =	vst.idx.add.f32.msk $0xffff, v1  }
.Ltmp0:
0x52: {  	[tilespmem:v2+s24+$0x0] =	vst.idx.add.f32.msk $0xffff, v6;
	v2 =	vmov v5;
	(pc) =	sbr.rel @p1 .LBB2_2-.Ltmp0, $4  }
0x53: {  	[tilespmem:v3+s24+$0x0] =	vst.idx.add.f32.msk $0xffff, v7;
	v3 =	vmov v4  }
0x54: {  	[tilespmem:v4+s23+$0x0] =	vst.idx.add.f32.msk $0xffff, v1;
	v5 =	vmov v8  }
0x55: {  	v6 =	vld [tilespmem:s1+$0x0];
	v4 =	vmov v9  }
0x56: {  	s8 =	sadd.s32 $0x20, s8;
	v7 =	vld [tilespmem:s1+$0xFFFFFFF0]  }
0x57: {  	_ =	sdelay $0x3  }
0x58: {  	[tilespmem:v5+s23+$0x0] =	vst.idx.add.f32.msk $0xffff, v1  }
0x59: {  	s1 =	sadd.s32 $0x20, s1;
	[tilespmem:v4+s23+$0x0] =	vst.idx.add.f32.msk $0xffff, v1  }
0x5a: {  	v8 =	vld [tilespmem:s1+$0x0]  }
0x5b: {  	v9 =	vld [tilespmem:s1+$0xFFFFFFF0];
	_ =	sdelay $0x1  }
0x5c: {  	[tilespmem:v2+s24+$0x0] =	vst.idx.add.f32.msk $0xffff, v6  }
0x5d: {  	[tilespmem:v3+s24+$0x0] =	vst.idx.add.f32.msk $0xffff, v7  }
0x5e: {  	[tilespmem:v5+s24+$0x0] =	vst.idx.add.f32.msk $0xffff, v8  }
0x5f: {  	[tilespmem:v4+s24+$0x0] =	vst.idx.add.f32.msk $0xffff, v9  }
0x60: {  	v2 =	vld [tilespmem:$0x14000]  }
0x61: {  	v3 =	vld [tilespmem:$0x14010];
	_ =	sdelay $0x3  }
0x62: {  	v5 =	vld [tilespmem:$0x14020];
	v35 =	vmax.f32 v2, $1.000000000e+00  }
0x63: {  	v6 =	vld [tilespmem:$0x14030];
	v36 =	vmax.f32 v3, $1.000000000e+00;
	(erf) = vrcp.f32 v35  }
0x64: {  	(erf) = vrcp.f32 v36  }
0x65: {  	v7 =	vld [tilespmem:$0x14040]  }
0x66: {  	v8 =	vld [tilespmem:$0x14100]  }
0x67: {  	v9 =	vld [tilespmem:$0x14050];
	v37 =	vmax.f32 v5, $1.000000000e+00  }
0x68: {  	v10 =	vld [tilespmem:$0x14110];
	v38 =	vmax.f32 v6, $1.000000000e+00;
	(erf) = vrcp.f32 v37  }
0x69: {  	v12 =	vld [tilespmem:$0x14060];
	(erf) = vrcp.f32 v38  }
0x6a: {  	v42 =	vld [tilespmem:$0x14070];
	v11 =	vmax.f32 v7, $1.000000000e+00  }
0x6b: {  	v17 =	vld [tilespmem:$0x14080];
	(erf) = vrcp.f32 v11  }
0x6c: {  	v20 =	vld [tilespmem:$0x14090];
	v15 =	vmax.f32 v9, $1.000000000e+00;
	v39 =	vpop (erf)  }
0x6d: {  	v13 =	vld [tilespmem:$0x14120];
	v40 =	vpop (erf);
	(erf) = vrcp.f32 v15  }
0x6e: {  	v14 =	vld [tilespmem:$0x14130]  }
0x6f: {  	v16 =	vmax.f32 v12, $1.000000000e+00  }
0x70: {  	v19 =	vld [tilespmem:$0x14140];
	v48 =	vmax.f32 v42, $1.000000000e+00;
	v51 =	vmax.f32 v17, $1.000000000e+00;
	v8 =	vmul.f32 v39, v8  }
0x71: {  	v57 =	vmax.f32 v20, $1.000000000e+00;
	v41 =	vmul.f32 v40, v10;
	v44 =	vpop (erf);
	(erf) = vrcp.f32 v16  }
0x72: {  	v46 =	vld [tilespmem:$0x14150];
	vm0 =	vgt.f32 v8, $5.000000000e-01;
	v13 =	vmul.f32 v44, v13;
	v45 =	vpop (erf);
	(erf) = vrcp.f32 v48  }
0x73: {  	v43 =	vsel vm0, $0x3F800000, v0;
	vm13 =	vgt.f32 v41, $5.000000000e-01;
	v47 =	vmul.f32 v45, v14  }
0x74: {  	v21 =	vld [tilespmem:$0x140A0];
	v50 =	vpop (erf);
	(erf) = vrcp.f32 v51;
	v4 =	vmul.f32 v43, v39;
	v18 =	vsel vm13, $0x3F800000, v0  }
0x75: {  	v25 =	vld [tilespmem:$0x140E0];
	v2 =	vmul.f32 v43, v2;
	vm14 =	vgt.f32 v13, $5.000000000e-01;
	v19 =	vmul.f32 v50, v19  }
0x76: {  	v11 =	vmul.f32 v18, v40;
	v3 =	vmul.f32 v18, v3;
	v49 =	vsel vm14, $0x3F800000, v0;
	v18 =	vld [tilespmem:$0x140B0];
	v55 =	vpop (erf)  }
0x77: {  	vm15 =	vgt.f32 v47, $5.000000000e-01;
	[tilespmem:$0x14700] =	vst v2;
	vm4 =	vgt.f32 v19, $5.000000000e-01;
	v19 =	vld [tilespmem:$0x140C0];
	v2 =	vmul.f32 v55, v46  }
0x78: {  	v52 =	vld [tilespmem:$0x14160];
	v8 =	vmul.f32 v49, v44;
	v22 =	vsel vm15, $0x3F800000, v0;
	[tilespmem:$0x14200] =	vst v4;
	(erf) = vrcp.f32 v57  }
0x79: {  	v60 =	vmax.f32 v21, $1.000000000e+00;
	v54 =	vmul.f32 v22, v45;
	[tilespmem:$0x14210] =	vst v11;
	v6 =	vmul.f32 v22, v6;
	v22 =	vld [tilespmem:$0x140D0]  }
0x7a: {  	v56 =	vld [tilespmem:$0x14170];
	v38 =	vmax.f32 v25, $1.000000000e+00;
	v53 =	vmul.f32 v49, v5;
	v58 =	vsel vm4, $0x3F800000, v0;
	[tilespmem:$0x14710] =	vst v3  }
0x7b: {  	v59 =	vld [tilespmem:$0x14180];
	v3 =	vmul.f32 v58, v50;
	[tilespmem:$0x14220] =	vst v8;
	vm5 =	vgt.f32 v2, $5.000000000e-01;
	v2 =	vpop (erf);
	(erf) = vrcp.f32 v60  }
0x7c: {  	[tilespmem:$0x14720] =	vst v53;
	v62 =	vmul.f32 v58, v7;
	v15 =	vmax.f32 v18, $1.000000000e+00;
	v29 =	vmax.f32 v19, $1.000000000e+00  }
0x7d: {  	[tilespmem:$0x14230] =	vst v54;
	v61 =	vsel vm5, $0x3F800000, v0;
	v14 =	vmul.f32 v2, v52;
	v24 =	vpop (erf);
	(erf) = vrcp.f32 v15  }
0x7e: {  	v28 =	vld [tilespmem:$0x14190];
	[tilespmem:$0x14730] =	vst v6;
	v33 =	vmax.f32 v22, $1.000000000e+00;
	v63 =	vmul.f32 v61, v55;
	v23 =	vmul.f32 v61, v9  }
0x7f: {  	v30 =	vld [tilespmem:$0x140F0];
	[tilespmem:$0x14240] =	vst v3;
	v27 =	vmul.f32 v24, v56;
	v3 =	vpop (erf);
	(erf) = vrcp.f32 v29;
	vm6 =	vgt.f32 v14, $5.000000000e-01  }
0x80: {  	v32 =	vld [tilespmem:$0x141A0];
	[tilespmem:$0x14740] =	vst v62;
	v31 =	vmul.f32 v3, v59;
	(erf) = vrcp.f32 v33;
	v26 =	vsel vm6, $0x3F800000, v0  }
0x81: {  	[tilespmem:$0x14250] =	vst v63;
	vm7 =	vgt.f32 v27, $5.000000000e-01;
	v36 =	vpop (erf);
	(erf) = vrcp.f32 v38;
	v2 =	vmul.f32 v26, v2  }
0x82: {  	v37 =	vld [tilespmem:$0x141B0];
	[tilespmem:$0x14750] =	vst v23;
	v6 =	vmul.f32 v26, v12;
	v34 =	vsel vm7, $0x3F800000, v0;
	vm8 =	vgt.f32 v31, $5.000000000e-01  }
0x83: {  	v39 =	vmul.f32 v36, v28;
	v35 =	vmul.f32 v34, v24;
	[tilespmem:$0x14260] =	vst v2;
	v2 =	vsel vm8, $0x3F800000, v0  }
0x84: {  	v43 =	vmax.f32 v30, $1.000000000e+00;
	v40 =	vmul.f32 v34, v42;
	v42 =	vld [tilespmem:$0x141C0];
	[tilespmem:$0x14760] =	vst v6;
	v3 =	vmul.f32 v2, v3;
	v41 =	vpop (erf)  }
0x85: {  	vm9 =	vgt.f32 v39, $5.000000000e-01;
	[tilespmem:$0x14270] =	vst v35;
	(erf) = vrcp.f32 v43;
	v44 =	vmul.f32 v41, v32  }
0x86: {  	v47 =	vld [tilespmem:$0x141D0];
	[tilespmem:$0x14770] =	vst v40;
	v2 =	vmul.f32 v2, v17;
	v46 =	vsel vm9, $0x3F800000, v0;
	v45 =	vpop (erf)  }
0x87: {  	[tilespmem:$0x14280] =	vst v3;
	v3 =	vmul.f32 v46, v36;
	v48 =	vmul.f32 v45, v37;
	vm10 =	vgt.f32 v44, $5.000000000e-01  }
0x88: {  	v51 =	vld [tilespmem:$0x141E0];
	[tilespmem:$0x14900] =	vst v2;
	v2 =	vmul.f32 v46, v20;
	v49 =	vpop (erf);
	v50 =	vsel vm10, $0x3F800000, v0  }
0x89: {  	[tilespmem:$0x14290] =	vst v3;
	v52 =	vmul.f32 v49, v42;
	vm11 =	vgt.f32 v48, $5.000000000e-01;
	v3 =	vmul.f32 v50, v41  }
0x8a: {  	v55 =	vld [tilespmem:$0x141F0];
	v53 =	vpop (erf);
	[tilespmem:$0x14910] =	vst v2;
	v2 =	vmul.f32 v50, v21;
	v54 =	vsel vm11, $0x3F800000, v0  }
0x8b: {  	v56 =	vmul.f32 v53, v47;
	vm12 =	vgt.f32 v52, $5.000000000e-01;
	[tilespmem:$0x142A0] =	vst v3;
	v3 =	vmul.f32 v54, v45  }
0x8c: {  	v57 =	vpop (erf);
	v58 =	vsel vm12, $0x3F800000, v0;
	[tilespmem:$0x14920] =	vst v2;
	v2 =	vmul.f32 v54, v18  }
0x8d: {  	v59 =	vmul.f32 v57, v51;
	vm13 =	vgt.f32 v56, $5.000000000e-01;
	[tilespmem:$0x142B0] =	vst v3;
	v3 =	vmul.f32 v58, v49  }
0x8e: {  	v60 =	vsel vm13, $0x3F800000, v0;
	[tilespmem:$0x14930] =	vst v2;
	v2 =	vmul.f32 v58, v19;
	v61 =	vpop (erf)  }
0x8f: {  	vm14 =	vgt.f32 v59, $5.000000000e-01;
	v62 =	vmul.f32 v61, v55;
	[tilespmem:$0x142C0] =	vst v3;
	v3 =	vmul.f32 v60, v53  }
0x90: {  	v63 =	vsel vm14, $0x3F800000, v0;
	[tilespmem:$0x14940] =	vst v2;
	v2 =	vmul.f32 v60, v22  }
0x91: {  	vm15 =	vgt.f32 v62, $5.000000000e-01;
	[tilespmem:$0x142D0] =	vst v3;
	v3 =	vmul.f32 v63, v57  }
0x92: {  	[tilespmem:$0x14950] =	vst v2;
	v2 =	vmul.f32 v63, v25;
	v4 =	vsel vm15, $0x3F800000, v0  }
0x93: {  	[tilespmem:$0x142E0] =	vst v3;
	v3 =	vmul.f32 v4, v61  }
0x94: {  	[tilespmem:$0x14960] =	vst v2;
	v2 =	vmul.f32 v4, v30  }
0x95: {  	[tilespmem:$0x142F0] =	vst v3  }
0x96: {  	s4 =	simm.s32 @!p0 $0x14700;
	s1 =	simm.s32 @!p0 $0x0;
	s0 =	rddreg [dreg:$0xa];
	[tilespmem:$0x14970] =	vst v2  }
0x97: {  	[hbm4b:s0+s1] =	stream.linear.scatter @!p0 [tilespmem:s4], [sflag:$0x6], $0x80, $0x38;
	[tilespmem:$0x14F00] =	vst v63  }
0x98: {  	s8 =	simm.s32 @!p0 $0x14900;
	s4 =	sadd.s32 @!p0 $0x80, s0  }
0x99: {  	[hbm4b:s4+s1] =	stream.linear.scatter @!p0 [tilespmem:s8], [sflag:$0x6], $0x80, $0x38;
	[tilespmem:$0x14F00] =	vst v63  }
0x9a: {  	s1 =	simm.s32 @!p0 $0x6  }
0x9b: {  	_ =	swait.ge @!p0 [sflag:s1], $0x100  }
0x9c: {  	[sflag:s1] =	ssyncset.done @!p0 $0x0  }
0x9d: {  	s8 =	simm.s32 $0x0;
	[sflag:s1] =	ssyncadd.s32 @!p0 $0xFFFFFF00  }
.LBB2_4:
0x9e: {  	s1 =	sshll.u32 s8, $0x3;
	s0 =	rddreg [dreg:$0x6]  }
0x9f: {  	s10 =	sadd.s32 s0, s1  }
0xa0: {  	s9 =	sshll.u32 s10, $0xD  }
0xa1: {  	_ =	swait.ge [sflag:s5], $0x8000;
	s21 =	sor.u32 s7, s9  }
0xa2: {  	[sflag:s5] =	ssyncset.done $0x0;
	s1 =	sshrl.u32 s21, $0x3  }
0xa3: {  	s22 =	simm.s32 $0xC000;
	[sflag:s5] =	ssyncadd.s32 $0xFFFF8000;
	s1 =	sadd.s32 s1, s12  }
0xa4: {  	[tilespmem:s22], [sflag:$0x2] =	stream.strided.gather [hbm4b:s1+s20], $0x8000, s18, s20, $0x38;
	[tilespmem:$0x14F00] =	vst v63  }
0xa5: {  	[tilespmem:$0x14300] =	vst v0  }
0xa6: {  	[tilespmem:$0x14310] =	vst v0  }
0xa7: {  	[tilespmem:$0x14320] =	vst v0  }
0xa8: {  	[tilespmem:$0x14330] =	vst v0  }
0xa9: {  	[tilespmem:$0x14340] =	vst v0  }
0xaa: {  	[tilespmem:$0x14350] =	vst v0  }
0xab: {  	[tilespmem:$0x14360] =	vst v0  }
0xac: {  	[tilespmem:$0x14370] =	vst v0  }
0xad: {  	[tilespmem:$0x14380] =	vst v0  }
0xae: {  	[tilespmem:$0x14390] =	vst v0  }
0xaf: {  	[tilespmem:$0x143A0] =	vst v0  }
0xb0: {  	[tilespmem:$0x143B0] =	vst v0  }
0xb1: {  	[tilespmem:$0x143C0] =	vst v0  }
0xb2: {  	[tilespmem:$0x143D0] =	vst v0  }
0xb3: {  	[tilespmem:$0x143E0] =	vst v0  }
0xb4: {  	[tilespmem:$0x143F0] =	vst v0  }
0xb5: {  	[tilespmem:$0x14400] =	vst v0  }
0xb6: {  	[tilespmem:$0x14410] =	vst v0  }
0xb7: {  	[tilespmem:$0x14420] =	vst v0  }
0xb8: {  	[tilespmem:$0x14430] =	vst v0  }
0xb9: {  	[tilespmem:$0x14440] =	vst v0  }
0xba: {  	[tilespmem:$0x14450] =	vst v0  }
0xbb: {  	[tilespmem:$0x14460] =	vst v0  }
0xbc: {  	[tilespmem:$0x14470] =	vst v0  }
0xbd: {  	[tilespmem:$0x14480] =	vst v0  }
0xbe: {  	[tilespmem:$0x14490] =	vst v0  }
0xbf: {  	[tilespmem:$0x144A0] =	vst v0  }
0xc0: {  	[tilespmem:$0x144B0] =	vst v0  }
0xc1: {  	[tilespmem:$0x144C0] =	vst v0  }
0xc2: {  	[tilespmem:$0x144D0] =	vst v0  }
0xc3: {  	[tilespmem:$0x144E0] =	vst v0  }
0xc4: {  	[tilespmem:$0x144F0] =	vst v0  }
0xc5: {  	[tilespmem:$0x14500] =	vst v0  }
0xc6: {  	[tilespmem:$0x14510] =	vst v0  }
0xc7: {  	[tilespmem:$0x14520] =	vst v0  }
0xc8: {  	[tilespmem:$0x14530] =	vst v0  }
0xc9: {  	[tilespmem:$0x14540] =	vst v0  }
0xca: {  	[tilespmem:$0x14550] =	vst v0  }
0xcb: {  	[tilespmem:$0x14560] =	vst v0  }
0xcc: {  	[tilespmem:$0x14570] =	vst v0  }
0xcd: {  	[tilespmem:$0x14580] =	vst v0  }
0xce: {  	[tilespmem:$0x14590] =	vst v0  }
0xcf: {  	[tilespmem:$0x145A0] =	vst v0  }
0xd0: {  	[tilespmem:$0x145B0] =	vst v0  }
0xd1: {  	[tilespmem:$0x145C0] =	vst v0  }
0xd2: {  	[tilespmem:$0x145D0] =	vst v0  }
0xd3: {  	[tilespmem:$0x145E0] =	vst v0  }
0xd4: {  	[tilespmem:$0x145F0] =	vst v0  }
0xd5: {  	[tilespmem:$0x14600] =	vst v0  }
0xd6: {  	[tilespmem:$0x14610] =	vst v0  }
0xd7: {  	[tilespmem:$0x14620] =	vst v0  }
0xd8: {  	[tilespmem:$0x14630] =	vst v0  }
0xd9: {  	[tilespmem:$0x14640] =	vst v0  }
0xda: {  	[tilespmem:$0x14650] =	vst v0  }
0xdb: {  	[tilespmem:$0x14660] =	vst v0  }
0xdc: {  	[tilespmem:$0x14670] =	vst v0  }
0xdd: {  	[tilespmem:$0x14680] =	vst v0  }
0xde: {  	[tilespmem:$0x14690] =	vst v0  }
0xdf: {  	[tilespmem:$0x146A0] =	vst v0  }
0xe0: {  	[tilespmem:$0x146B0] =	vst v0  }
0xe1: {  	[tilespmem:$0x146C0] =	vst v0  }
0xe2: {  	s25 =	sand.u32 $0x60, s17;
	[tilespmem:$0x146D0] =	vst v0  }
0xe3: {  	s11 =	sand.u32 $0x1F80, s17;
	s4 =	sor.u32 $0x10, s25;
	[tilespmem:$0x146E0] =	vst v0  }
0xe4: {  	s16 =	sand.u32 $0x7E00, s17;
	s11 =	sor.u32 s4, s11;
	[tilespmem:$0x146F0] =	vst v0  }
0xe5: {  	s31 =	sadd.s32 $0x4000, s16;
	v5 =	vld [tilespmem:s11+$0x0]  }
0xe6: {  	s4 =	sor.u32 s4, s31  }
0xe7: {  	s0 =	simm.s32 $0x0;
	v3 =	vld [tilespmem:s4+$0x0]  }
0xe8: {  	v2 =	vld [tilespmem:s0+$0x0];
	_ =	sdelay $0x1  }
0xe9: {  	s1 =	sor.u32 s25, s31  }
0xea: {  	v4 =	vld [tilespmem:s1+$0x0];
	_ =	sdelay $0x1  }
0xeb: {  	[tilespmem:v5+s26+$0x0] =	vst.idx.add.f32.msk $0xffff, v3  }
0xec: {  	v3 =	vld [tilespmem:s4+$0x80]  }
0xed: {  	s3 =	simm.s32 $0x20  }
0xee: {  	s19 =	sand.u32 $0x60, s3;
	s11 =	sand.u32 $0x1F80, s3;
	s3 =	simm.s32 $0x20;
	[tilespmem:v2+s26+$0x0] =	vst.idx.add.f32.msk $0xffff, v4  }
0xef: {  	v4 =	vld [tilespmem:s3+$0x0]  }
0xf0: {  	s16 =	simm.s32 $0x80;
	v7 =	vld [tilespmem:s1+$0x80]  }
0xf1: {  	s21 =	sor.u32 $0x10, s19;
	s22 =	sand.u32 $0x7E00, s16;
	[tilespmem:v5+s28+$0x0] =	vst.idx.add.f32.msk $0xffff, v3  }
0xf2: {  	s22 =	sadd.s32 $0x4000, s22;
	s11 =	sor.u32 s21, s11;
	v6 =	vld [tilespmem:s4+$0x100]  }
0xf3: {  	s6 =	sand.u32 $0x3, s17;
	s19 =	sor.u32 s19, s22;
	v3 =	vld [tilespmem:s11+$0x0]  }
0xf4: {  	s21 =	sor.u32 s21, s22;
	v9 =	vld [tilespmem:s19+$0x0];
	s4 =	sshll.u32 s6, $0x5  }
0xf5: {  	v8 =	vld [tilespmem:s21+$0x0];
	s25 =	sadd.s32 $0x0, s4  }
0xf6: {  	[tilespmem:v2+s28+$0x0] =	vst.idx.add.f32.msk $0xffff, v7;
	s4 =	sadd.s32 $0x10, s25  }
0xf7: {  	s4 =	sor.u32 $0x180, s4;
	[tilespmem:v5+s29+$0x0] =	vst.idx.add.f32.msk $0xffff, v6  }
0xf8: {  	v6 =	vld [tilespmem:s4+$0x4000]  }
0xf9: {  	v10 =	vld [tilespmem:s1+$0x100]  }
0xfa: {  	[tilespmem:v4+s26+$0x0] =	vst.idx.add.f32.msk $0xffff, v9  }
0xfb: {  	[tilespmem:v3+s26+$0x0] =	vst.idx.add.f32.msk $0xffff, v8  }
0xfc: {  	v7 =	vld [tilespmem:s21+$0x80]  }
0xfd: {  	[tilespmem:v5+s30+$0x0] =	vst.idx.add.f32.msk $0xffff, v6  }
0xfe: {  	v6 =	vld [tilespmem:s19+$0x80]  }
0xff: {  	s22 =	simm.s32 $0x1;
	s31 =	sor.u32 $0x180, s25;
	[tilespmem:v2+s29+$0x0] =	vst.idx.add.f32.msk $0xffff, v10  }
0x100: {  	s11 =	simm.s32 $0x2;
	s1 =	simm.s32 $0x80;
	s4 =	simm.s32 $0x40;
	v5 =	vld [tilespmem:s31+$0x4000]  }
.LBB2_5:
0x101: {  	s3 =	sand.u32 $0x60, s4;
	s25 =	sand.u32 $0x3, s22;
	[tilespmem:v3+s28+$0x0] =	vst.idx.add.f32.msk $0xffff, v7;
	s16 =	sadd.s32 $0x80, s16  }
0x102: {  	s0 =	sand.u32 $0x1F80, s4;
	s11 =	sadd.s32 $0x2, s11;
	s31 =	sor.u32 $0x10, s3;
	v7 =	vld [tilespmem:s21+$0x100]  }
0x103: {  	s21 =	sand.u32 $0x7E00, s16;
	p1 =	slt.u32 s11, $0x1FE;
	s0 =	sor.u32 s31, s0;
	[tilespmem:v4+s28+$0x0] =	vst.idx.add.f32.msk $0xffff, v6  }
0x104: {  	s6 =	sshra.s32 s16, $0x2;
	s21 =	sadd.s32 $0x4000, s21;
	v6 =	vld [tilespmem:s0+$0x0];
	s0 =	sshll.u32 s25, $0x5  }
0x105: {  	s3 =	sor.u32 s3, s21;
	s21 =	sor.u32 s31, s21;
	v8 =	vld [tilespmem:s6+$0x0];
	s0 =	sadd.s32 s0, s1  }
0x106: {  	s1 =	smov.u32 s16;
	v9 =	vld [tilespmem:s21+$0x0];
	s6 =	sor.u32 $0x180, s0;
	s0 =	sadd.s32 $0x10, s0  }
0x107: {  	[tilespmem:v3+s29+$0x0] =	vst.idx.add.f32.msk $0xffff, v7;
	s0 =	sor.u32 $0x180, s0  }
0x108: {  	v7 =	vld [tilespmem:s0+$0x4000]  }
0x109: {  	v10 =	vld [tilespmem:s3+$0x0]  }
0x10a: {  	v11 =	vld [tilespmem:s19+$0x100];
	s19 =	smov.u32 s3  }
0x10b: {  	[tilespmem:v2+s30+$0x0] =	vst.idx.add.f32.msk $0xffff, v5;
	v2 =	vmov v4;
	v4 =	vmov v8  }
0x10c: {  	[tilespmem:v6+s26+$0x0] =	vst.idx.add.f32.msk $0xffff, v9  }
0x10d: {  	[tilespmem:v3+s30+$0x0] =	vst.idx.add.f32.msk $0xffff, v7;
	v3 =	vmov v6  }
.Ltmp1:
0x10e: {  	v7 =	vld [tilespmem:s21+$0x80];
	(pc) =	sbr.rel @p1 .LBB2_5-.Ltmp1, $4  }
0x10f: {  	[tilespmem:v8+s26+$0x0] =	vst.idx.add.f32.msk $0xffff, v10  }
0x110: {  	v6 =	vld [tilespmem:s19+$0x80]  }
0x111: {  	[tilespmem:v2+s29+$0x0] =	vst.idx.add.f32.msk $0xffff, v11  }
0x112: {  	s4 =	sadd.s32 $0x20, s4;
	s22 =	sadd.s32 $0x1, s22;
	v5 =	vld [tilespmem:s6+$0x4000]  }
0x113: {  	_ =	sdelay $0x3  }
0x114: {  	[tilespmem:v3+s28+$0x0] =	vst.idx.add.f32.msk $0xffff, v7  }
0x115: {  	v7 =	vld [tilespmem:s21+$0x100]  }
0x116: {  	s0 =	sand.u32 $0x3, s22;
	[tilespmem:v4+s28+$0x0] =	vst.idx.add.f32.msk $0xffff, v6  }
0x117: {  	s0 =	sshll.u32 s0, $0x5;
	v6 =	vld [tilespmem:s19+$0x100]  }
0x118: {  	s0 =	sadd.s32 s0, s1  }
0x119: {  	s1 =	sadd.s32 $0x10, s0  }
0x11a: {  	s1 =	sor.u32 $0x180, s1;
	[tilespmem:v3+s29+$0x0] =	vst.idx.add.f32.msk $0xffff, v7  }
0x11b: {  	v7 =	vld [tilespmem:s1+$0x4000]  }
0x11c: {  	s0 =	sor.u32 $0x180, s0;
	[tilespmem:v4+s29+$0x0] =	vst.idx.add.f32.msk $0xffff, v6  }
0x11d: {  	v6 =	vld [tilespmem:s0+$0x4000];
	_ =	sdelay $0x2  }
0x11e: {  	[tilespmem:v2+s30+$0x0] =	vst.idx.add.f32.msk $0xffff, v5  }
0x11f: {  	p1 =	seq.s32 s8, $0x0;
	[tilespmem:v3+s30+$0x0] =	vst.idx.add.f32.msk $0xffff, v7  }
0x120: {  	s0 =	simm.s32 @!p1 $0x3;
	[tilespmem:v4+s30+$0x0] =	vst.idx.add.f32.msk $0xffff, v6  }
0x121: {  	_ =	swait.ge @!p1 [sflag:s0], $0x400  }
0x122: {  	[sflag:s0] =	ssyncset.done @!p1 $0x0  }
0x123: {  	[sflag:s0] =	ssyncadd.s32 @!p1 $0xFFFFFC00  }
0x124: {  	v2 =	vld [tilespmem:$0x14300]  }
0x125: {  	v3 =	vld [tilespmem:$0x14200]  }
0x126: {  	v4 =	vld [tilespmem:$0x14310]  }
0x127: {  	v5 =	vld [tilespmem:$0x14210]  }
0x128: {  	v6 =	vld [tilespmem:$0x14320]  }
0x129: {  	v7 =	vld [tilespmem:$0x14220]  }
0x12a: {  	v8 =	vld [tilespmem:$0x14330]  }
0x12b: {  	v9 =	vld [tilespmem:$0x14230]  }
0x12c: {  	v10 =	vld [tilespmem:$0x14340]  }
0x12d: {  	v11 =	vld [tilespmem:$0x14240]  }
0x12e: {  	v12 =	vld [tilespmem:$0x14350]  }
0x12f: {  	v13 =	vld [tilespmem:$0x14250]  }
0x130: {  	v14 =	vld [tilespmem:$0x14360]  }
0x131: {  	v15 =	vld [tilespmem:$0x14260]  }
0x132: {  	v16 =	vld [tilespmem:$0x14370]  }
0x133: {  	v17 =	vld [tilespmem:$0x14270]  }
0x134: {  	v18 =	vld [tilespmem:$0x14380]  }
0x135: {  	v19 =	vld [tilespmem:$0x14280]  }
0x136: {  	v20 =	vld [tilespmem:$0x14390]  }
0x137: {  	v21 =	vld [tilespmem:$0x14290]  }
0x138: {  	v22 =	vld [tilespmem:$0x143A0]  }
0x139: {  	v23 =	vld [tilespmem:$0x142A0]  }
0x13a: {  	v24 =	vld [tilespmem:$0x143B0]  }
0x13b: {  	v25 =	vld [tilespmem:$0x142B0]  }
0x13c: {  	v26 =	vld [tilespmem:$0x143C0]  }
0x13d: {  	v27 =	vld [tilespmem:$0x142C0]  }
0x13e: {  	v28 =	vld [tilespmem:$0x143D0]  }
0x13f: {  	v29 =	vld [tilespmem:$0x142D0]  }
0x140: {  	v30 =	vld [tilespmem:$0x143E0]  }
0x141: {  	v31 =	vld [tilespmem:$0x142E0]  }
0x142: {  	v32 =	vld [tilespmem:$0x143F0]  }
0x143: {  	v33 =	vld [tilespmem:$0x142F0]  }
0x144: {  	v34 =	vld [tilespmem:$0x14400]  }
0x145: {  	v35 =	vld [tilespmem:$0x14200]  }
0x146: {  	v36 =	vld [tilespmem:$0x14410]  }
0x147: {  	v37 =	vld [tilespmem:$0x14210]  }
0x148: {  	v38 =	vld [tilespmem:$0x14420]  }
0x149: {  	v39 =	vld [tilespmem:$0x14220]  }
0x14a: {  	v40 =	vld [tilespmem:$0x14430]  }
0x14b: {  	v41 =	vld [tilespmem:$0x14230]  }
0x14c: {  	v42 =	vld [tilespmem:$0x14440]  }
0x14d: {  	v43 =	vld [tilespmem:$0x14240]  }
0x14e: {  	v44 =	vld [tilespmem:$0x14450]  }
0x14f: {  	v45 =	vld [tilespmem:$0x14250]  }
0x150: {  	v46 =	vld [tilespmem:$0x14460]  }
0x151: {  	v47 =	vld [tilespmem:$0x14260]  }
0x152: {  	v48 =	vld [tilespmem:$0x14470]  }
0x153: {  	v49 =	vld [tilespmem:$0x14270]  }
0x154: {  	v50 =	vld [tilespmem:$0x14480]  }
0x155: {  	v51 =	vld [tilespmem:$0x14280]  }
0x156: {  	v52 =	vld [tilespmem:$0x14490]  }
0x157: {  	v53 =	vld [tilespmem:$0x14290]  }
0x158: {  	v54 =	vld [tilespmem:$0x144A0]  }
0x159: {  	v55 =	vld [tilespmem:$0x142A0]  }
0x15a: {  	v56 =	vld [tilespmem:$0x144B0]  }
0x15b: {  	v57 =	vld [tilespmem:$0x142B0]  }
0x15c: {  	v62 =	vld [tilespmem:$0x144E0]  }
0x15d: {  	v58 =	vld [tilespmem:$0x144C0]  }
0x15e: {  	v59 =	vld [tilespmem:$0x142C0]  }
0x15f: {  	v60 =	vld [tilespmem:$0x144D0]  }
0x160: {  	v61 =	vld [tilespmem:$0x142D0];
	v2 =	vmul.f32 v3, v2  }
0x161: {  	[tilespmem:$0x1FF80] =	vst v62;
	v62 =	vld [tilespmem:$0x144F0];
	v4 =	vmul.f32 v5, v4  }
0x162: {  	v63 =	vld [tilespmem:$0x142E0];
	[tilespmem:$0x14700] =	vst v2;
	v2 =	vmul.f32 v7, v6  }
0x163: {  	v3 =	vld [tilespmem:$0x14220];
	[tilespmem:$0x14710] =	vst v4;
	v4 =	vmul.f32 v9, v8  }
0x164: {  	v5 =	vld [tilespmem:$0x14530];
	[tilespmem:$0x14720] =	vst v2  }
0x165: {  	v6 =	vld [tilespmem:$0x14230];
	v2 =	vmul.f32 v11, v10;
	[tilespmem:$0x14730] =	vst v4  }
0x166: {  	v4 =	vmul.f32 v13, v12;
	[tilespmem:$0x1FF90] =	vst v62;
	v62 =	vld [tilespmem:$0x142F0]  }
0x167: {  	v7 =	vld [tilespmem:$0x14540];
	[tilespmem:$0x14740] =	vst v2;
	v2 =	vmul.f32 v15, v14  }
0x168: {  	v8 =	vld [tilespmem:$0x14240];
	[tilespmem:$0x14750] =	vst v4;
	v4 =	vmul.f32 v17, v16  }
0x169: {  	v9 =	vld [tilespmem:$0x14550];
	[tilespmem:$0x14760] =	vst v2  }
0x16a: {  	v10 =	vld [tilespmem:$0x14250];
	v2 =	vmul.f32 v19, v18;
	[tilespmem:$0x14770] =	vst v4  }
0x16b: {  	v11 =	vld [tilespmem:$0x14560];
	v4 =	vmul.f32 v21, v20;
	[tilespmem:$0x1FFA0] =	vst v62  }
0x16c: {  	v12 =	vld [tilespmem:$0x14260];
	[tilespmem:$0x14900] =	vst v2;
	v2 =	vmul.f32 v23, v22  }
0x16d: {  	v62 =	vld [tilespmem:$0x14500];
	[tilespmem:$0x14910] =	vst v4;
	v4 =	vmul.f32 v25, v24  }
0x16e: {  	v13 =	vld [tilespmem:$0x14570];
	[tilespmem:$0x14920] =	vst v2;
	v2 =	vmul.f32 v27, v26  }
0x16f: {  	v14 =	vld [tilespmem:$0x14270];
	[tilespmem:$0x14930] =	vst v4;
	v4 =	vmul.f32 v29, v28  }
0x170: {  	v15 =	vld [tilespmem:$0x14580];
	[tilespmem:$0x14940] =	vst v2  }
0x171: {  	v16 =	vld [tilespmem:$0x14280];
	v2 =	vmul.f32 v31, v30;
	[tilespmem:$0x14950] =	vst v4  }
0x172: {  	v17 =	vld [tilespmem:$0x14590];
	v4 =	vmul.f32 v33, v32;
	[tilespmem:$0x1FFB0] =	vst v62  }
0x173: {  	v62 =	vld [tilespmem:$0x14200];
	[tilespmem:$0x14960] =	vst v2;
	v2 =	vmul.f32 v35, v34  }
0x174: {  	v18 =	vld [tilespmem:$0x14290];
	[tilespmem:$0x14970] =	vst v4;
	v4 =	vmul.f32 v37, v36  }
0x175: {  	v19 =	vld [tilespmem:$0x145A0];
	[tilespmem:$0x14780] =	vst v2;
	v2 =	vmul.f32 v39, v38  }
0x176: {  	v20 =	vld [tilespmem:$0x142A0];
	[tilespmem:$0x14790] =	vst v4  }
0x177: {  	v21 =	vld [tilespmem:$0x145B0];
	[tilespmem:$0x147A0] =	vst v2;
	v2 =	vmul.f32 v43, v42  }
0x178: {  	v22 =	vld [tilespmem:$0x142B0];
	v4 =	vmul.f32 v41, v40;
	[tilespmem:$0x1FFC0] =	vst v62  }
0x179: {  	v23 =	vld [tilespmem:$0x145C0];
	[tilespmem:$0x147C0] =	vst v2;
	v2 =	vmul.f32 v47, v46  }
0x17a: {  	v24 =	vld [tilespmem:$0x142C0];
	[tilespmem:$0x147B0] =	vst v4;
	v4 =	vmul.f32 v45, v44  }
0x17b: {  	v25 =	vld [tilespmem:$0x145D0];
	[tilespmem:$0x147E0] =	vst v2;
	v2 =	vmul.f32 v51, v50  }
0x17c: {  	v26 =	vld [tilespmem:$0x142D0];
	[tilespmem:$0x147D0] =	vst v4;
	v4 =	vmul.f32 v49, v48  }
0x17d: {  	v27 =	vld [tilespmem:$0x145E0];
	[tilespmem:$0x14980] =	vst v2;
	v2 =	vmul.f32 v55, v54  }
0x17e: {  	v28 =	vld [tilespmem:$0x142E0];
	[tilespmem:$0x147F0] =	vst v4;
	v4 =	vmul.f32 v53, v52  }
0x17f: {  	v62 =	vld [tilespmem:$0x14510];
	[tilespmem:$0x149A0] =	vst v2;
	v2 =	vmul.f32 v59, v58  }
0x180: {  	v29 =	vld [tilespmem:$0x145F0];
	[tilespmem:$0x14990] =	vst v4  }
0x181: {  	v4 =	vmul.f32 v57, v56;
	[tilespmem:$0x149C0] =	vst v2;
	v2 =	vld [tilespmem:$0x1FF80]  }
0x182: {  	v40 =	vld [tilespmem:$0x14210]  }
0x183: {  	v41 =	vld [tilespmem:$0x1FFA0];
	[tilespmem:$0x149B0] =	vst v4;
	v4 =	vmul.f32 v61, v60  }
0x184: {  	[tilespmem:$0x1FFD0] =	vst v62;
	v62 =	vld [tilespmem:$0x14210]  }
0x185: {  	[tilespmem:$0x149D0] =	vst v4;
	v4 =	vld [tilespmem:$0x1FF90]  }
0x186: {  	v42 =	vld [tilespmem:$0x14620];
	v2 =	vmul.f32 v63, v2  }
0x187: {  	v43 =	vld [tilespmem:$0x1FFC0]  }
0x188: {  	[tilespmem:$0x149E0] =	vst v2;
	v2 =	vld [tilespmem:$0x1FFB0]  }
0x189: {  	[tilespmem:$0x1FFE0] =	vst v62;
	v62 =	vld [tilespmem:$0x14520]  }
0x18a: {  	v44 =	vld [tilespmem:$0x14220];
	v4 =	vmul.f32 v41, v4  }
0x18b: {  	v45 =	vld [tilespmem:$0x1FFE0]  }
0x18c: {  	[tilespmem:$0x149F0] =	vst v4;
	v4 =	vld [tilespmem:$0x1FFD0]  }
0x18d: {  	v46 =	vld [tilespmem:$0x14630];
	v2 =	vmul.f32 v43, v2  }
0x18e: {  	v47 =	vld [tilespmem:$0x14660];
	[tilespmem:$0x1FFF0] =	vst v62  }
0x18f: {  	[tilespmem:$0x14800] =	vst v2;
	v2 =	vld [tilespmem:$0x1FFF0]  }
0x190: {  	v48 =	vld [tilespmem:$0x14260]  }
0x191: {  	v49 =	vld [tilespmem:$0x14670];
	v4 =	vmul.f32 v45, v4  }
0x192: {  	v50 =	vld [tilespmem:$0x14270]  }
0x193: {  	v51 =	vld [tilespmem:$0x14680];
	[tilespmem:$0x14810] =	vst v4;
	v4 =	vmul.f32 v6, v5  }
0x194: {  	v52 =	vld [tilespmem:$0x14280];
	v2 =	vmul.f32 v3, v2  }
0x195: {  	v53 =	vld [tilespmem:$0x14690];
	[tilespmem:$0x14830] =	vst v4;
	v4 =	vmul.f32 v10, v9  }
0x196: {  	v55 =	vld [tilespmem:$0x142F0];
	[tilespmem:$0x14820] =	vst v2;
	v2 =	vmul.f32 v8, v7  }
0x197: {  	v57 =	vld [tilespmem:$0x14600];
	[tilespmem:$0x14850] =	vst v4;
	v4 =	vmul.f32 v14, v13  }
0x198: {  	v54 =	vld [tilespmem:$0x14290];
	[tilespmem:$0x14840] =	vst v2;
	v2 =	vmul.f32 v12, v11  }
0x199: {  	v56 =	vld [tilespmem:$0x142A0];
	[tilespmem:$0x14870] =	vst v4;
	v4 =	vmul.f32 v18, v17  }
0x19a: {  	v3 =	vld [tilespmem:$0x14230];
	[tilespmem:$0x14860] =	vst v2;
	v2 =	vmul.f32 v16, v15  }
0x19b: {  	v59 =	vld [tilespmem:$0x14200];
	[tilespmem:$0x14A10] =	vst v4;
	v4 =	vmul.f32 v22, v21  }
0x19c: {  	v58 =	vld [tilespmem:$0x142B0];
	[tilespmem:$0x14A00] =	vst v2;
	v2 =	vmul.f32 v20, v19  }
0x19d: {  	v7 =	vld [tilespmem:$0x14650];
	[tilespmem:$0x14A30] =	vst v4;
	v4 =	vmul.f32 v26, v25  }
0x19e: {  	v8 =	vld [tilespmem:$0x14250];
	[tilespmem:$0x14A20] =	vst v2;
	v2 =	vmul.f32 v24, v23  }
0x19f: {  	v62 =	vld [tilespmem:$0x14610];
	v3 =	vmul.f32 v3, v46;
	[tilespmem:$0x14A50] =	vst v4  }
0x1a0: {  	v5 =	vld [tilespmem:$0x14640];
	[tilespmem:$0x14A40] =	vst v2;
	v2 =	vmul.f32 v28, v27  }
0x1a1: {  	v6 =	vld [tilespmem:$0x14240];
	v4 =	vmul.f32 v55, v29;
	[tilespmem:$0x148B0] =	vst v3  }
0x1a2: {  	v60 =	vld [tilespmem:$0x146F0];
	[tilespmem:$0x14A60] =	vst v2;
	v2 =	vmul.f32 v59, v57  }
0x1a3: {  	v61 =	vld [tilespmem:$0x142F0];
	v3 =	vmul.f32 v8, v7;
	[tilespmem:$0x14A70] =	vst v4  }
0x1a4: {  	v55 =	vld [tilespmem:$0x146A0];
	[tilespmem:$0x14880] =	vst v2;
	v2 =	vmul.f32 v44, v42  }
0x1a5: {  	v7 =	vld [tilespmem:$0x142D0];
	v4 =	vmul.f32 v40, v62;
	[tilespmem:$0x148D0] =	vst v3  }
0x1a6: {  	v57 =	vld [tilespmem:$0x146B0];
	[tilespmem:$0x148A0] =	vst v2;
	v2 =	vmul.f32 v6, v5  }
0x1a7: {  	v3 =	vmul.f32 v50, v49;
	[tilespmem:$0x14890] =	vst v4;
	v4 =	vld [tilespmem:$0x146C0]  }
0x1a8: {  	v6 =	vld [tilespmem:$0x146D0];
	[tilespmem:$0x148C0] =	vst v2;
	v2 =	vmul.f32 v48, v47  }
0x1a9: {  	[tilespmem:$0x148F0] =	vst v3;
	v3 =	vmul.f32 v54, v53;
	v5 =	vld [tilespmem:$0x142C0]  }
0x1aa: {  	v8 =	vld [tilespmem:$0x146E0];
	[tilespmem:$0x148E0] =	vst v2;
	v2 =	vmul.f32 v52, v51  }
0x1ab: {  	[tilespmem:$0x14A90] =	vst v3;
	v59 =	vld [tilespmem:$0x142E0];
	v3 =	vmul.f32 v58, v57  }
0x1ac: {  	[tilespmem:$0x14A80] =	vst v2;
	v2 =	vmul.f32 v56, v55  }
0x1ad: {  	[tilespmem:$0x14AB0] =	vst v3;
	v3 =	vmul.f32 v7, v6  }
0x1ae: {  	[tilespmem:$0x14AA0] =	vst v2;
	v2 =	vmul.f32 v5, v4  }
0x1af: {  	s19 =	sshll.u32 s10, $0x8;
	[tilespmem:$0x14AD0] =	vst v3;
	v3 =	vmul.f32 v61, v60  }
0x1b0: {  	s0 =	sadd.s32 s13, s19;
	[tilespmem:$0x14AC0] =	vst v2;
	v2 =	vmul.f32 v59, v8  }
0x1b1: {  	s10 =	sshrl.u32 s0, $0x3;
	s21 =	rddreg [dreg:$0x3];
	[tilespmem:$0x14AF0] =	vst v3  }
0x1b2: {  	s22 =	simm.s32 $0x14700;
	s0 =	sadd.s32 s21, s10;
	[tilespmem:$0x14AE0] =	vst v2  }
0x1b3: {  	[hbm4b:s0+s20] =	stream.strided.scatter [tilespmem:s22], [sflag:$0x3], $0x400, s18, s20, $0x38;
	[tilespmem:$0x14F00] =	vst v63  }
0x1b4: {  	_ =	swait.ge [sflag:s2], $0x8000  }
0x1b5: {  	p2 =	seq.s32 s8, $0xF;
	[sflag:s2] =	ssyncset.done $0x0  }
0x1b6: {  	s0 =	sadd.s32 @!p2 s9, s14;
	[sflag:s2] =	ssyncadd.s32 $0xFFFF8000  }
0x1b7: {  	s3 =	simm.s32 @!p2 $0x400;
	s0 =	sshrl.u32 @!p2 s0, $0x3;
	s1 =	rddreg [dreg:$0x0]  }
0x1b8: {  	s4 =	simm.s32 @!p2 $0x4000;
	s0 =	sadd.s32 @!p2 s1, s0;
	s1 =	simm.s32 @!p2 $0x200  }
0x1b9: {  	[tilespmem:s4], [sflag:$0x1] =	stream.strided.gather @!p2 [hbm4b:s0+s1], $0x8000, s3, s1, $0x38;
	[tilespmem:$0x14F00] =	vst v63  }
0x1ba: {  	[tilespmem:$0x14300] =	vst v0  }
0x1bb: {  	[tilespmem:$0x14310] =	vst v0  }
0x1bc: {  	[tilespmem:$0x14320] =	vst v0  }
0x1bd: {  	[tilespmem:$0x14330] =	vst v0  }
0x1be: {  	[tilespmem:$0x14340] =	vst v0  }
0x1bf: {  	[tilespmem:$0x14350] =	vst v0  }
0x1c0: {  	[tilespmem:$0x14360] =	vst v0  }
0x1c1: {  	[tilespmem:$0x14370] =	vst v0  }
0x1c2: {  	[tilespmem:$0x14380] =	vst v0  }
0x1c3: {  	[tilespmem:$0x14390] =	vst v0  }
0x1c4: {  	[tilespmem:$0x143A0] =	vst v0  }
0x1c5: {  	[tilespmem:$0x143B0] =	vst v0  }
0x1c6: {  	[tilespmem:$0x143C0] =	vst v0  }
0x1c7: {  	[tilespmem:$0x143D0] =	vst v0  }
0x1c8: {  	[tilespmem:$0x143E0] =	vst v0  }
0x1c9: {  	[tilespmem:$0x143F0] =	vst v0  }
0x1ca: {  	[tilespmem:$0x14400] =	vst v0  }
0x1cb: {  	[tilespmem:$0x14410] =	vst v0  }
0x1cc: {  	[tilespmem:$0x14420] =	vst v0  }
0x1cd: {  	[tilespmem:$0x14430] =	vst v0  }
0x1ce: {  	[tilespmem:$0x14440] =	vst v0  }
0x1cf: {  	[tilespmem:$0x14450] =	vst v0  }
0x1d0: {  	[tilespmem:$0x14460] =	vst v0  }
0x1d1: {  	[tilespmem:$0x14470] =	vst v0  }
0x1d2: {  	[tilespmem:$0x14480] =	vst v0  }
0x1d3: {  	[tilespmem:$0x14490] =	vst v0  }
0x1d4: {  	[tilespmem:$0x144A0] =	vst v0  }
0x1d5: {  	[tilespmem:$0x144B0] =	vst v0  }
0x1d6: {  	[tilespmem:$0x144C0] =	vst v0  }
0x1d7: {  	[tilespmem:$0x144D0] =	vst v0  }
0x1d8: {  	[tilespmem:$0x144E0] =	vst v0  }
0x1d9: {  	[tilespmem:$0x144F0] =	vst v0  }
0x1da: {  	[tilespmem:$0x14500] =	vst v0  }
0x1db: {  	[tilespmem:$0x14510] =	vst v0  }
0x1dc: {  	[tilespmem:$0x14520] =	vst v0  }
0x1dd: {  	[tilespmem:$0x14530] =	vst v0  }
0x1de: {  	[tilespmem:$0x14540] =	vst v0  }
0x1df: {  	[tilespmem:$0x14550] =	vst v0  }
0x1e0: {  	[tilespmem:$0x14560] =	vst v0  }
0x1e1: {  	[tilespmem:$0x14570] =	vst v0  }
0x1e2: {  	[tilespmem:$0x14580] =	vst v0  }
0x1e3: {  	[tilespmem:$0x14590] =	vst v0  }
0x1e4: {  	[tilespmem:$0x145A0] =	vst v0  }
0x1e5: {  	[tilespmem:$0x145B0] =	vst v0  }
0x1e6: {  	[tilespmem:$0x145C0] =	vst v0  }
0x1e7: {  	[tilespmem:$0x145D0] =	vst v0  }
0x1e8: {  	[tilespmem:$0x145E0] =	vst v0  }
0x1e9: {  	[tilespmem:$0x145F0] =	vst v0  }
0x1ea: {  	[tilespmem:$0x14600] =	vst v0  }
0x1eb: {  	[tilespmem:$0x14610] =	vst v0  }
0x1ec: {  	[tilespmem:$0x14620] =	vst v0  }
0x1ed: {  	[tilespmem:$0x14630] =	vst v0  }
0x1ee: {  	[tilespmem:$0x14640] =	vst v0  }
0x1ef: {  	[tilespmem:$0x14650] =	vst v0  }
0x1f0: {  	[tilespmem:$0x14660] =	vst v0  }
0x1f1: {  	[tilespmem:$0x14670] =	vst v0  }
0x1f2: {  	[tilespmem:$0x14680] =	vst v0  }
0x1f3: {  	[tilespmem:$0x14690] =	vst v0  }
0x1f4: {  	[tilespmem:$0x146A0] =	vst v0  }
0x1f5: {  	[tilespmem:$0x146B0] =	vst v0  }
0x1f6: {  	s25 =	simm.s32 $0x0;
	[tilespmem:$0x146C0] =	vst v0  }
0x1f7: {  	s31 =	sand.u32 $0x60, s25;
	[tilespmem:$0x146D0] =	vst v0  }
0x1f8: {  	s11 =	sand.u32 $0x1F80, s25;
	s9 =	sor.u32 $0x10, s31;
	[tilespmem:$0x146E0] =	vst v0  }
0x1f9: {  	s4 =	sor.u32 s9, s11;
	[tilespmem:$0x146F0] =	vst v0  }
0x1fa: {  	s6 =	sand.u32 $0x7E00, s25;
	v5 =	vld [tilespmem:s4+$0x0]  }
0x1fb: {  	s16 =	sadd.s32 $0xC000, s6  }
0x1fc: {  	s3 =	sor.u32 s9, s16  }
0x1fd: {  	s19 =	simm.s32 $0x0;
	v3 =	vld [tilespmem:s3+$0x0]  }
0x1fe: {  	v2 =	vld [tilespmem:s19+$0x0];
	_ =	sdelay $0x1  }
0x1ff: {  	s1 =	sor.u32 s31, s16  }
0x200: {  	v4 =	vld [tilespmem:s1+$0x0]  }
0x201: {  	[tilespmem:v5+s26+$0x0] =	vst.idx.add.f32.msk $0xffff, v3  }
0x202: {  	v3 =	vld [tilespmem:s3+$0x80];
	_ =	sdelay $0x1  }
0x203: {  	s21 =	simm.s32 $0x20  }
0x204: {  	s22 =	sand.u32 $0x60, s21;
	[tilespmem:v2+s26+$0x0] =	vst.idx.add.f32.msk $0xffff, v4  }
0x205: {  	s11 =	sor.u32 $0x10, s22;
	s4 =	sand.u32 $0x1F80, s21;
	v7 =	vld [tilespmem:s1+$0x80]  }
0x206: {  	s4 =	sor.u32 s11, s4;
	[tilespmem:v5+s28+$0x0] =	vst.idx.add.f32.msk $0xffff, v3  }
0x207: {  	s9 =	simm.s32 $0x80;
	v3 =	vld [tilespmem:s4+$0x0]  }
0x208: {  	s0 =	sand.u32 $0x3, s25;
	s16 =	simm.s32 $0x20;
	s25 =	sand.u32 $0x7E00, s9;
	v6 =	vld [tilespmem:s3+$0x100]  }
0x209: {  	v4 =	vld [tilespmem:s16+$0x0];
	s3 =	sadd.s32 $0xC000, s25  }
0x20a: {  	s0 =	sshll.u32 s0, $0x5;
	[tilespmem:v2+s28+$0x0] =	vst.idx.add.f32.msk $0xffff, v7;
	s19 =	sor.u32 s11, s3  }
0x20b: {  	s0 =	sadd.s32 $0x0, s0;
	s16 =	sor.u32 s22, s3;
	v8 =	vld [tilespmem:s19+$0x0]  }
0x20c: {  	s31 =	sadd.s32 $0x10, s0;
	v62 =	vld [tilespmem:s16+$0x0]  }
0x20d: {  	s4 =	sor.u32 $0x180, s31;
	[tilespmem:v5+s29+$0x0] =	vst.idx.add.f32.msk $0xffff, v6  }
0x20e: {  	v6 =	vld [tilespmem:s4+$0xC000]  }
0x20f: {  	v63 =	vld [tilespmem:s1+$0x100]  }
0x210: {  	[tilespmem:v3+s26+$0x0] =	vst.idx.add.f32.msk $0xffff, v8  }
0x211: {  	[tilespmem:v4+s26+$0x0] =	vst.idx.add.f32.msk $0xffff, v62  }
0x212: {  	v7 =	vld [tilespmem:s19+$0x80]  }
0x213: {  	[tilespmem:v5+s30+$0x0] =	vst.idx.add.f32.msk $0xffff, v6  }
0x214: {  	v6 =	vld [tilespmem:s16+$0x80]  }
0x215: {  	s21 =	simm.s32 $0x1;
	s0 =	sor.u32 $0x180, s0;
	[tilespmem:v2+s29+$0x0] =	vst.idx.add.f32.msk $0xffff, v63  }
0x216: {  	s1 =	simm.s32 $0x80;
	s11 =	simm.s32 $0x2;
	s4 =	simm.s32 $0x40;
	v5 =	vld [tilespmem:s0+$0xC000]  }
.LBB2_7:
0x217: {  	s0 =	sand.u32 $0x60, s4;
	s3 =	sand.u32 $0x3, s21;
	[tilespmem:v3+s28+$0x0] =	vst.idx.add.f32.msk $0xffff, v7;
	s9 =	sadd.s32 $0x80, s9  }
0x218: {  	s22 =	sand.u32 $0x1F80, s4;
	s11 =	sadd.s32 $0x2, s11;
	s6 =	sor.u32 $0x10, s0;
	v7 =	vld [tilespmem:s19+$0x100]  }
0x219: {  	s19 =	sand.u32 $0x7E00, s9;
	p2 =	slt.u32 s11, $0x1FE;
	s22 =	sor.u32 s6, s22;
	[tilespmem:v4+s28+$0x0] =	vst.idx.add.f32.msk $0xffff, v6  }
0x21a: {  	s25 =	sshra.s32 s9, $0x2;
	s3 =	sshll.u32 s3, $0x5;
	s19 =	sadd.s32 $0xC000, s19;
	v6 =	vld [tilespmem:s22+$0x0]  }
0x21b: {  	s1 =	sadd.s32 s3, s1;
	s0 =	sor.u32 s0, s19;
	s19 =	sor.u32 s6, s19;
	v8 =	vld [tilespmem:s25+$0x0]  }
0x21c: {  	s3 =	sor.u32 $0x180, s1;
	s6 =	sadd.s32 $0x10, s1;
	s1 =	smov.u32 s9;
	v9 =	vld [tilespmem:s19+$0x0]  }
0x21d: {  	s6 =	sor.u32 $0x180, s6;
	[tilespmem:v3+s29+$0x0] =	vst.idx.add.f32.msk $0xffff, v7  }
0x21e: {  	v7 =	vld [tilespmem:s6+$0xC000]  }
0x21f: {  	v10 =	vld [tilespmem:s0+$0x0]  }
0x220: {  	v11 =	vld [tilespmem:s16+$0x100];
	s16 =	smov.u32 s0  }
0x221: {  	[tilespmem:v2+s30+$0x0] =	vst.idx.add.f32.msk $0xffff, v5;
	v2 =	vmov v4;
	v4 =	vmov v8  }
0x222: {  	[tilespmem:v6+s26+$0x0] =	vst.idx.add.f32.msk $0xffff, v9  }
0x223: {  	[tilespmem:v3+s30+$0x0] =	vst.idx.add.f32.msk $0xffff, v7;
	v3 =	vmov v6  }
.Ltmp2:
0x224: {  	v7 =	vld [tilespmem:s19+$0x80];
	(pc) =	sbr.rel @p2 .LBB2_7-.Ltmp2, $4  }
0x225: {  	[tilespmem:v8+s26+$0x0] =	vst.idx.add.f32.msk $0xffff, v10  }
0x226: {  	v6 =	vld [tilespmem:s16+$0x80]  }
0x227: {  	[tilespmem:v2+s29+$0x0] =	vst.idx.add.f32.msk $0xffff, v11  }
0x228: {  	s4 =	sadd.s32 $0x20, s4;
	s21 =	sadd.s32 $0x1, s21;
	v5 =	vld [tilespmem:s3+$0xC000]  }
0x229: {  	_ =	sdelay $0x3  }
0x22a: {  	[tilespmem:v3+s28+$0x0] =	vst.idx.add.f32.msk $0xffff, v7  }
0x22b: {  	v7 =	vld [tilespmem:s19+$0x100]  }
0x22c: {  	s0 =	sand.u32 $0x3, s21;
	[tilespmem:v4+s28+$0x0] =	vst.idx.add.f32.msk $0xffff, v6  }
0x22d: {  	s0 =	sshll.u32 s0, $0x5;
	v6 =	vld [tilespmem:s16+$0x100]  }
0x22e: {  	s0 =	sadd.s32 s0, s1  }
0x22f: {  	s1 =	sadd.s32 $0x10, s0  }
0x230: {  	s1 =	sor.u32 $0x180, s1;
	[tilespmem:v3+s29+$0x0] =	vst.idx.add.f32.msk $0xffff, v7  }
0x231: {  	v7 =	vld [tilespmem:s1+$0xC000]  }
0x232: {  	s0 =	sor.u32 $0x180, s0;
	[tilespmem:v4+s29+$0x0] =	vst.idx.add.f32.msk $0xffff, v6  }
0x233: {  	v6 =	vld [tilespmem:s0+$0xC000];
	_ =	sdelay $0x2  }
0x234: {  	[tilespmem:v2+s30+$0x0] =	vst.idx.add.f32.msk $0xffff, v5  }
0x235: {  	[tilespmem:v3+s30+$0x0] =	vst.idx.add.f32.msk $0xffff, v7  }
0x236: {  	s0 =	simm.s32 @!p1 $0x4;
	[tilespmem:v4+s30+$0x0] =	vst.idx.add.f32.msk $0xffff, v6  }
0x237: {  	_ =	swait.ge @!p1 [sflag:s0], $0x400  }
0x238: {  	[sflag:s0] =	ssyncset.done @!p1 $0x0  }
0x239: {  	[sflag:s0] =	ssyncadd.s32 @!p1 $0xFFFFFC00  }
0x23a: {  	v2 =	vld [tilespmem:$0x14300]  }
0x23b: {  	v3 =	vld [tilespmem:$0x14200]  }
0x23c: {  	v4 =	vld [tilespmem:$0x14310]  }
0x23d: {  	v5 =	vld [tilespmem:$0x14210]  }
0x23e: {  	v6 =	vld [tilespmem:$0x14320]  }
0x23f: {  	v7 =	vld [tilespmem:$0x14220]  }
0x240: {  	v8 =	vld [tilespmem:$0x14330]  }
0x241: {  	v9 =	vld [tilespmem:$0x14230]  }
0x242: {  	v10 =	vld [tilespmem:$0x14340]  }
0x243: {  	v11 =	vld [tilespmem:$0x14240]  }
0x244: {  	v12 =	vld [tilespmem:$0x14350]  }
0x245: {  	v13 =	vld [tilespmem:$0x14250]  }
0x246: {  	v14 =	vld [tilespmem:$0x14360]  }
0x247: {  	v15 =	vld [tilespmem:$0x14260]  }
0x248: {  	v16 =	vld [tilespmem:$0x14370]  }
0x249: {  	v17 =	vld [tilespmem:$0x14270]  }
0x24a: {  	v18 =	vld [tilespmem:$0x14380]  }
0x24b: {  	v19 =	vld [tilespmem:$0x14280]  }
0x24c: {  	v20 =	vld [tilespmem:$0x14390]  }
0x24d: {  	v21 =	vld [tilespmem:$0x14290]  }
0x24e: {  	v22 =	vld [tilespmem:$0x143A0]  }
0x24f: {  	v23 =	vld [tilespmem:$0x142A0]  }
0x250: {  	v24 =	vld [tilespmem:$0x143B0]  }
0x251: {  	v25 =	vld [tilespmem:$0x142B0]  }
0x252: {  	v26 =	vld [tilespmem:$0x143C0]  }
0x253: {  	v27 =	vld [tilespmem:$0x142C0]  }
0x254: {  	v28 =	vld [tilespmem:$0x143D0]  }
0x255: {  	v29 =	vld [tilespmem:$0x142D0]  }
0x256: {  	v30 =	vld [tilespmem:$0x143E0]  }
0x257: {  	v31 =	vld [tilespmem:$0x142E0]  }
0x258: {  	v32 =	vld [tilespmem:$0x143F0]  }
0x259: {  	v33 =	vld [tilespmem:$0x142F0]  }
0x25a: {  	v34 =	vld [tilespmem:$0x14400]  }
0x25b: {  	v35 =	vld [tilespmem:$0x14200]  }
0x25c: {  	v36 =	vld [tilespmem:$0x14410]  }
0x25d: {  	v37 =	vld [tilespmem:$0x14210]  }
0x25e: {  	v38 =	vld [tilespmem:$0x14420]  }
0x25f: {  	v39 =	vld [tilespmem:$0x14220]  }
0x260: {  	v40 =	vld [tilespmem:$0x14430]  }
0x261: {  	v41 =	vld [tilespmem:$0x14230]  }
0x262: {  	v42 =	vld [tilespmem:$0x14440]  }
0x263: {  	v43 =	vld [tilespmem:$0x14240]  }
0x264: {  	v44 =	vld [tilespmem:$0x14450]  }
0x265: {  	v45 =	vld [tilespmem:$0x14250]  }
0x266: {  	v46 =	vld [tilespmem:$0x14460]  }
0x267: {  	v47 =	vld [tilespmem:$0x14260]  }
0x268: {  	v48 =	vld [tilespmem:$0x14470]  }
0x269: {  	v49 =	vld [tilespmem:$0x14270]  }
0x26a: {  	v50 =	vld [tilespmem:$0x14480]  }
0x26b: {  	v51 =	vld [tilespmem:$0x14280]  }
0x26c: {  	v52 =	vld [tilespmem:$0x14490]  }
0x26d: {  	v53 =	vld [tilespmem:$0x14290]  }
0x26e: {  	v54 =	vld [tilespmem:$0x144A0]  }
0x26f: {  	v55 =	vld [tilespmem:$0x142A0]  }
0x270: {  	v56 =	vld [tilespmem:$0x144B0]  }
0x271: {  	v57 =	vld [tilespmem:$0x142B0]  }
0x272: {  	v58 =	vld [tilespmem:$0x144C0]  }
0x273: {  	v62 =	vld [tilespmem:$0x144E0]  }
0x274: {  	v59 =	vld [tilespmem:$0x142C0]  }
0x275: {  	v60 =	vld [tilespmem:$0x144D0]  }
0x276: {  	v61 =	vld [tilespmem:$0x142D0]  }
0x277: {  	v63 =	vld [tilespmem:$0x142E0]  }
0x278: {  	[tilespmem:$0x1FF00] =	vst v62;
	v62 =	vld [tilespmem:$0x144F0];
	v2 =	vmul.f32 v3, v2  }
0x279: {  	v3 =	vld [tilespmem:$0x14220];
	v13 =	vmul.f32 v13, v12  }
0x27a: {  	v4 =	vmul.f32 v5, v4;
	v5 =	vld [tilespmem:$0x14530];
	v17 =	vmul.f32 v17, v16;
	[tilespmem:$0x14B00] =	vst v2  }
0x27b: {  	v12 =	vld [tilespmem:$0x14260];
	v2 =	vmul.f32 v7, v6;
	[tilespmem:$0x14B50] =	vst v13  }
0x27c: {  	v21 =	vmul.f32 v21, v20;
	v16 =	vld [tilespmem:$0x14280];
	[tilespmem:$0x14B70] =	vst v17  }
0x27d: {  	v20 =	vld [tilespmem:$0x142A0];
	[tilespmem:$0x14B20] =	vst v2;
	v2 =	vmul.f32 v11, v10  }
0x27e: {  	v25 =	vmul.f32 v25, v24;
	v24 =	vld [tilespmem:$0x142C0];
	[tilespmem:$0x14D10] =	vst v21  }
0x27f: {  	v29 =	vmul.f32 v29, v28;
	v28 =	vld [tilespmem:$0x142E0];
	[tilespmem:$0x14B40] =	vst v2;
	v2 =	vmul.f32 v15, v14  }
0x280: {  	v33 =	vmul.f32 v33, v32;
	v32 =	vld [tilespmem:$0x14200];
	[tilespmem:$0x14D30] =	vst v25  }
0x281: {  	v37 =	vmul.f32 v37, v36;
	v36 =	vld [tilespmem:$0x14220];
	[tilespmem:$0x14B60] =	vst v2;
	v2 =	vmul.f32 v19, v18  }
0x282: {  	v41 =	vmul.f32 v41, v40;
	v40 =	vld [tilespmem:$0x14260];
	[tilespmem:$0x1FF10] =	vst v62  }
0x283: {  	v62 =	vld [tilespmem:$0x142F0];
	[tilespmem:$0x14D00] =	vst v2;
	v2 =	vmul.f32 v23, v22  }
0x284: {  	v6 =	vld [tilespmem:$0x14230];
	[tilespmem:$0x14D50] =	vst v29  }
0x285: {  	v7 =	vld [tilespmem:$0x14540];
	[tilespmem:$0x14D20] =	vst v2;
	v2 =	vmul.f32 v27, v26  }
0x286: {  	v13 =	vld [tilespmem:$0x14570];
	[tilespmem:$0x14D70] =	vst v33  }
0x287: {  	v17 =	vld [tilespmem:$0x14590];
	[tilespmem:$0x14D40] =	vst v2;
	v2 =	vmul.f32 v31, v30  }
0x288: {  	v45 =	vmul.f32 v45, v44;
	v21 =	vld [tilespmem:$0x145B0];
	[tilespmem:$0x1FF20] =	vst v62  }
0x289: {  	v62 =	vld [tilespmem:$0x14500];
	[tilespmem:$0x14D60] =	vst v2;
	v2 =	vmul.f32 v35, v34  }
0x28a: {  	v48 =	vmul.f32 v49, v48;
	v25 =	vld [tilespmem:$0x145D0];
	[tilespmem:$0x14BD0] =	vst v45  }
0x28b: {  	v29 =	vld [tilespmem:$0x145F0];
	[tilespmem:$0x14B80] =	vst v2;
	v2 =	vmul.f32 v39, v38  }
0x28c: {  	[tilespmem:$0x14BF0] =	vst v48;
	v33 =	vld [tilespmem:$0x14610]  }
0x28d: {  	v45 =	vld [tilespmem:$0x14680];
	[tilespmem:$0x14BA0] =	vst v2;
	v2 =	vmul.f32 v43, v42  }
0x28e: {  	v49 =	vmul.f32 v53, v52;
	v48 =	vld [tilespmem:$0x14690];
	[tilespmem:$0x1FF30] =	vst v62  }
0x28f: {  	v62 =	vld [tilespmem:$0x14200];
	[tilespmem:$0x14BC0] =	vst v2;
	v2 =	vmul.f32 v47, v46  }
0x290: {  	[tilespmem:$0x14D90] =	vst v49;
	v49 =	vld [tilespmem:$0x14290]  }
0x291: {  	v11 =	vld [tilespmem:$0x14560];
	[tilespmem:$0x14BE0] =	vst v2;
	v2 =	vmul.f32 v51, v50  }
0x292: {  	v14 =	vld [tilespmem:$0x14270]  }
0x293: {  	v15 =	vld [tilespmem:$0x14580];
	[tilespmem:$0x14D80] =	vst v2;
	v2 =	vmul.f32 v55, v54  }
0x294: {  	v52 =	vld [tilespmem:$0x1FF10];
	[tilespmem:$0x1FF40] =	vst v62  }
0x295: {  	v62 =	vld [tilespmem:$0x14510];
	[tilespmem:$0x14DA0] =	vst v2;
	v2 =	vmul.f32 v59, v58  }
0x296: {  	v18 =	vld [tilespmem:$0x14290]  }
0x297: {  	[tilespmem:$0x14DC0] =	vst v2;
	v2 =	vld [tilespmem:$0x1FF00]  }
0x298: {  	v19 =	vld [tilespmem:$0x145A0]  }
0x299: {  	v22 =	vld [tilespmem:$0x142B0]  }
0x29a: {  	[tilespmem:$0x1FF50] =	vst v62;
	v62 =	vld [tilespmem:$0x14210]  }
0x29b: {  	v23 =	vld [tilespmem:$0x145C0]  }
0x29c: {  	v53 =	vld [tilespmem:$0x1FF20];
	v2 =	vmul.f32 v63, v2  }
0x29d: {  	v54 =	vld [tilespmem:$0x1FF40]  }
0x29e: {  	[tilespmem:$0x14DE0] =	vst v2;
	v2 =	vld [tilespmem:$0x1FF30]  }
0x29f: {  	[tilespmem:$0x1FF60] =	vst v62;
	v62 =	vld [tilespmem:$0x14520]  }
0x2a0: {  	v27 =	vld [tilespmem:$0x145E0]  }
0x2a1: {  	[tilespmem:$0x14B10] =	vst v4;
	v30 =	vld [tilespmem:$0x142F0]  }
0x2a2: {  	[tilespmem:$0x14B90] =	vst v37;
	v31 =	vld [tilespmem:$0x14600]  }
0x2a3: {  	[tilespmem:$0x14BB0] =	vst v41;
	v34 =	vld [tilespmem:$0x14210];
	v2 =	vmul.f32 v54, v2  }
0x2a4: {  	v41 =	vmul.f32 v18, v17;
	v35 =	vld [tilespmem:$0x14620];
	[tilespmem:$0x1FF70] =	vst v62  }
0x2a5: {  	v44 =	vmul.f32 v22, v21;
	[tilespmem:$0x14C00] =	vst v2;
	v2 =	vld [tilespmem:$0x1FF70]  }
0x2a6: {  	[tilespmem:$0x14E10] =	vst v41;
	v4 =	vmul.f32 v53, v52;
	v52 =	vld [tilespmem:$0x142A0]  }
0x2a7: {  	[tilespmem:$0x14E30] =	vst v44;
	v38 =	vmul.f32 v14, v13;
	v62 =	vmul.f32 v9, v8;
	v8 =	vld [tilespmem:$0x14240]  }
0x2a8: {  	[tilespmem:$0x14DF0] =	vst v4;
	v39 =	vld [tilespmem:$0x14660];
	v53 =	vmul.f32 v34, v33  }
0x2a9: {  	[tilespmem:$0x14C70] =	vst v38;
	v42 =	vld [tilespmem:$0x14670];
	v50 =	vmul.f32 v57, v56  }
0x2aa: {  	v43 =	vld [tilespmem:$0x14270];
	[tilespmem:$0x14C90] =	vst v53;
	v2 =	vmul.f32 v3, v2  }
0x2ab: {  	v47 =	vld [tilespmem:$0x142D0];
	v51 =	vmul.f32 v61, v60;
	[tilespmem:$0x14DB0] =	vst v50  }
0x2ac: {  	v46 =	vld [tilespmem:$0x14280];
	[tilespmem:$0x14C20] =	vst v2;
	v2 =	vmul.f32 v8, v7  }
0x2ad: {  	v57 =	vld [tilespmem:$0x14630];
	[tilespmem:$0x14DD0] =	vst v51;
	v50 =	vmul.f32 v30, v29  }
0x2ae: {  	v55 =	vld [tilespmem:$0x1FF50];
	[tilespmem:$0x14C40] =	vst v2;
	v2 =	vmul.f32 v12, v11  }
0x2af: {  	[tilespmem:$0x14E70] =	vst v50;
	v56 =	vld [tilespmem:$0x1FF60]  }
0x2b0: {  	v9 =	vld [tilespmem:$0x14550];
	[tilespmem:$0x14C60] =	vst v2;
	v2 =	vmul.f32 v16, v15  }
0x2b1: {  	v47 =	vmul.f32 v47, v25;
	[tilespmem:$0x14B30] =	vst v62;
	v62 =	vld [tilespmem:$0x14250]  }
0x2b2: {  	v60 =	vld [tilespmem:$0x14240];
	[tilespmem:$0x14E00] =	vst v2;
	v2 =	vmul.f32 v20, v19  }
0x2b3: {  	v51 =	vld [tilespmem:$0x146A0];
	v58 =	vmul.f32 v6, v5;
	[tilespmem:$0x14E50] =	vst v47  }
0x2b4: {  	v3 =	vld [tilespmem:$0x14230];
	[tilespmem:$0x14E20] =	vst v2;
	v2 =	vmul.f32 v24, v23  }
0x2b5: {  	[tilespmem:$0x14C30] =	vst v58;
	v63 =	vld [tilespmem:$0x14250];
	v4 =	vmul.f32 v56, v55  }
0x2b6: {  	v61 =	vmul.f32 v62, v9;
	v62 =	vld [tilespmem:$0x14650];
	[tilespmem:$0x14E40] =	vst v2;
	v2 =	vmul.f32 v28, v27  }
0x2b7: {  	v59 =	vld [tilespmem:$0x14640];
	[tilespmem:$0x14C10] =	vst v4  }
0x2b8: {  	v58 =	vld [tilespmem:$0x146D0];
	[tilespmem:$0x14E60] =	vst v2;
	v2 =	vmul.f32 v32, v31  }
0x2b9: {  	v55 =	vld [tilespmem:$0x142B0];
	[tilespmem:$0x14C50] =	vst v61;
	v3 =	vmul.f32 v3, v57  }
0x2ba: {  	v56 =	vld [tilespmem:$0x146C0];
	[tilespmem:$0x14C80] =	vst v2;
	v2 =	vmul.f32 v36, v35  }
0x2bb: {  	v54 =	vld [tilespmem:$0x146B0];
	[tilespmem:$0x14CB0] =	vst v3;
	v3 =	vmul.f32 v63, v62  }
0x2bc: {  	v61 =	vld [tilespmem:$0x142E0];
	[tilespmem:$0x14CA0] =	vst v2;
	v2 =	vmul.f32 v60, v59  }
0x2bd: {  	v57 =	vld [tilespmem:$0x142C0];
	[tilespmem:$0x14CD0] =	vst v3;
	v3 =	vmul.f32 v43, v42  }
0x2be: {  	v59 =	vld [tilespmem:$0x142D0];
	[tilespmem:$0x14CC0] =	vst v2;
	v2 =	vmul.f32 v40, v39  }
0x2bf: {  	v62 =	vld [tilespmem:$0x146F0];
	[tilespmem:$0x14CF0] =	vst v3;
	v3 =	vmul.f32 v49, v48  }
0x2c0: {  	v63 =	vld [tilespmem:$0x142F0];
	[tilespmem:$0x14CE0] =	vst v2;
	v2 =	vmul.f32 v46, v45  }
0x2c1: {  	[tilespmem:$0x14E90] =	vst v3;
	v3 =	vmul.f32 v55, v54;
	v60 =	vld [tilespmem:$0x146E0]  }
0x2c2: {  	[tilespmem:$0x14E80] =	vst v2;
	v2 =	vmul.f32 v52, v51  }
0x2c3: {  	s8 =	sadd.s32 $0x1, s8;
	[tilespmem:$0x14EB0] =	vst v3;
	v3 =	vmul.f32 v59, v58  }
0x2c4: {  	p1 =	sne.s32 s8, $0x10;
	[tilespmem:$0x14EA0] =	vst v2;
	v2 =	vmul.f32 v57, v56  }
.Ltmp3:
0x2c5: {  	[tilespmem:$0x14ED0] =	vst v3;
	v3 =	vmul.f32 v63, v62;
	(pc) =	sbr.rel @p1 .LBB2_4-.Ltmp3, $4  }
0x2c6: {  	[tilespmem:$0x14EC0] =	vst v2;
	v2 =	vmul.f32 v61, v60  }
0x2c7: {  	[tilespmem:$0x14EF0] =	vst v3  }
0x2c8: {  	s25 =	sadd.s32 s10, s15;
	s31 =	simm.s32 $0x14B00;
	[tilespmem:$0x14EE0] =	vst v2  }
0x2c9: {  	[hbm4b:s25+s20] =	stream.strided.scatter [tilespmem:s31], [sflag:$0x4], $0x400, s18, s20, $0x38;
	[tilespmem:$0x14F00] =	vst v63  }
0x2ca: {  	s0 =	simm.s32 $0x3  }
0x2cb: {  	_ =	swait.ge [sflag:s0], $0x400  }
0x2cc: {  	[sflag:s0] =	ssyncset.done $0x0  }
0x2cd: {  	s1 =	simm.s32 $0x4;
	[sflag:s0] =	ssyncadd.s32 $0xFFFFFC00  }
0x2ce: {  	_ =	swait.ge [sflag:s1], $0x400  }
0x2cf: {  	s3 =	rddreg [dreg:$0xc]  }
0x2d0: {  	s31 =	rddreg [dreg:$0xb];
	s3 =	sadd.s32 $0x1, s3  }
0x2d1: {  	p1 =	sne.s32 s3, s31  }
.Ltmp4:
0x2d2: {  	_ = 	snop;
	(pc) =	sbr.rel @p1 .LBB2_1-.Ltmp4, $3  }
0x2d3: {  	_ =	sdelay $0x1  }
0x2d4: {  	[sflag:s1] =	ssyncset.done $0x0  }
0x2d5: {  	[sflag:s1] =	ssyncadd.s32 $0xFFFFFC00  }
0x2d6: {  	_ =	sfence.sel $0x180000  }
0x2d7: {  	[bflag:$0x0] =	sbarrier.arrive $0xFFFF  }
0x2d8: {  	_ =	strace $0x90000047  }
0x2d9: {  	s0 =	stileid.u32;
	[bflag:$0x2] =	sbarrier.arrive $0xFFFF  }
0x2da: {  	p0 =	sne.s32 s0, $0x0;
	s0 =	rddreg [dreg:$0x5]  }
0x2db: {  	s0 =	sadd.s32 @!p0 $0x100000, s0  }
0x2dc: {  	[sflag:s0] =	ssyncadd.tile.s32 @!p0 $0x1;
	_ =	shalt  }
.Lfunc_end2:
_tile_overlayer_lowered:
.L_overlay_start_2:
0x2dd: {  	(tag) =	ssettag $0x2  }
0x2de: {  	s0 =	rddreg [dreg:$0x0];
	s2 =	stileid.u32  }
0x2df: {  	s1 =	rddreg [dreg:$0x1];
	p0 =	sne.s32 s2, $0x0  }
0x2e0: {  	s3 =	rddreg [dreg:$0x2];
	[bflag:$0x3] =	sbarrier.arrive $0xFFFF;
	s2 =	simm.s32 @!p0 $0x1C06  }
0x2e1: {  	[timem:s3], [sflag:s2] =	dma.local @!p0 [hbm:s0], s1  }
0x2e2: {  	s0 =	simm.s32 @!p0 $0x6  }
0x2e3: {  	_ =	swait.ge @!p0 [sflag:s0], s1  }
0x2e4: {  	s1 =	ssub.s32 @!p0 $0x0, s1;
	[sflag:s0] =	ssyncset.done @!p0 $0x0  }
0x2e5: {  	[sflag:s0] =	ssyncadd.s32 @!p0 s1  }
0x2e6: {  	[bflag:$0x3] =	sbarrier.arrive $0xFFFF  }
0x2e7: {  	_ =	shalt  }

</sc_bundles>
